<compile_context>
chip_gen: v7x
topology: tpu7x:2x2x1
jax: 0.10.2.dev20260603
libtpu: 0.0.44.dev20260713+nightly
codegen_flags: <defaults>
</compile_context>

<pallas_src>
import functools

import jax
import jax.numpy as jnp
from jax import lax
from jax.experimental import pallas as pl
from jax.experimental.pallas import tpu as pltpu
from jax.experimental.pallas import tpu_sc as plsc

N = 10000
E = 320000
CHUNK = 128
NC, NS = 2, 16
NW = NC * NS
CPW = 80
NCHUNK = NW * CPW
E_PAD = NCHUNK * CHUNK
SUP = 40
FAST_CORE = 1
GF, GS = 2, 2
ACC_ROWS = 10240
RPT = ACC_ROWS // NS

_mesh = plsc.VectorSubcoreMesh(core_axis_name="c", subcore_axis_name="s")


def _deg_body(dst_hbm, out_hbm, didx, rows, acc, ssem):
    c = lax.axis_index("c")
    s = lax.axis_index("s")
    zrow = jnp.zeros((16,), jnp.float32)
    onerow = jnp.full((16,), 1.0, jnp.float32)

    def zfill(i, _):
        for j in range(8):
            rows[i, pl.ds(j * 16, 16)] = zrow
        return 0

    lax.fori_loop(0, CHUNK, zfill, 0)
    for k in range(RPT // CHUNK):
        pltpu.sync_copy(rows, acc.at[pl.ds(s * RPT + k * CHUNK, CHUNK)])

    def ofill(i, _):
        for j in range(8):
            rows[i, pl.ds(j * 16, 16)] = onerow
        return 0

    lax.fori_loop(0, CHUNK, ofill, 0)
    plsc.subcore_barrier()

    base = (c * NS + s) * CPW
    pltpu.sync_copy(dst_hbm.at[pl.ds(base, CPW)], didx)

    LAG = 8

    def step(i, _):
        pltpu.async_copy(rows, acc.at[didx.at[i]], ssem, add=True)

        @pl.when(i >= LAG)
        def _():
            pltpu.make_async_copy(rows, acc.at[didx.at[i - LAG]], ssem).wait()

        return 0

    lax.fori_loop(0, CPW, step, 0)

    def drain(i, _):
        pltpu.make_async_copy(rows, acc.at[didx.at[CPW - LAG + i]], ssem).wait()
        return 0

    lax.fori_loop(0, LAG, drain, 0)
    plsc.subcore_barrier()
    r0 = s * RPT
    pltpu.sync_copy(acc.at[pl.ds(r0, RPT)], out_hbm.at[c, pl.ds(r0, RPT)])


_deg_kernel = functools.partial(
    pl.kernel,
    out_type=jax.ShapeDtypeStruct((NC, ACC_ROWS, 128), jnp.float32),
    mesh=_mesh,
    scratch_types=[
        pltpu.VMEM((CPW, CHUNK), jnp.int32),
        pltpu.VMEM((CHUNK, 128), jnp.float32),
        pltpu.VMEM_SHARED((ACC_ROWS, 128), jnp.float32),
        pltpu.SemaphoreType.DMA,
    ],
)(_deg_body)


def _agg_body(src_hbm, dst_hbm, g_hbm, out_hbm, sidxg, didxg, rows0, rows1,
              acc, gsem0, gsem1, ssem0, ssem1):
    c = lax.axis_index("c")
    s = lax.axis_index("s")
    zrow = jnp.zeros((16,), jnp.float32)

    def zfill(i, _):
        for j in range(8):
            rows0[i, pl.ds(j * 16, 16)] = zrow
        return 0

    lax.fori_loop(0, CHUNK, zfill, 0)
    for k in range(RPT // CHUNK):
        pltpu.sync_copy(rows0, acc.at[pl.ds(s * RPT + k * CHUNK, CHUNK)])
    plsc.subcore_barrier()

    is_fast = c == FAST_CORE
    ng = jnp.where(is_fast, GF, GS)
    gbase = jnp.where(is_fast, s * GF, NS * GF + s * GS)

    def group(t, _):
        off = (gbase + t) * SUP
        pltpu.sync_copy(src_hbm.at[pl.ds(off, SUP)], sidxg)
        pltpu.sync_copy(dst_hbm.at[pl.ds(off, SUP)], didxg)

        def issue_gather(j, rows, sem):
            pltpu.async_copy(g_hbm.at[sidxg.at[j, pl.ds(0, 64)]],
                             rows.at[pl.ds(0, 64)], sem)
            pltpu.async_copy(g_hbm.at[sidxg.at[j, pl.ds(64, 64)]],
                             rows.at[pl.ds(64, 64)], sem)

        issue_gather(0, rows0, gsem0)
        issue_gather(1, rows1, gsem1)

        def pair(k, _):
            j0 = 2 * k
            j1 = 2 * k + 1
            pltpu.make_async_copy(g_hbm.at[sidxg.at[j0]], rows0, gsem0).wait()
            pltpu.async_copy(rows0, acc.at[didxg.at[j0]], ssem0, add=True)
            pltpu.make_async_copy(g_hbm.at[sidxg.at[j1]], rows1, gsem1).wait()
            pltpu.async_copy(rows1, acc.at[didxg.at[j1]], ssem1, add=True)

            @pl.when(k < SUP // 2 - 1)
            def _():
                pltpu.make_async_copy(rows0, acc.at[didxg.at[j0]], ssem0).wait()
                issue_gather(j0 + 2, rows0, gsem0)
                pltpu.make_async_copy(rows1, acc.at[didxg.at[j1]], ssem1).wait()
                issue_gather(j1 + 2, rows1, gsem1)

            return 0

        lax.fori_loop(0, SUP // 2, pair, 0)
        pltpu.make_async_copy(rows0, acc.at[didxg.at[SUP - 2]], ssem0).wait()
        pltpu.make_async_copy(rows1, acc.at[didxg.at[SUP - 1]], ssem1).wait()
        return 0

    lax.fori_loop(0, ng, group, 0)
    plsc.subcore_barrier()
    r0 = s * RPT
    pltpu.sync_copy(acc.at[pl.ds(r0, RPT)], out_hbm.at[c, pl.ds(r0, RPT)])


_agg_kernel = functools.partial(
    pl.kernel,
    out_type=jax.ShapeDtypeStruct((NC, ACC_ROWS, 128), jnp.float32),
    mesh=_mesh,
    scratch_types=[
        pltpu.VMEM((SUP, CHUNK), jnp.int32),
        pltpu.VMEM((SUP, CHUNK), jnp.int32),
        pltpu.VMEM((CHUNK, 128), jnp.float32),
        pltpu.VMEM((CHUNK, 128), jnp.float32),
        pltpu.VMEM_SHARED((ACC_ROWS, 128), jnp.float32),
        pltpu.SemaphoreType.DMA,
        pltpu.SemaphoreType.DMA,
        pltpu.SemaphoreType.DMA,
        pltpu.SemaphoreType.DMA,
    ],
)(_agg_body)


_BR = 1000


def _dis_block(d0r, d1r):
    deg = d0r[...] + d1r[...] + 1.0
    return lax.rsqrt(deg)


def _scale_mm_body(xr, wr, d0r, d1r, gr):
    h = jnp.dot(xr[...], wr[...], preferred_element_type=jnp.float32)
    gr[...] = h * _dis_block(d0r, d1r)


def _layer2_body(a0r, a1r, gr, d0r, d1r, br, wr, or_):
    dis = _dis_block(d0r, d1r)
    h = jnp.tanh(dis * (a0r[...] + a1r[...] + gr[...]) + br[...])
    or_[...] = jnp.dot(h, wr[...], preferred_element_type=jnp.float32) * dis


def _final_body(a0r, a1r, gr, d0r, d1r, br, wcr, bcr, outr, hr):
    dis = _dis_block(d0r, d1r)
    h = jnp.tanh(dis * (a0r[...] + a1r[...] + gr[...]) + br[...])
    hr[...] = h
    outr[...] = jnp.dot(h, wcr[...], preferred_element_type=jnp.float32) + bcr[...]


def _rows(bs):
    return pl.BlockSpec((_BR, bs), lambda i: (i, 0))


def _full(shape):
    return pl.BlockSpec(shape, lambda i: tuple(0 for _ in shape))


def kernel(x, edge_index, W1, b1, W2, b2, Wc, bc):
    src = edge_index[0]
    dst = edge_index[1]
    pad = E_PAD - E
    pad_src = (jnp.arange(pad, dtype=jnp.int32) * 97) % N
    pad_dst = N + (jnp.arange(pad, dtype=jnp.int32) % (ACC_ROWS - N))
    src_p = jnp.concatenate([src, pad_src]).reshape(NCHUNK, CHUNK)
    dst_p = jnp.concatenate([dst, pad_dst]).reshape(NCHUNK, CHUNK)
    b1r = b1.reshape(1, 128)
    b2r = b2.reshape(1, 128)
    bcr = bc.reshape(1, 64)

    deg_parts = _deg_kernel(dst_p)
    d0, d1 = deg_parts[0], deg_parts[1]

    grid = N // _BR
    g1 = pl.pallas_call(
        _scale_mm_body,
        grid=(grid,),
        in_specs=[_rows(128), _full((128, 128)), _rows(128), _rows(128)],
        out_specs=_rows(128),
        out_shape=jax.ShapeDtypeStruct((N, 128), jnp.float32),
    )(x, W1, d0, d1)

    agg1 = _agg_kernel(src_p, dst_p, g1)

    g2 = pl.pallas_call(
        _layer2_body,
        grid=(grid,),
        in_specs=[_rows(128), _rows(128), _rows(128), _rows(128), _rows(128),
                  _full((1, 128)), _full((128, 128))],
        out_specs=_rows(128),
        out_shape=jax.ShapeDtypeStruct((N, 128), jnp.float32),
    )(agg1[0], agg1[1], g1, d0, d1, b1r, W2)

    agg2 = _agg_kernel(src_p, dst_p, g2)

    out, h2 = pl.pallas_call(
        _final_body,
        grid=(grid,),
        in_specs=[_rows(128), _rows(128), _rows(128), _rows(128), _rows(128),
                  _full((1, 128)), _full((128, 64)), _full((1, 64))],
        out_specs=[_rows(64), _rows(128)],
        out_shape=[jax.ShapeDtypeStruct((N, 64), jnp.float32),
                   jax.ShapeDtypeStruct((N, 128), jnp.float32)],
    )(agg2[0], agg2[1], g2, d0, d1, b2r, Wc, bcr)

    return (out, h2)

# --- scband reference (transcript-rebuilt; emitter-appended) ---
"""Pipeline reference for scband-simple-gcn-38757784879388 (READ-ONLY COPY).

The authoritative reference and input builder live on the scoring server;
editing this copy changes nothing except your own understanding.
"""

import jax, jax.numpy as jnp
import numpy as np

N = 10000
E = 320000
IN_CH = 128
HID = 128
NUM_CLASS = 64


def setup_inputs(seed: int = 0) -> dict:
    key = jax.random.key(seed)
    ks = jax.random.split(key, 8)
    x = jax.random.normal(ks[0], (N, IN_CH), dtype=jnp.float32)
    edge_index = jax.random.randint(ks[1], (2, E), 0, N, dtype=jnp.int32)
    W1 = jax.random.normal(ks[2], (IN_CH, HID), dtype=jnp.float32) * 0.05
    b1 = jnp.zeros((HID,), dtype=jnp.float32)
    W2 = jax.random.normal(ks[3], (HID, HID), dtype=jnp.float32) * 0.05
    b2 = jnp.zeros((HID,), dtype=jnp.float32)
    Wc = jax.random.normal(ks[4], (HID, NUM_CLASS), dtype=jnp.float32) * 0.05
    bc = jnp.zeros((NUM_CLASS,), dtype=jnp.float32)
    return {"x": x, "edge_index": edge_index, "W1": W1, "b1": b1, "W2": W2, "b2": b2, "Wc": Wc, "bc": bc}


def _gcn_conv(x, edge_index, W, b):
    # Faithful GCNConv: add self-loops, symmetric normalization D^-1/2 A_hat D^-1/2,
    # message = x W gathered on src, scatter-add to dst, plus bias.
    n = x.shape[0]
    src = edge_index[0]
    dst = edge_index[1]
    loop = jnp.arange(n, dtype=src.dtype)
    src = jnp.concatenate([src, loop])
    dst = jnp.concatenate([dst, loop])
    deg = jnp.zeros((n,), dtype=x.dtype).at[dst].add(1.0)
    deg_inv_sqrt = jnp.where(deg > 0, jax.lax.rsqrt(jnp.maximum(deg, 1e-12)), 0.0)
    norm = deg_inv_sqrt[src] * deg_inv_sqrt[dst]
    h = x @ W
    msg = h[src] * norm[:, None]
    out = jnp.zeros((n, h.shape[1]), dtype=h.dtype).at[dst].add(msg)
    return out + b


def reference(x, edge_index, W1, b1, W2, b2, Wc, bc):
    h = jnp.tanh(_gcn_conv(x, edge_index, W1, b1))
    h = jnp.tanh(_gcn_conv(h, edge_index, W2, b2))
    out = h @ Wc + bc
    return (out, h)

if __name__ == "__main__":
    import jax
    _d = setup_inputs()
    print(jax.jit(kernel)(*tuple(_d.values())))

</pallas_src>

<mosaic_0001>
#map = affine_map<(d0, d1) -> (0, 0)>
#map1 = affine_map<(d0, d1) -> (0, 0, 0)>
module attributes {stable_mosaic.version = 14 : i64} {
  func.func @_deg_body(%arg0: i32, %arg1: i32, %arg2: memref<2560x128xi32, #tpu.memory_space<hbm>>, %arg3: memref<2x10240x128xf32, #tpu.memory_space<hbm>>, %arg4: memref<80x128xi32, #tpu.memory_space<vmem>>, %arg5: memref<128x128xf32, #tpu.memory_space<vmem>>, %arg6: memref<10240x128xf32, #tpu.memory_space<vmem_shared>>, %arg7: memref<!tpu.dma_semaphore, #tpu.memory_space<semaphore_mem>>) attributes {dimension_semantics = [#tpu.dimension_semantics<core_parallel>, #tpu.dimension_semantics<subcore_parallel>], iteration_bounds = array<i64: 2, 16>, scalar_prefetch = 0 : i64, scratch_operands = 4 : i64, tpu.core_type = #tpu.core_type<sc_vector_subcore>, window_params = [{transform_indices = #map}, {transform_indices = #map1}]} {
    %broadcast_in_dim3A = arith.constant 0.000000e+00 : f32
    %broadcast_in_dim3A_0 = vector.broadcast %broadcast_in_dim3A : f32 to vector<16xf32>
    %broadcast_in_dim3A_1 = arith.constant 1.000000e+00 : f32
    %broadcast_in_dim3A_2 = vector.broadcast %broadcast_in_dim3A_1 : f32 to vector<16xf32>
    %scan3A = arith.constant 0 : i32
    %scan3A_3 = arith.constant 0 : i32
    %scan3A_4 = arith.constant 128 : i32
    %scan3A_5 = arith.addi %scan3A_3, %scan3A_4 : i32
    %scan3A_6 = arith.constant 1 : i32
    %scan3A_7 = scf.for %scan3A_56 = %scan3A_3 to %scan3A_5 step %scan3A_6 iter_args(%scan3A_57 = %scan3A) -> (i32)  : i32 {
      %swap3A = arith.index_cast %scan3A_56 : i32 to index
      %swap3A_58 = arith.constant 0 : index
      %swap3A_59 = tpu.vector_load %arg5[%swap3A, %swap3A_58] {strides = array<i32>} : memref<128x128xf32, #tpu.memory_space<vmem>>, vector<1x16xf32>,
      %swap3A_60 = vector.shape_cast %swap3A_59 : vector<1x16xf32> to vector<16xf32>
      %swap3A_61 = vector.shape_cast %broadcast_in_dim3A_0 : vector<16xf32> to vector<1x16xf32>
      tpu.vector_store %arg5[%swap3A, %swap3A_58], %swap3A_61 {strides = array<i32>} : memref<128x128xf32, #tpu.memory_space<vmem>>, vector<1x16xf32>,
      %swap3A_62 = arith.index_cast %scan3A_56 : i32 to index
      %swap3A_63 = arith.constant 16 : index
      %swap3A_64 = tpu.vector_load %arg5[%swap3A_62, %swap3A_63] {strides = array<i32>} : memref<128x128xf32, #tpu.memory_space<vmem>>, vector<1x16xf32>,
      %swap3A_65 = vector.shape_cast %swap3A_64 : vector<1x16xf32> to vector<16xf32>
      %swap3A_66 = vector.shape_cast %broadcast_in_dim3A_0 : vector<16xf32> to vector<1x16xf32>
      tpu.vector_store %arg5[%swap3A_62, %swap3A_63], %swap3A_66 {strides = array<i32>} : memref<128x128xf32, #tpu.memory_space<vmem>>, vector<1x16xf32>,
      %swap3A_67 = arith.index_cast %scan3A_56 : i32 to index
      %swap3A_68 = arith.constant 32 : index
      %swap3A_69 = tpu.vector_load %arg5[%swap3A_67, %swap3A_68] {strides = array<i32>} : memref<128x128xf32, #tpu.memory_space<vmem>>, vector<1x16xf32>,
      %swap3A_70 = vector.shape_cast %swap3A_69 : vector<1x16xf32> to vector<16xf32>
      %swap3A_71 = vector.shape_cast %broadcast_in_dim3A_0 : vector<16xf32> to vector<1x16xf32>
      tpu.vector_store %arg5[%swap3A_67, %swap3A_68], %swap3A_71 {strides = array<i32>} : memref<128x128xf32, #tpu.memory_space<vmem>>, vector<1x16xf32>,
      %swap3A_72 = arith.index_cast %scan3A_56 : i32 to index
      %swap3A_73 = arith.constant 48 : index
      %swap3A_74 = tpu.vector_load %arg5[%swap3A_72, %swap3A_73] {strides = array<i32>} : memref<128x128xf32, #tpu.memory_space<vmem>>, vector<1x16xf32>,
      %swap3A_75 = vector.shape_cast %swap3A_74 : vector<1x16xf32> to vector<16xf32>
      %swap3A_76 = vector.shape_cast %broadcast_in_dim3A_0 : vector<16xf32> to vector<1x16xf32>
      tpu.vector_store %arg5[%swap3A_72, %swap3A_73], %swap3A_76 {strides = array<i32>} : memref<128x128xf32, #tpu.memory_space<vmem>>, vector<1x16xf32>,
      %swap3A_77 = arith.index_cast %scan3A_56 : i32 to index
      %swap3A_78 = arith.constant 64 : index
      %swap3A_79 = tpu.vector_load %arg5[%swap3A_77, %swap3A_78] {strides = array<i32>} : memref<128x128xf32, #tpu.memory_space<vmem>>, vector<1x16xf32>,
      %swap3A_80 = vector.shape_cast %swap3A_79 : vector<1x16xf32> to vector<16xf32>
      %swap3A_81 = vector.shape_cast %broadcast_in_dim3A_0 : vector<16xf32> to vector<1x16xf32>
      tpu.vector_store %arg5[%swap3A_77, %swap3A_78], %swap3A_81 {strides = array<i32>} : memref<128x128xf32, #tpu.memory_space<vmem>>, vector<1x16xf32>,
      %swap3A_82 = arith.index_cast %scan3A_56 : i32 to index
      %swap3A_83 = arith.constant 80 : index
      %swap3A_84 = tpu.vector_load %arg5[%swap3A_82, %swap3A_83] {strides = array<i32>} : memref<128x128xf32, #tpu.memory_space<vmem>>, vector<1x16xf32>,
      %swap3A_85 = vector.shape_cast %swap3A_84 : vector<1x16xf32> to vector<16xf32>
      %swap3A_86 = vector.shape_cast %broadcast_in_dim3A_0 : vector<16xf32> to vector<1x16xf32>
      tpu.vector_store %arg5[%swap3A_82, %swap3A_83], %swap3A_86 {strides = array<i32>} : memref<128x128xf32, #tpu.memory_space<vmem>>, vector<1x16xf32>,
      %swap3A_87 = arith.index_cast %scan3A_56 : i32 to index
      %swap3A_88 = arith.constant 96 : index
      %swap3A_89 = tpu.vector_load %arg5[%swap3A_87, %swap3A_88] {strides = array<i32>} : memref<128x128xf32, #tpu.memory_space<vmem>>, vector<1x16xf32>,
      %swap3A_90 = vector.shape_cast %swap3A_89 : vector<1x16xf32> to vector<16xf32>
      %swap3A_91 = vector.shape_cast %broadcast_in_dim3A_0 : vector<16xf32> to vector<1x16xf32>
      tpu.vector_store %arg5[%swap3A_87, %swap3A_88], %swap3A_91 {strides = array<i32>} : memref<128x128xf32, #tpu.memory_space<vmem>>, vector<1x16xf32>,
      %swap3A_92 = arith.index_cast %scan3A_56 : i32 to index
      %swap3A_93 = arith.constant 112 : index
      %swap3A_94 = tpu.vector_load %arg5[%swap3A_92, %swap3A_93] {strides = array<i32>} : memref<128x128xf32, #tpu.memory_space<vmem>>, vector<1x16xf32>,
      %swap3A_95 = vector.shape_cast %swap3A_94 : vector<1x16xf32> to vector<16xf32>
      %swap3A_96 = vector.shape_cast %broadcast_in_dim3A_0 : vector<16xf32> to vector<1x16xf32>
      tpu.vector_store %arg5[%swap3A_92, %swap3A_93], %swap3A_96 {strides = array<i32>} : memref<128x128xf32, #tpu.memory_space<vmem>>, vector<1x16xf32>,
      %scan3A_97 = arith.constant 0 : i32
      scf.yield %scan3A_97 : i32
    }
    %scan3A_8 = arith.constant 128 : i32
    %mul3A = arith.constant 640 : i32
    %mul3A_9 = arith.muli %arg1, %mul3A : i32
    %add3A = arith.constant 0 : i32
    %add3A_10 = arith.addi %mul3A_9, %add3A : i32
    "tpu.region"() ({
      %run_scoped3A = tpu.sem_alloc : memref<!tpu.dma_semaphore, #tpu.memory_space<semaphore_mem>>
      %dma_start3A = arith.constant 0 : i32
      %dma_start3A_56 = tpu.memref_slice %arg6[%add3A_10, %dma_start3A] : memref<10240x128xf32, #tpu.memory_space<vmem_shared>> -> memref<128x128xf32, #tpu.memory_space<vmem_shared>>
      %dma_start3A_57 = arith.constant 0 : i32
      %dma_start3A_58 = tpu.memref_slice %arg6[%add3A_10, %dma_start3A_57] : memref<10240x128xf32, #tpu.memory_space<vmem_shared>> -> memref<128x128xf32, #tpu.memory_space<vmem_shared>>
      tpu.enqueue_dma source(%arg5 : memref<128x128xf32, #tpu.memory_space<vmem>>) target(%dma_start3A_58 : memref<128x128xf32, #tpu.memory_space<vmem_shared>>) target_semaphore(%run_scoped3A : memref<!tpu.dma_semaphore, #tpu.memory_space<semaphore_mem>>)
      %dma_wait3A = arith.constant 0 : i32
      %dma_wait3A_59 = tpu.memref_slice %arg6[%add3A_10, %dma_wait3A] : memref<10240x128xf32, #tpu.memory_space<vmem_shared>> -> memref<128x128xf32, #tpu.memory_space<vmem_shared>>
      %dma_wait3A_60 = arith.constant 0 : i32
      %dma_wait3A_61 = tpu.memref_slice %arg6[%add3A_10, %dma_wait3A_60] : memref<10240x128xf32, #tpu.memory_space<vmem_shared>> -> memref<128x128xf32, #tpu.memory_space<vmem_shared>>
      tpu.wait_dma2 semaphore(%run_scoped3A : memref<!tpu.dma_semaphore, #tpu.memory_space<semaphore_mem>>) src(%arg5 : memref<128x128xf32, #tpu.memory_space<vmem>>) dst(%dma_wait3A_61 : memref<128x128xf32, #tpu.memory_space<vmem_shared>>)
      tpu.yield
    }) : () -> ()
    %mul3A_11 = arith.constant 640 : i32
    %mul3A_12 = arith.muli %arg1, %mul3A_11 : i32
    %add3A_13 = arith.constant 128 : i32
    %add3A_14 = arith.addi %mul3A_12, %add3A_13 : i32
    "tpu.region"() ({
      %run_scoped3A = tpu.sem_alloc : memref<!tpu.dma_semaphore, #tpu.memory_space<semaphore_mem>>
      %dma_start3A = arith.constant 0 : i32
      %dma_start3A_56 = tpu.memref_slice %arg6[%add3A_14, %dma_start3A] : memref<10240x128xf32, #tpu.memory_space<vmem_shared>> -> memref<128x128xf32, #tpu.memory_space<vmem_shared>>
      %dma_start3A_57 = arith.constant 0 : i32
      %dma_start3A_58 = tpu.memref_slice %arg6[%add3A_14, %dma_start3A_57] : memref<10240x128xf32, #tpu.memory_space<vmem_shared>> -> memref<128x128xf32, #tpu.memory_space<vmem_shared>>
      tpu.enqueue_dma source(%arg5 : memref<128x128xf32, #tpu.memory_space<vmem>>) target(%dma_start3A_58 : memref<128x128xf32, #tpu.memory_space<vmem_shared>>) target_semaphore(%run_scoped3A : memref<!tpu.dma_semaphore, #tpu.memory_space<semaphore_mem>>)
      %dma_wait3A = arith.constant 0 : i32
      %dma_wait3A_59 = tpu.memref_slice %arg6[%add3A_14, %dma_wait3A] : memref<10240x128xf32, #tpu.memory_space<vmem_shared>> -> memref<128x128xf32, #tpu.memory_space<vmem_shared>>
      %dma_wait3A_60 = arith.constant 0 : i32
      %dma_wait3A_61 = tpu.memref_slice %arg6[%add3A_14, %dma_wait3A_60] : memref<10240x128xf32, #tpu.memory_space<vmem_shared>> -> memref<128x128xf32, #tpu.memory_space<vmem_shared>>
      tpu.wait_dma2 semaphore(%run_scoped3A : memref<!tpu.dma_semaphore, #tpu.memory_space<semaphore_mem>>) src(%arg5 : memref<128x128xf32, #tpu.memory_space<vmem>>) dst(%dma_wait3A_61 : memref<128x128xf32, #tpu.memory_space<vmem_shared>>)
      tpu.yield
    }) : () -> ()
    %mul3A_15 = arith.constant 640 : i32
    %mul3A_16 = arith.muli %arg1, %mul3A_15 : i32
    %add3A_17 = arith.constant 256 : i32
    %add3A_18 = arith.addi %mul3A_16, %add3A_17 : i32
    "tpu.region"() ({
      %run_scoped3A = tpu.sem_alloc : memref<!tpu.dma_semaphore, #tpu.memory_space<semaphore_mem>>
      %dma_start3A = arith.constant 0 : i32
      %dma_start3A_56 = tpu.memref_slice %arg6[%add3A_18, %dma_start3A] : memref<10240x128xf32, #tpu.memory_space<vmem_shared>> -> memref<128x128xf32, #tpu.memory_space<vmem_shared>>
      %dma_start3A_57 = arith.constant 0 : i32
      %dma_start3A_58 = tpu.memref_slice %arg6[%add3A_18, %dma_start3A_57] : memref<10240x128xf32, #tpu.memory_space<vmem_shared>> -> memref<128x128xf32, #tpu.memory_space<vmem_shared>>
      tpu.enqueue_dma source(%arg5 : memref<128x128xf32, #tpu.memory_space<vmem>>) target(%dma_start3A_58 : memref<128x128xf32, #tpu.memory_space<vmem_shared>>) target_semaphore(%run_scoped3A : memref<!tpu.dma_semaphore, #tpu.memory_space<semaphore_mem>>)
      %dma_wait3A = arith.constant 0 : i32
      %dma_wait3A_59 = tpu.memref_slice %arg6[%add3A_18, %dma_wait3A] : memref<10240x128xf32, #tpu.memory_space<vmem_shared>> -> memref<128x128xf32, #tpu.memory_space<vmem_shared>>
      %dma_wait3A_60 = arith.constant 0 : i32
      %dma_wait3A_61 = tpu.memref_slice %arg6[%add3A_18, %dma_wait3A_60] : memref<10240x128xf32, #tpu.memory_space<vmem_shared>> -> memref<128x128xf32, #tpu.memory_space<vmem_shared>>
      tpu.wait_dma2 semaphore(%run_scoped3A : memref<!tpu.dma_semaphore, #tpu.memory_space<semaphore_mem>>) src(%arg5 : memref<128x128xf32, #tpu.memory_space<vmem>>) dst(%dma_wait3A_61 : memref<128x128xf32, #tpu.memory_space<vmem_shared>>)
      tpu.yield
    }) : () -> ()
    %mul3A_19 = arith.constant 640 : i32
    %mul3A_20 = arith.muli %arg1, %mul3A_19 : i32
    %add3A_21 = arith.constant 384 : i32
    %add3A_22 = arith.addi %mul3A_20, %add3A_21 : i32
    "tpu.region"() ({
      %run_scoped3A = tpu.sem_alloc : memref<!tpu.dma_semaphore, #tpu.memory_space<semaphore_mem>>
      %dma_start3A = arith.constant 0 : i32
      %dma_start3A_56 = tpu.memref_slice %arg6[%add3A_22, %dma_start3A] : memref<10240x128xf32, #tpu.memory_space<vmem_shared>> -> memref<128x128xf32, #tpu.memory_space<vmem_shared>>
      %dma_start3A_57 = arith.constant 0 : i32
      %dma_start3A_58 = tpu.memref_slice %arg6[%add3A_22, %dma_start3A_57] : memref<10240x128xf32, #tpu.memory_space<vmem_shared>> -> memref<128x128xf32, #tpu.memory_space<vmem_shared>>
      tpu.enqueue_dma source(%arg5 : memref<128x128xf32, #tpu.memory_space<vmem>>) target(%dma_start3A_58 : memref<128x128xf32, #tpu.memory_space<vmem_shared>>) target_semaphore(%run_scoped3A : memref<!tpu.dma_semaphore, #tpu.memory_space<semaphore_mem>>)
      %dma_wait3A = arith.constant 0 : i32
      %dma_wait3A_59 = tpu.memref_slice %arg6[%add3A_22, %dma_wait3A] : memref<10240x128xf32, #tpu.memory_space<vmem_shared>> -> memref<128x128xf32, #tpu.memory_space<vmem_shared>>
      %dma_wait3A_60 = arith.constant 0 : i32
      %dma_wait3A_61 = tpu.memref_slice %arg6[%add3A_22, %dma_wait3A_60] : memref<10240x128xf32, #tpu.memory_space<vmem_shared>> -> memref<128x128xf32, #tpu.memory_space<vmem_shared>>
      tpu.wait_dma2 semaphore(%run_scoped3A : memref<!tpu.dma_semaphore, #tpu.memory_space<semaphore_mem>>) src(%arg5 : memref<128x128xf32, #tpu.memory_space<vmem>>) dst(%dma_wait3A_61 : memref<128x128xf32, #tpu.memory_space<vmem_shared>>)
      tpu.yield
    }) : () -> ()
    %mul3A_23 = arith.constant 640 : i32
    %mul3A_24 = arith.muli %arg1, %mul3A_23 : i32
    %add3A_25 = arith.constant 512 : i32
    %add3A_26 = arith.addi %mul3A_24, %add3A_25 : i32
    "tpu.region"() ({
      %run_scoped3A = tpu.sem_alloc : memref<!tpu.dma_semaphore, #tpu.memory_space<semaphore_mem>>
      %dma_start3A = arith.constant 0 : i32
      %dma_start3A_56 = tpu.memref_slice %arg6[%add3A_26, %dma_start3A] : memref<10240x128xf32, #tpu.memory_space<vmem_shared>> -> memref<128x128xf32, #tpu.memory_space<vmem_shared>>
      %dma_start3A_57 = arith.constant 0 : i32
      %dma_start3A_58 = tpu.memref_slice %arg6[%add3A_26, %dma_start3A_57] : memref<10240x128xf32, #tpu.memory_space<vmem_shared>> -> memref<128x128xf32, #tpu.memory_space<vmem_shared>>
      tpu.enqueue_dma source(%arg5 : memref<128x128xf32, #tpu.memory_space<vmem>>) target(%dma_start3A_58 : memref<128x128xf32, #tpu.memory_space<vmem_shared>>) target_semaphore(%run_scoped3A : memref<!tpu.dma_semaphore, #tpu.memory_space<semaphore_mem>>)
      %dma_wait3A = arith.constant 0 : i32
      %dma_wait3A_59 = tpu.memref_slice %arg6[%add3A_26, %dma_wait3A] : memref<10240x128xf32, #tpu.memory_space<vmem_shared>> -> memref<128x128xf32, #tpu.memory_space<vmem_shared>>
      %dma_wait3A_60 = arith.constant 0 : i32
      %dma_wait3A_61 = tpu.memref_slice %arg6[%add3A_26, %dma_wait3A_60] : memref<10240x128xf32, #tpu.memory_space<vmem_shared>> -> memref<128x128xf32, #tpu.memory_space<vmem_shared>>
      tpu.wait_dma2 semaphore(%run_scoped3A : memref<!tpu.dma_semaphore, #tpu.memory_space<semaphore_mem>>) src(%arg5 : memref<128x128xf32, #tpu.memory_space<vmem>>) dst(%dma_wait3A_61 : memref<128x128xf32, #tpu.memory_space<vmem_shared>>)
      tpu.yield
    }) : () -> ()
    %scan3A_27 = arith.constant 0 : i32
    %scan3A_28 = arith.constant 0 : i32
    %scan3A_29 = arith.constant 128 : i32
    %scan3A_30 = arith.addi %scan3A_28, %scan3A_29 : i32
    %scan3A_31 = arith.constant 1 : i32
    %scan3A_32 = scf.for %scan3A_56 = %scan3A_28 to %scan3A_30 step %scan3A_31 iter_args(%scan3A_57 = %scan3A_27) -> (i32)  : i32 {
      %swap3A = arith.index_cast %scan3A_56 : i32 to index
      %swap3A_58 = arith.constant 0 : index
      %swap3A_59 = tpu.vector_load %arg5[%swap3A, %swap3A_58] {strides = array<i32>} : memref<128x128xf32, #tpu.memory_space<vmem>>, vector<1x16xf32>,
      %swap3A_60 = vector.shape_cast %swap3A_59 : vector<1x16xf32> to vector<16xf32>
      %swap3A_61 = vector.shape_cast %broadcast_in_dim3A_2 : vector<16xf32> to vector<1x16xf32>
      tpu.vector_store %arg5[%swap3A, %swap3A_58], %swap3A_61 {strides = array<i32>} : memref<128x128xf32, #tpu.memory_space<vmem>>, vector<1x16xf32>,
      %swap3A_62 = arith.index_cast %scan3A_56 : i32 to index
      %swap3A_63 = arith.constant 16 : index
      %swap3A_64 = tpu.vector_load %arg5[%swap3A_62, %swap3A_63] {strides = array<i32>} : memref<128x128xf32, #tpu.memory_space<vmem>>, vector<1x16xf32>,
      %swap3A_65 = vector.shape_cast %swap3A_64 : vector<1x16xf32> to vector<16xf32>
      %swap3A_66 = vector.shape_cast %broadcast_in_dim3A_2 : vector<16xf32> to vector<1x16xf32>
      tpu.vector_store %arg5[%swap3A_62, %swap3A_63], %swap3A_66 {strides = array<i32>} : memref<128x128xf32, #tpu.memory_space<vmem>>, vector<1x16xf32>,
      %swap3A_67 = arith.index_cast %scan3A_56 : i32 to index
      %swap3A_68 = arith.constant 32 : index
      %swap3A_69 = tpu.vector_load %arg5[%swap3A_67, %swap3A_68] {strides = array<i32>} : memref<128x128xf32, #tpu.memory_space<vmem>>, vector<1x16xf32>,
      %swap3A_70 = vector.shape_cast %swap3A_69 : vector<1x16xf32> to vector<16xf32>
      %swap3A_71 = vector.shape_cast %broadcast_in_dim3A_2 : vector<16xf32> to vector<1x16xf32>
      tpu.vector_store %arg5[%swap3A_67, %swap3A_68], %swap3A_71 {strides = array<i32>} : memref<128x128xf32, #tpu.memory_space<vmem>>, vector<1x16xf32>,
      %swap3A_72 = arith.index_cast %scan3A_56 : i32 to index
      %swap3A_73 = arith.constant 48 : index
      %swap3A_74 = tpu.vector_load %arg5[%swap3A_72, %swap3A_73] {strides = array<i32>} : memref<128x128xf32, #tpu.memory_space<vmem>>, vector<1x16xf32>,
      %swap3A_75 = vector.shape_cast %swap3A_74 : vector<1x16xf32> to vector<16xf32>
      %swap3A_76 = vector.shape_cast %broadcast_in_dim3A_2 : vector<16xf32> to vector<1x16xf32>
      tpu.vector_store %arg5[%swap3A_72, %swap3A_73], %swap3A_76 {strides = array<i32>} : memref<128x128xf32, #tpu.memory_space<vmem>>, vector<1x16xf32>,
      %swap3A_77 = arith.index_cast %scan3A_56 : i32 to index
      %swap3A_78 = arith.constant 64 : index
      %swap3A_79 = tpu.vector_load %arg5[%swap3A_77, %swap3A_78] {strides = array<i32>} : memref<128x128xf32, #tpu.memory_space<vmem>>, vector<1x16xf32>,
      %swap3A_80 = vector.shape_cast %swap3A_79 : vector<1x16xf32> to vector<16xf32>
      %swap3A_81 = vector.shape_cast %broadcast_in_dim3A_2 : vector<16xf32> to vector<1x16xf32>
      tpu.vector_store %arg5[%swap3A_77, %swap3A_78], %swap3A_81 {strides = array<i32>} : memref<128x128xf32, #tpu.memory_space<vmem>>, vector<1x16xf32>,
      %swap3A_82 = arith.index_cast %scan3A_56 : i32 to index
      %swap3A_83 = arith.constant 80 : index
      %swap3A_84 = tpu.vector_load %arg5[%swap3A_82, %swap3A_83] {strides = array<i32>} : memref<128x128xf32, #tpu.memory_space<vmem>>, vector<1x16xf32>,
      %swap3A_85 = vector.shape_cast %swap3A_84 : vector<1x16xf32> to vector<16xf32>
      %swap3A_86 = vector.shape_cast %broadcast_in_dim3A_2 : vector<16xf32> to vector<1x16xf32>
      tpu.vector_store %arg5[%swap3A_82, %swap3A_83], %swap3A_86 {strides = array<i32>} : memref<128x128xf32, #tpu.memory_space<vmem>>, vector<1x16xf32>,
      %swap3A_87 = arith.index_cast %scan3A_56 : i32 to index
      %swap3A_88 = arith.constant 96 : index
      %swap3A_89 = tpu.vector_load %arg5[%swap3A_87, %swap3A_88] {strides = array<i32>} : memref<128x128xf32, #tpu.memory_space<vmem>>, vector<1x16xf32>,
      %swap3A_90 = vector.shape_cast %swap3A_89 : vector<1x16xf32> to vector<16xf32>
      %swap3A_91 = vector.shape_cast %broadcast_in_dim3A_2 : vector<16xf32> to vector<1x16xf32>
      tpu.vector_store %arg5[%swap3A_87, %swap3A_88], %swap3A_91 {strides = array<i32>} : memref<128x128xf32, #tpu.memory_space<vmem>>, vector<1x16xf32>,
      %swap3A_92 = arith.index_cast %scan3A_56 : i32 to index
      %swap3A_93 = arith.constant 112 : index
      %swap3A_94 = tpu.vector_load %arg5[%swap3A_92, %swap3A_93] {strides = array<i32>} : memref<128x128xf32, #tpu.memory_space<vmem>>, vector<1x16xf32>,
      %swap3A_95 = vector.shape_cast %swap3A_94 : vector<1x16xf32> to vector<16xf32>
      %swap3A_96 = vector.shape_cast %broadcast_in_dim3A_2 : vector<16xf32> to vector<1x16xf32>
      tpu.vector_store %arg5[%swap3A_92, %swap3A_93], %swap3A_96 {strides = array<i32>} : memref<128x128xf32, #tpu.memory_space<vmem>>, vector<1x16xf32>,
      %scan3A_97 = arith.constant 0 : i32
      scf.yield %scan3A_97 : i32
    }
    %scan3A_33 = arith.constant 128 : i32
    %barrier3A = arith.constant 0 : index
    tpu.barrier barrier_id(%barrier3A)
    %mul3A_34 = arith.constant 16 : i32
    %mul3A_35 = arith.muli %arg0, %mul3A_34 : i32
    %add3A_36 = arith.addi %mul3A_35, %arg1 : i32
    %mul3A_37 = arith.constant 80 : i32
    %mul3A_38 = arith.muli %add3A_36, %mul3A_37 : i32
    "tpu.region"() ({
      %run_scoped3A = tpu.sem_alloc : memref<!tpu.dma_semaphore, #tpu.memory_space<semaphore_mem>>
      %dma_start3A = arith.constant 0 : i32
      %dma_start3A_56 = tpu.memref_slice %arg2[%mul3A_38, %dma_start3A] : memref<2560x128xi32, #tpu.memory_space<hbm>> -> memref<80x128xi32, #tpu.memory_space<hbm>>
      %dma_start3A_57 = arith.constant 0 : i32
      %dma_start3A_58 = tpu.memref_slice %arg2[%mul3A_38, %dma_start3A_57] : memref<2560x128xi32, #tpu.memory_space<hbm>> -> memref<80x128xi32, #tpu.memory_space<hbm>>
      tpu.enqueue_dma source(%dma_start3A_58 : memref<80x128xi32, #tpu.memory_space<hbm>>) target(%arg4 : memref<80x128xi32, #tpu.memory_space<vmem>>) target_semaphore(%run_scoped3A : memref<!tpu.dma_semaphore, #tpu.memory_space<semaphore_mem>>)
      %dma_wait3A = arith.constant 0 : i32
      %dma_wait3A_59 = tpu.memref_slice %arg2[%mul3A_38, %dma_wait3A] : memref<2560x128xi32, #tpu.memory_space<hbm>> -> memref<80x128xi32, #tpu.memory_space<hbm>>
      %dma_wait3A_60 = arith.constant 0 : i32
      %dma_wait3A_61 = tpu.memref_slice %arg2[%mul3A_38, %dma_wait3A_60] : memref<2560x128xi32, #tpu.memory_space<hbm>> -> memref<80x128xi32, #tpu.memory_space<hbm>>
      tpu.wait_dma2 semaphore(%run_scoped3A : memref<!tpu.dma_semaphore, #tpu.memory_space<semaphore_mem>>) src(%dma_wait3A_61 : memref<80x128xi32, #tpu.memory_space<hbm>>) dst(%arg4 : memref<80x128xi32, #tpu.memory_space<vmem>>)
      tpu.yield
    }) : () -> ()
    %scan3A_39 = arith.constant 0 : i32
    %scan3A_40 = arith.constant 0 : i32
    %scan3A_41 = arith.constant 80 : i32
    %scan3A_42 = arith.addi %scan3A_40, %scan3A_41 : i32
    %scan3A_43 = arith.constant 1 : i32
    %scan3A_44 = scf.for %scan3A_56 = %scan3A_40 to %scan3A_42 step %scan3A_43 iter_args(%scan3A_57 = %scan3A_39) -> (i32)  : i32 {
      %dma_start3A = arith.constant 0 : i32
      %dma_start3A_58 = tpu.memref_slice %arg4[%scan3A_56, %dma_start3A] : memref<80x128xi32, #tpu.memory_space<vmem>> -> memref<1x128xi32, #tpu.memory_space<vmem>>
      %dma_start3A_59 = tpu.memref_squeeze %dma_start3A_58 : memref<1x128xi32, #tpu.memory_space<vmem>> -> memref<128xi32, #tpu.memory_space<vmem>>
      %dma_start3A_60 = arith.constant 0 : i32
      %dma_start3A_61 = arith.constant 0 : i32
      %dma_start3A_62 = tpu.memref_slice %arg6[%dma_start3A_60, %dma_start3A_61] : memref<10240x128xf32, #tpu.memory_space<vmem_shared>> -> memref<10240x128xf32, #tpu.memory_space<vmem_shared>>
      tpu.enqueue_indirect_dma source(%arg5 : memref<128x128xf32, #tpu.memory_space<vmem>>) target(%dma_start3A_62 : memref<10240x128xf32, #tpu.memory_space<vmem_shared>>) offsets(%dma_start3A_59 : memref<128xi32, #tpu.memory_space<vmem>>) semaphore(%arg7 : memref<!tpu.dma_semaphore, #tpu.memory_space<semaphore_mem>>) {add = true}
      %ge3A = arith.constant 8 : i32
      %ge3A_63 = arith.cmpi sge, %scan3A_56, %ge3A : i32
      %convert_element_type3A = arith.extui %ge3A_63 : i1 to i32
      %cond3A = arith.constant 0 : i32
      %cond3A_64 = arith.cmpi ne, %convert_element_type3A, %cond3A : i32
      scf.if %cond3A_64 {
        %sub3A = arith.constant 8 : i32
        %sub3A_66 = arith.subi %scan3A_56, %sub3A : i32
        %dma_wait3A = arith.constant 0 : i32
        %dma_wait3A_67 = tpu.memref_slice %arg4[%sub3A_66, %dma_wait3A] : memref<80x128xi32, #tpu.memory_space<vmem>> -> memref<1x128xi32, #tpu.memory_space<vmem>>
        %dma_wait3A_68 = tpu.memref_squeeze %dma_wait3A_67 : memref<1x128xi32, #tpu.memory_space<vmem>> -> memref<128xi32, #tpu.memory_space<vmem>>
        %dma_wait3A_69 = arith.constant 0 : i32
        %dma_wait3A_70 = arith.constant 0 : i32
        %dma_wait3A_71 = tpu.memref_slice %arg6[%dma_wait3A_69, %dma_wait3A_70] : memref<10240x128xf32, #tpu.memory_space<vmem_shared>> -> memref<10240x128xf32, #tpu.memory_space<vmem_shared>>
        tpu.wait_indirect_dma semaphore(%arg7 : memref<!tpu.dma_semaphore, #tpu.memory_space<semaphore_mem>>) src(%arg5 : memref<128x128xf32, #tpu.memory_space<vmem>>) dst(%dma_wait3A_71 : memref<10240x128xf32, #tpu.memory_space<vmem_shared>>)
      } else {
      }
      %scan3A_65 = arith.constant 0 : i32
      scf.yield %scan3A_65 : i32
    }
    %scan3A_45 = arith.constant 80 : i32
    %scan3A_46 = arith.constant 0 : i32
    %scan3A_47 = arith.constant 0 : i32
    %scan3A_48 = arith.constant 8 : i32
    %scan3A_49 = arith.addi %scan3A_47, %scan3A_48 : i32
    %scan3A_50 = arith.constant 1 : i32
    %scan3A_51 = scf.for %scan3A_56 = %scan3A_47 to %scan3A_49 step %scan3A_50 iter_args(%scan3A_57 = %scan3A_46) -> (i32)  : i32 {
      %add3A_58 = arith.constant 72 : i32
      %add3A_59 = arith.addi %add3A_58, %scan3A_56 : i32
      %dma_wait3A = arith.constant 0 : i32
      %dma_wait3A_60 = tpu.memref_slice %arg4[%add3A_59, %dma_wait3A] : memref<80x128xi32, #tpu.memory_space<vmem>> -> memref<1x128xi32, #tpu.memory_space<vmem>>
      %dma_wait3A_61 = tpu.memref_squeeze %dma_wait3A_60 : memref<1x128xi32, #tpu.memory_space<vmem>> -> memref<128xi32, #tpu.memory_space<vmem>>
      %dma_wait3A_62 = arith.constant 0 : i32
      %dma_wait3A_63 = arith.constant 0 : i32
      %dma_wait3A_64 = tpu.memref_slice %arg6[%dma_wait3A_62, %dma_wait3A_63] : memref<10240x128xf32, #tpu.memory_space<vmem_shared>> -> memref<10240x128xf32, #tpu.memory_space<vmem_shared>>
      tpu.wait_indirect_dma semaphore(%arg7 : memref<!tpu.dma_semaphore, #tpu.memory_space<semaphore_mem>>) src(%arg5 : memref<128x128xf32, #tpu.memory_space<vmem>>) dst(%dma_wait3A_64 : memref<10240x128xf32, #tpu.memory_space<vmem_shared>>)
      %scan3A_65 = arith.constant 0 : i32
      scf.yield %scan3A_65 : i32
    }
    %scan3A_52 = arith.constant 8 : i32
    %barrier3A_53 = arith.constant 0 : index
    tpu.barrier barrier_id(%barrier3A_53)
    %mul3A_54 = arith.constant 640 : i32
    %mul3A_55 = arith.muli %arg1, %mul3A_54 : i32
    "tpu.region"() ({
      %run_scoped3A = tpu.sem_alloc : memref<!tpu.dma_semaphore, #tpu.memory_space<semaphore_mem>>
      %dma_start3A = arith.constant 0 : i32
      %dma_start3A_56 = tpu.memref_slice %arg3[%arg0, %mul3A_55, %dma_start3A] : memref<2x10240x128xf32, #tpu.memory_space<hbm>> -> memref<1x640x128xf32, #tpu.memory_space<hbm>>
      %dma_start3A_57 = tpu.memref_squeeze %dma_start3A_56 : memref<1x640x128xf32, #tpu.memory_space<hbm>> -> memref<640x128xf32, #tpu.memory_space<hbm>>
      %dma_start3A_58 = arith.constant 0 : i32
      %dma_start3A_59 = tpu.memref_slice %arg6[%mul3A_55, %dma_start3A_58] : memref<10240x128xf32, #tpu.memory_space<vmem_shared>> -> memref<640x128xf32, #tpu.memory_space<vmem_shared>>
      tpu.enqueue_dma source(%dma_start3A_59 : memref<640x128xf32, #tpu.memory_space<vmem_shared>>) target(%dma_start3A_57 : memref<640x128xf32, #tpu.memory_space<hbm>>) target_semaphore(%run_scoped3A : memref<!tpu.dma_semaphore, #tpu.memory_space<semaphore_mem>>)
      %dma_wait3A = arith.constant 0 : i32
      %dma_wait3A_60 = tpu.memref_slice %arg3[%arg0, %mul3A_55, %dma_wait3A] : memref<2x10240x128xf32, #tpu.memory_space<hbm>> -> memref<1x640x128xf32, #tpu.memory_space<hbm>>
      %dma_wait3A_61 = tpu.memref_squeeze %dma_wait3A_60 : memref<1x640x128xf32, #tpu.memory_space<hbm>> -> memref<640x128xf32, #tpu.memory_space<hbm>>
      %dma_wait3A_62 = arith.constant 0 : i32
      %dma_wait3A_63 = tpu.memref_slice %arg6[%mul3A_55, %dma_wait3A_62] : memref<10240x128xf32, #tpu.memory_space<vmem_shared>> -> memref<640x128xf32, #tpu.memory_space<vmem_shared>>
      tpu.wait_dma2 semaphore(%run_scoped3A : memref<!tpu.dma_semaphore, #tpu.memory_space<semaphore_mem>>) src(%dma_wait3A_63 : memref<640x128xf32, #tpu.memory_space<vmem_shared>>) dst(%dma_wait3A_61 : memref<640x128xf32, #tpu.memory_space<hbm>>)
      tpu.yield
    }) : () -> ()
    return
  }
}

#map = affine_map<(d0, d1) -> (0, 0)>
#map1 = affine_map<(d0, d1) -> (0, 0, 0)>
module attributes {stable_mosaic.version = 14 : i64} {
  func.func @_agg_body(%arg0: i32, %arg1: i32, %arg2: memref<2560x128xi32, #tpu.memory_space<hbm>>, %arg3: memref<2560x128xi32, #tpu.memory_space<hbm>>, %arg4: memref<10000x128xf32, #tpu.memory_space<hbm>>, %arg5: memref<2x10240x128xf32, #tpu.memory_space<hbm>>, %arg6: memref<40x128xi32, #tpu.memory_space<vmem>>, %arg7: memref<40x128xi32, #tpu.memory_space<vmem>>, %arg8: memref<128x128xf32, #tpu.memory_space<vmem>>, %arg9: memref<128x128xf32, #tpu.memory_space<vmem>>, %arg10: memref<10240x128xf32, #tpu.memory_space<vmem_shared>>, %arg11: memref<!tpu.dma_semaphore, #tpu.memory_space<semaphore_mem>>, %arg12: memref<!tpu.dma_semaphore, #tpu.memory_space<semaphore_mem>>, %arg13: memref<!tpu.dma_semaphore, #tpu.memory_space<semaphore_mem>>, %arg14: memref<!tpu.dma_semaphore, #tpu.memory_space<semaphore_mem>>) attributes {dimension_semantics = [#tpu.dimension_semantics<core_parallel>, #tpu.dimension_semantics<subcore_parallel>], iteration_bounds = array<i64: 2, 16>, scalar_prefetch = 0 : i64, scratch_operands = 9 : i64, tpu.core_type = #tpu.core_type<sc_vector_subcore>, window_params = [{transform_indices = #map}, {transform_indices = #map}, {transform_indices = #map}, {transform_indices = #map1}]} {
    %broadcast_in_dim3A = arith.constant 0.000000e+00 : f32
    %broadcast_in_dim3A_0 = vector.broadcast %broadcast_in_dim3A : f32 to vector<16xf32>
    %scan3A = arith.constant 0 : i32
    %scan3A_1 = arith.constant 0 : i32
    %scan3A_2 = arith.constant 128 : i32
    %scan3A_3 = arith.addi %scan3A_1, %scan3A_2 : i32
    %scan3A_4 = arith.constant 1 : i32
    %scan3A_5 = scf.for %scan3A_48 = %scan3A_1 to %scan3A_3 step %scan3A_4 iter_args(%scan3A_49 = %scan3A) -> (i32)  : i32 {
      %swap3A = arith.index_cast %scan3A_48 : i32 to index
      %swap3A_50 = arith.constant 0 : index
      %swap3A_51 = tpu.vector_load %arg8[%swap3A, %swap3A_50] {strides = array<i32>} : memref<128x128xf32, #tpu.memory_space<vmem>>, vector<1x16xf32>,
      %swap3A_52 = vector.shape_cast %swap3A_51 : vector<1x16xf32> to vector<16xf32>
      %swap3A_53 = vector.shape_cast %broadcast_in_dim3A_0 : vector<16xf32> to vector<1x16xf32>
      tpu.vector_store %arg8[%swap3A, %swap3A_50], %swap3A_53 {strides = array<i32>} : memref<128x128xf32, #tpu.memory_space<vmem>>, vector<1x16xf32>,
      %swap3A_54 = arith.index_cast %scan3A_48 : i32 to index
      %swap3A_55 = arith.constant 16 : index
      %swap3A_56 = tpu.vector_load %arg8[%swap3A_54, %swap3A_55] {strides = array<i32>} : memref<128x128xf32, #tpu.memory_space<vmem>>, vector<1x16xf32>,
      %swap3A_57 = vector.shape_cast %swap3A_56 : vector<1x16xf32> to vector<16xf32>
      %swap3A_58 = vector.shape_cast %broadcast_in_dim3A_0 : vector<16xf32> to vector<1x16xf32>
      tpu.vector_store %arg8[%swap3A_54, %swap3A_55], %swap3A_58 {strides = array<i32>} : memref<128x128xf32, #tpu.memory_space<vmem>>, vector<1x16xf32>,
      %swap3A_59 = arith.index_cast %scan3A_48 : i32 to index
      %swap3A_60 = arith.constant 32 : index
      %swap3A_61 = tpu.vector_load %arg8[%swap3A_59, %swap3A_60] {strides = array<i32>} : memref<128x128xf32, #tpu.memory_space<vmem>>, vector<1x16xf32>,
      %swap3A_62 = vector.shape_cast %swap3A_61 : vector<1x16xf32> to vector<16xf32>
      %swap3A_63 = vector.shape_cast %broadcast_in_dim3A_0 : vector<16xf32> to vector<1x16xf32>
      tpu.vector_store %arg8[%swap3A_59, %swap3A_60], %swap3A_63 {strides = array<i32>} : memref<128x128xf32, #tpu.memory_space<vmem>>, vector<1x16xf32>,
      %swap3A_64 = arith.index_cast %scan3A_48 : i32 to index
      %swap3A_65 = arith.constant 48 : index
      %swap3A_66 = tpu.vector_load %arg8[%swap3A_64, %swap3A_65] {strides = array<i32>} : memref<128x128xf32, #tpu.memory_space<vmem>>, vector<1x16xf32>,
      %swap3A_67 = vector.shape_cast %swap3A_66 : vector<1x16xf32> to vector<16xf32>
      %swap3A_68 = vector.shape_cast %broadcast_in_dim3A_0 : vector<16xf32> to vector<1x16xf32>
      tpu.vector_store %arg8[%swap3A_64, %swap3A_65], %swap3A_68 {strides = array<i32>} : memref<128x128xf32, #tpu.memory_space<vmem>>, vector<1x16xf32>,
      %swap3A_69 = arith.index_cast %scan3A_48 : i32 to index
      %swap3A_70 = arith.constant 64 : index
      %swap3A_71 = tpu.vector_load %arg8[%swap3A_69, %swap3A_70] {strides = array<i32>} : memref<128x128xf32, #tpu.memory_space<vmem>>, vector<1x16xf32>,
      %swap3A_72 = vector.shape_cast %swap3A_71 : vector<1x16xf32> to vector<16xf32>
      %swap3A_73 = vector.shape_cast %broadcast_in_dim3A_0 : vector<16xf32> to vector<1x16xf32>
      tpu.vector_store %arg8[%swap3A_69, %swap3A_70], %swap3A_73 {strides = array<i32>} : memref<128x128xf32, #tpu.memory_space<vmem>>, vector<1x16xf32>,
      %swap3A_74 = arith.index_cast %scan3A_48 : i32 to index
      %swap3A_75 = arith.constant 80 : index
      %swap3A_76 = tpu.vector_load %arg8[%swap3A_74, %swap3A_75] {strides = array<i32>} : memref<128x128xf32, #tpu.memory_space<vmem>>, vector<1x16xf32>,
      %swap3A_77 = vector.shape_cast %swap3A_76 : vector<1x16xf32> to vector<16xf32>
      %swap3A_78 = vector.shape_cast %broadcast_in_dim3A_0 : vector<16xf32> to vector<1x16xf32>
      tpu.vector_store %arg8[%swap3A_74, %swap3A_75], %swap3A_78 {strides = array<i32>} : memref<128x128xf32, #tpu.memory_space<vmem>>, vector<1x16xf32>,
      %swap3A_79 = arith.index_cast %scan3A_48 : i32 to index
      %swap3A_80 = arith.constant 96 : index
      %swap3A_81 = tpu.vector_load %arg8[%swap3A_79, %swap3A_80] {strides = array<i32>} : memref<128x128xf32, #tpu.memory_space<vmem>>, vector<1x16xf32>,
      %swap3A_82 = vector.shape_cast %swap3A_81 : vector<1x16xf32> to vector<16xf32>
      %swap3A_83 = vector.shape_cast %broadcast_in_dim3A_0 : vector<16xf32> to vector<1x16xf32>
      tpu.vector_store %arg8[%swap3A_79, %swap3A_80], %swap3A_83 {strides = array<i32>} : memref<128x128xf32, #tpu.memory_space<vmem>>, vector<1x16xf32>,
      %swap3A_84 = arith.index_cast %scan3A_48 : i32 to index
      %swap3A_85 = arith.constant 112 : index
      %swap3A_86 = tpu.vector_load %arg8[%swap3A_84, %swap3A_85] {strides = array<i32>} : memref<128x128xf32, #tpu.memory_space<vmem>>, vector<1x16xf32>,
      %swap3A_87 = vector.shape_cast %swap3A_86 : vector<1x16xf32> to vector<16xf32>
      %swap3A_88 = vector.shape_cast %broadcast_in_dim3A_0 : vector<16xf32> to vector<1x16xf32>
      tpu.vector_store %arg8[%swap3A_84, %swap3A_85], %swap3A_88 {strides = array<i32>} : memref<128x128xf32, #tpu.memory_space<vmem>>, vector<1x16xf32>,
      %scan3A_89 = arith.constant 0 : i32
      scf.yield %scan3A_89 : i32
    }
    %scan3A_6 = arith.constant 128 : i32
    %mul3A = arith.constant 640 : i32
    %mul3A_7 = arith.muli %arg1, %mul3A : i32
    %add3A = arith.constant 0 : i32
    %add3A_8 = arith.addi %mul3A_7, %add3A : i32
    "tpu.region"() ({
      %run_scoped3A = tpu.sem_alloc : memref<!tpu.dma_semaphore, #tpu.memory_space<semaphore_mem>>
      %dma_start3A = arith.constant 0 : i32
      %dma_start3A_48 = tpu.memref_slice %arg10[%add3A_8, %dma_start3A] : memref<10240x128xf32, #tpu.memory_space<vmem_shared>> -> memref<128x128xf32, #tpu.memory_space<vmem_shared>>
      %dma_start3A_49 = arith.constant 0 : i32
      %dma_start3A_50 = tpu.memref_slice %arg10[%add3A_8, %dma_start3A_49] : memref<10240x128xf32, #tpu.memory_space<vmem_shared>> -> memref<128x128xf32, #tpu.memory_space<vmem_shared>>
      tpu.enqueue_dma source(%arg8 : memref<128x128xf32, #tpu.memory_space<vmem>>) target(%dma_start3A_50 : memref<128x128xf32, #tpu.memory_space<vmem_shared>>) target_semaphore(%run_scoped3A : memref<!tpu.dma_semaphore, #tpu.memory_space<semaphore_mem>>)
      %dma_wait3A = arith.constant 0 : i32
      %dma_wait3A_51 = tpu.memref_slice %arg10[%add3A_8, %dma_wait3A] : memref<10240x128xf32, #tpu.memory_space<vmem_shared>> -> memref<128x128xf32, #tpu.memory_space<vmem_shared>>
      %dma_wait3A_52 = arith.constant 0 : i32
      %dma_wait3A_53 = tpu.memref_slice %arg10[%add3A_8, %dma_wait3A_52] : memref<10240x128xf32, #tpu.memory_space<vmem_shared>> -> memref<128x128xf32, #tpu.memory_space<vmem_shared>>
      tpu.wait_dma2 semaphore(%run_scoped3A : memref<!tpu.dma_semaphore, #tpu.memory_space<semaphore_mem>>) src(%arg8 : memref<128x128xf32, #tpu.memory_space<vmem>>) dst(%dma_wait3A_53 : memref<128x128xf32, #tpu.memory_space<vmem_shared>>)
      tpu.yield
    }) : () -> ()
    %mul3A_9 = arith.constant 640 : i32
    %mul3A_10 = arith.muli %arg1, %mul3A_9 : i32
    %add3A_11 = arith.constant 128 : i32
    %add3A_12 = arith.addi %mul3A_10, %add3A_11 : i32
    "tpu.region"() ({
      %run_scoped3A = tpu.sem_alloc : memref<!tpu.dma_semaphore, #tpu.memory_space<semaphore_mem>>
      %dma_start3A = arith.constant 0 : i32
      %dma_start3A_48 = tpu.memref_slice %arg10[%add3A_12, %dma_start3A] : memref<10240x128xf32, #tpu.memory_space<vmem_shared>> -> memref<128x128xf32, #tpu.memory_space<vmem_shared>>
      %dma_start3A_49 = arith.constant 0 : i32
      %dma_start3A_50 = tpu.memref_slice %arg10[%add3A_12, %dma_start3A_49] : memref<10240x128xf32, #tpu.memory_space<vmem_shared>> -> memref<128x128xf32, #tpu.memory_space<vmem_shared>>
      tpu.enqueue_dma source(%arg8 : memref<128x128xf32, #tpu.memory_space<vmem>>) target(%dma_start3A_50 : memref<128x128xf32, #tpu.memory_space<vmem_shared>>) target_semaphore(%run_scoped3A : memref<!tpu.dma_semaphore, #tpu.memory_space<semaphore_mem>>)
      %dma_wait3A = arith.constant 0 : i32
      %dma_wait3A_51 = tpu.memref_slice %arg10[%add3A_12, %dma_wait3A] : memref<10240x128xf32, #tpu.memory_space<vmem_shared>> -> memref<128x128xf32, #tpu.memory_space<vmem_shared>>
      %dma_wait3A_52 = arith.constant 0 : i32
      %dma_wait3A_53 = tpu.memref_slice %arg10[%add3A_12, %dma_wait3A_52] : memref<10240x128xf32, #tpu.memory_space<vmem_shared>> -> memref<128x128xf32, #tpu.memory_space<vmem_shared>>
      tpu.wait_dma2 semaphore(%run_scoped3A : memref<!tpu.dma_semaphore, #tpu.memory_space<semaphore_mem>>) src(%arg8 : memref<128x128xf32, #tpu.memory_space<vmem>>) dst(%dma_wait3A_53 : memref<128x128xf32, #tpu.memory_space<vmem_shared>>)
      tpu.yield
    }) : () -> ()
    %mul3A_13 = arith.constant 640 : i32
    %mul3A_14 = arith.muli %arg1, %mul3A_13 : i32
    %add3A_15 = arith.constant 256 : i32
    %add3A_16 = arith.addi %mul3A_14, %add3A_15 : i32
    "tpu.region"() ({
      %run_scoped3A = tpu.sem_alloc : memref<!tpu.dma_semaphore, #tpu.memory_space<semaphore_mem>>
      %dma_start3A = arith.constant 0 : i32
      %dma_start3A_48 = tpu.memref_slice %arg10[%add3A_16, %dma_start3A] : memref<10240x128xf32, #tpu.memory_space<vmem_shared>> -> memref<128x128xf32, #tpu.memory_space<vmem_shared>>
      %dma_start3A_49 = arith.constant 0 : i32
      %dma_start3A_50 = tpu.memref_slice %arg10[%add3A_16, %dma_start3A_49] : memref<10240x128xf32, #tpu.memory_space<vmem_shared>> -> memref<128x128xf32, #tpu.memory_space<vmem_shared>>
      tpu.enqueue_dma source(%arg8 : memref<128x128xf32, #tpu.memory_space<vmem>>) target(%dma_start3A_50 : memref<128x128xf32, #tpu.memory_space<vmem_shared>>) target_semaphore(%run_scoped3A : memref<!tpu.dma_semaphore, #tpu.memory_space<semaphore_mem>>)
      %dma_wait3A = arith.constant 0 : i32
      %dma_wait3A_51 = tpu.memref_slice %arg10[%add3A_16, %dma_wait3A] : memref<10240x128xf32, #tpu.memory_space<vmem_shared>> -> memref<128x128xf32, #tpu.memory_space<vmem_shared>>
      %dma_wait3A_52 = arith.constant 0 : i32
      %dma_wait3A_53 = tpu.memref_slice %arg10[%add3A_16, %dma_wait3A_52] : memref<10240x128xf32, #tpu.memory_space<vmem_shared>> -> memref<128x128xf32, #tpu.memory_space<vmem_shared>>
      tpu.wait_dma2 semaphore(%run_scoped3A : memref<!tpu.dma_semaphore, #tpu.memory_space<semaphore_mem>>) src(%arg8 : memref<128x128xf32, #tpu.memory_space<vmem>>) dst(%dma_wait3A_53 : memref<128x128xf32, #tpu.memory_space<vmem_shared>>)
      tpu.yield
    }) : () -> ()
    %mul3A_17 = arith.constant 640 : i32
    %mul3A_18 = arith.muli %arg1, %mul3A_17 : i32
    %add3A_19 = arith.constant 384 : i32
    %add3A_20 = arith.addi %mul3A_18, %add3A_19 : i32
    "tpu.region"() ({
      %run_scoped3A = tpu.sem_alloc : memref<!tpu.dma_semaphore, #tpu.memory_space<semaphore_mem>>
      %dma_start3A = arith.constant 0 : i32
      %dma_start3A_48 = tpu.memref_slice %arg10[%add3A_20, %dma_start3A] : memref<10240x128xf32, #tpu.memory_space<vmem_shared>> -> memref<128x128xf32, #tpu.memory_space<vmem_shared>>
      %dma_start3A_49 = arith.constant 0 : i32
      %dma_start3A_50 = tpu.memref_slice %arg10[%add3A_20, %dma_start3A_49] : memref<10240x128xf32, #tpu.memory_space<vmem_shared>> -> memref<128x128xf32, #tpu.memory_space<vmem_shared>>
      tpu.enqueue_dma source(%arg8 : memref<128x128xf32, #tpu.memory_space<vmem>>) target(%dma_start3A_50 : memref<128x128xf32, #tpu.memory_space<vmem_shared>>) target_semaphore(%run_scoped3A : memref<!tpu.dma_semaphore, #tpu.memory_space<semaphore_mem>>)
      %dma_wait3A = arith.constant 0 : i32
      %dma_wait3A_51 = tpu.memref_slice %arg10[%add3A_20, %dma_wait3A] : memref<10240x128xf32, #tpu.memory_space<vmem_shared>> -> memref<128x128xf32, #tpu.memory_space<vmem_shared>>
      %dma_wait3A_52 = arith.constant 0 : i32
      %dma_wait3A_53 = tpu.memref_slice %arg10[%add3A_20, %dma_wait3A_52] : memref<10240x128xf32, #tpu.memory_space<vmem_shared>> -> memref<128x128xf32, #tpu.memory_space<vmem_shared>>
      tpu.wait_dma2 semaphore(%run_scoped3A : memref<!tpu.dma_semaphore, #tpu.memory_space<semaphore_mem>>) src(%arg8 : memref<128x128xf32, #tpu.memory_space<vmem>>) dst(%dma_wait3A_53 : memref<128x128xf32, #tpu.memory_space<vmem_shared>>)
      tpu.yield
    }) : () -> ()
    %mul3A_21 = arith.constant 640 : i32
    %mul3A_22 = arith.muli %arg1, %mul3A_21 : i32
    %add3A_23 = arith.constant 512 : i32
    %add3A_24 = arith.addi %mul3A_22, %add3A_23 : i32
    "tpu.region"() ({
      %run_scoped3A = tpu.sem_alloc : memref<!tpu.dma_semaphore, #tpu.memory_space<semaphore_mem>>
      %dma_start3A = arith.constant 0 : i32
      %dma_start3A_48 = tpu.memref_slice %arg10[%add3A_24, %dma_start3A] : memref<10240x128xf32, #tpu.memory_space<vmem_shared>> -> memref<128x128xf32, #tpu.memory_space<vmem_shared>>
      %dma_start3A_49 = arith.constant 0 : i32
      %dma_start3A_50 = tpu.memref_slice %arg10[%add3A_24, %dma_start3A_49] : memref<10240x128xf32, #tpu.memory_space<vmem_shared>> -> memref<128x128xf32, #tpu.memory_space<vmem_shared>>
      tpu.enqueue_dma source(%arg8 : memref<128x128xf32, #tpu.memory_space<vmem>>) target(%dma_start3A_50 : memref<128x128xf32, #tpu.memory_space<vmem_shared>>) target_semaphore(%run_scoped3A : memref<!tpu.dma_semaphore, #tpu.memory_space<semaphore_mem>>)
      %dma_wait3A = arith.constant 0 : i32
      %dma_wait3A_51 = tpu.memref_slice %arg10[%add3A_24, %dma_wait3A] : memref<10240x128xf32, #tpu.memory_space<vmem_shared>> -> memref<128x128xf32, #tpu.memory_space<vmem_shared>>
      %dma_wait3A_52 = arith.constant 0 : i32
      %dma_wait3A_53 = tpu.memref_slice %arg10[%add3A_24, %dma_wait3A_52] : memref<10240x128xf32, #tpu.memory_space<vmem_shared>> -> memref<128x128xf32, #tpu.memory_space<vmem_shared>>
      tpu.wait_dma2 semaphore(%run_scoped3A : memref<!tpu.dma_semaphore, #tpu.memory_space<semaphore_mem>>) src(%arg8 : memref<128x128xf32, #tpu.memory_space<vmem>>) dst(%dma_wait3A_53 : memref<128x128xf32, #tpu.memory_space<vmem_shared>>)
      tpu.yield
    }) : () -> ()
    %barrier3A = arith.constant 0 : index
    tpu.barrier barrier_id(%barrier3A)
    %eq3A = arith.constant 1 : i32
    %eq3A_25 = arith.cmpi eq, %arg0, %eq3A : i32
    %jit3A = arith.constant 2 : i32
    %jit3A_26 = arith.constant 2 : i32
    %select_n3A = arith.select %eq3A_25, %jit3A, %jit3A_26 : i32
    %mul3A_27 = arith.constant 2 : i32
    %mul3A_28 = arith.muli %arg1, %mul3A_27 : i32
    %mul3A_29 = arith.constant 2 : i32
    %mul3A_30 = arith.muli %arg1, %mul3A_29 : i32
    %add3A_31 = arith.constant 32 : i32
    %add3A_32 = arith.addi %add3A_31, %mul3A_30 : i32
    %select_n3A_33 = arith.select %eq3A_25, %mul3A_28, %add3A_32 : i32
    %while3A = arith.constant 0 : i32
    %while3A_34 = arith.constant 0 : i32
    %while3A_35 = arith.subi %select_n3A, %while3A : i32
    %while3A_36 = arith.addi %while3A, %while3A_35 : i32
    %while3A_37 = arith.constant 1 : i32
    %while3A_38 = arith.divsi %while3A_35, %while3A_37 : i32
    %while3A_39 = arith.muli %while3A_38, %while3A_37 : i32
    %while3A_40 = arith.addi %while3A, %while3A_39 : i32
    %while3A_41 = arith.constant 1 : i32
    %while3A_42 = scf.for %while3A_48 = %while3A to %while3A_40 step %while3A_41 iter_args(%while3A_49 = %while3A_34) -> (i32)  : i32 {
      %add3A_50 = arith.addi %select_n3A_33, %while3A_48 : i32
      %mul3A_51 = arith.constant 40 : i32
      %mul3A_52 = arith.muli %add3A_50, %mul3A_51 : i32
      "tpu.region"() ({
        %run_scoped3A = tpu.sem_alloc : memref<!tpu.dma_semaphore, #tpu.memory_space<semaphore_mem>>
        %dma_start3A_113 = arith.constant 0 : i32
        %dma_start3A_114 = tpu.memref_slice %arg2[%mul3A_52, %dma_start3A_113] : memref<2560x128xi32, #tpu.memory_space<hbm>> -> memref<40x128xi32, #tpu.memory_space<hbm>>
        %dma_start3A_115 = arith.constant 0 : i32
        %dma_start3A_116 = tpu.memref_slice %arg2[%mul3A_52, %dma_start3A_115] : memref<2560x128xi32, #tpu.memory_space<hbm>> -> memref<40x128xi32, #tpu.memory_space<hbm>>
        tpu.enqueue_dma source(%dma_start3A_116 : memref<40x128xi32, #tpu.memory_space<hbm>>) target(%arg6 : memref<40x128xi32, #tpu.memory_space<vmem>>) target_semaphore(%run_scoped3A : memref<!tpu.dma_semaphore, #tpu.memory_space<semaphore_mem>>)
        %dma_wait3A_117 = arith.constant 0 : i32
        %dma_wait3A_118 = tpu.memref_slice %arg2[%mul3A_52, %dma_wait3A_117] : memref<2560x128xi32, #tpu.memory_space<hbm>> -> memref<40x128xi32, #tpu.memory_space<hbm>>
        %dma_wait3A_119 = arith.constant 0 : i32
        %dma_wait3A_120 = tpu.memref_slice %arg2[%mul3A_52, %dma_wait3A_119] : memref<2560x128xi32, #tpu.memory_space<hbm>> -> memref<40x128xi32, #tpu.memory_space<hbm>>
        tpu.wait_dma2 semaphore(%run_scoped3A : memref<!tpu.dma_semaphore, #tpu.memory_space<semaphore_mem>>) src(%dma_wait3A_120 : memref<40x128xi32, #tpu.memory_space<hbm>>) dst(%arg6 : memref<40x128xi32, #tpu.memory_space<vmem>>)
        tpu.yield
      }) : () -> ()
      "tpu.region"() ({
        %run_scoped3A = tpu.sem_alloc : memref<!tpu.dma_semaphore, #tpu.memory_space<semaphore_mem>>
        %dma_start3A_113 = arith.constant 0 : i32
        %dma_start3A_114 = tpu.memref_slice %arg3[%mul3A_52, %dma_start3A_113] : memref<2560x128xi32, #tpu.memory_space<hbm>> -> memref<40x128xi32, #tpu.memory_space<hbm>>
        %dma_start3A_115 = arith.constant 0 : i32
        %dma_start3A_116 = tpu.memref_slice %arg3[%mul3A_52, %dma_start3A_115] : memref<2560x128xi32, #tpu.memory_space<hbm>> -> memref<40x128xi32, #tpu.memory_space<hbm>>
        tpu.enqueue_dma source(%dma_start3A_116 : memref<40x128xi32, #tpu.memory_space<hbm>>) target(%arg7 : memref<40x128xi32, #tpu.memory_space<vmem>>) target_semaphore(%run_scoped3A : memref<!tpu.dma_semaphore, #tpu.memory_space<semaphore_mem>>)
        %dma_wait3A_117 = arith.constant 0 : i32
        %dma_wait3A_118 = tpu.memref_slice %arg3[%mul3A_52, %dma_wait3A_117] : memref<2560x128xi32, #tpu.memory_space<hbm>> -> memref<40x128xi32, #tpu.memory_space<hbm>>
        %dma_wait3A_119 = arith.constant 0 : i32
        %dma_wait3A_120 = tpu.memref_slice %arg3[%mul3A_52, %dma_wait3A_119] : memref<2560x128xi32, #tpu.memory_space<hbm>> -> memref<40x128xi32, #tpu.memory_space<hbm>>
        tpu.wait_dma2 semaphore(%run_scoped3A : memref<!tpu.dma_semaphore, #tpu.memory_space<semaphore_mem>>) src(%dma_wait3A_120 : memref<40x128xi32, #tpu.memory_space<hbm>>) dst(%arg7 : memref<40x128xi32, #tpu.memory_space<vmem>>)
        tpu.yield
      }) : () -> ()
      %dma_start3A = arith.constant 0 : i32
      %dma_start3A_53 = arith.constant 0 : i32
      %dma_start3A_54 = arith.constant 0 : i32
      %dma_start3A_55 = tpu.memref_slice %arg8[%dma_start3A_53, %dma_start3A_54] : memref<128x128xf32, #tpu.memory_space<vmem>> -> memref<64x128xf32, #tpu.memory_space<vmem>>
      %dma_start3A_56 = arith.constant 0 : i32
      %dma_start3A_57 = tpu.memref_slice %arg6[%dma_start3A, %dma_start3A_56] : memref<40x128xi32, #tpu.memory_space<vmem>> -> memref<1x64xi32, #tpu.memory_space<vmem>>
      %dma_start3A_58 = tpu.memref_squeeze %dma_start3A_57 : memref<1x64xi32, #tpu.memory_space<vmem>> -> memref<64xi32, #tpu.memory_space<vmem>>
      %dma_start3A_59 = arith.constant 0 : i32
      %dma_start3A_60 = arith.constant 0 : i32
      %dma_start3A_61 = tpu.memref_slice %arg4[%dma_start3A_59, %dma_start3A_60] : memref<10000x128xf32, #tpu.memory_space<hbm>> -> memref<10000x128xf32, #tpu.memory_space<hbm>>
      tpu.enqueue_indirect_dma source(%dma_start3A_61 : memref<10000x128xf32, #tpu.memory_space<hbm>>) target(%dma_start3A_55 : memref<64x128xf32, #tpu.memory_space<vmem>>) offsets(%dma_start3A_58 : memref<64xi32, #tpu.memory_space<vmem>>) semaphore(%arg11 : memref<!tpu.dma_semaphore, #tpu.memory_space<semaphore_mem>>)
      %dma_start3A_62 = arith.constant 0 : i32
      %dma_start3A_63 = arith.constant 64 : i32
      %dma_start3A_64 = arith.constant 0 : i32
      %dma_start3A_65 = tpu.memref_slice %arg8[%dma_start3A_63, %dma_start3A_64] : memref<128x128xf32, #tpu.memory_space<vmem>> -> memref<64x128xf32, #tpu.memory_space<vmem>>
      %dma_start3A_66 = arith.constant 64 : i32
      %dma_start3A_67 = tpu.memref_slice %arg6[%dma_start3A_62, %dma_start3A_66] : memref<40x128xi32, #tpu.memory_space<vmem>> -> memref<1x64xi32, #tpu.memory_space<vmem>>
      %dma_start3A_68 = tpu.memref_squeeze %dma_start3A_67 : memref<1x64xi32, #tpu.memory_space<vmem>> -> memref<64xi32, #tpu.memory_space<vmem>>
      %dma_start3A_69 = arith.constant 0 : i32
      %dma_start3A_70 = arith.constant 0 : i32
      %dma_start3A_71 = tpu.memref_slice %arg4[%dma_start3A_69, %dma_start3A_70] : memref<10000x128xf32, #tpu.memory_space<hbm>> -> memref<10000x128xf32, #tpu.memory_space<hbm>>
      tpu.enqueue_indirect_dma source(%dma_start3A_71 : memref<10000x128xf32, #tpu.memory_space<hbm>>) target(%dma_start3A_65 : memref<64x128xf32, #tpu.memory_space<vmem>>) offsets(%dma_start3A_68 : memref<64xi32, #tpu.memory_space<vmem>>) semaphore(%arg11 : memref<!tpu.dma_semaphore, #tpu.memory_space<semaphore_mem>>)
      %dma_start3A_72 = arith.constant 1 : i32
      %dma_start3A_73 = arith.constant 0 : i32
      %dma_start3A_74 = arith.constant 0 : i32
      %dma_start3A_75 = tpu.memref_slice %arg9[%dma_start3A_73, %dma_start3A_74] : memref<128x128xf32, #tpu.memory_space<vmem>> -> memref<64x128xf32, #tpu.memory_space<vmem>>
      %dma_start3A_76 = arith.constant 0 : i32
      %dma_start3A_77 = tpu.memref_slice %arg6[%dma_start3A_72, %dma_start3A_76] : memref<40x128xi32, #tpu.memory_space<vmem>> -> memref<1x64xi32, #tpu.memory_space<vmem>>
      %dma_start3A_78 = tpu.memref_squeeze %dma_start3A_77 : memref<1x64xi32, #tpu.memory_space<vmem>> -> memref<64xi32, #tpu.memory_space<vmem>>
      %dma_start3A_79 = arith.constant 0 : i32
      %dma_start3A_80 = arith.constant 0 : i32
      %dma_start3A_81 = tpu.memref_slice %arg4[%dma_start3A_79, %dma_start3A_80] : memref<10000x128xf32, #tpu.memory_space<hbm>> -> memref<10000x128xf32, #tpu.memory_space<hbm>>
      tpu.enqueue_indirect_dma source(%dma_start3A_81 : memref<10000x128xf32, #tpu.memory_space<hbm>>) target(%dma_start3A_75 : memref<64x128xf32, #tpu.memory_space<vmem>>) offsets(%dma_start3A_78 : memref<64xi32, #tpu.memory_space<vmem>>) semaphore(%arg12 : memref<!tpu.dma_semaphore, #tpu.memory_space<semaphore_mem>>)
      %dma_start3A_82 = arith.constant 1 : i32
      %dma_start3A_83 = arith.constant 64 : i32
      %dma_start3A_84 = arith.constant 0 : i32
      %dma_start3A_85 = tpu.memref_slice %arg9[%dma_start3A_83, %dma_start3A_84] : memref<128x128xf32, #tpu.memory_space<vmem>> -> memref<64x128xf32, #tpu.memory_space<vmem>>
      %dma_start3A_86 = arith.constant 64 : i32
      %dma_start3A_87 = tpu.memref_slice %arg6[%dma_start3A_82, %dma_start3A_86] : memref<40x128xi32, #tpu.memory_space<vmem>> -> memref<1x64xi32, #tpu.memory_space<vmem>>
      %dma_start3A_88 = tpu.memref_squeeze %dma_start3A_87 : memref<1x64xi32, #tpu.memory_space<vmem>> -> memref<64xi32, #tpu.memory_space<vmem>>
      %dma_start3A_89 = arith.constant 0 : i32
      %dma_start3A_90 = arith.constant 0 : i32
      %dma_start3A_91 = tpu.memref_slice %arg4[%dma_start3A_89, %dma_start3A_90] : memref<10000x128xf32, #tpu.memory_space<hbm>> -> memref<10000x128xf32, #tpu.memory_space<hbm>>
      tpu.enqueue_indirect_dma source(%dma_start3A_91 : memref<10000x128xf32, #tpu.memory_space<hbm>>) target(%dma_start3A_85 : memref<64x128xf32, #tpu.memory_space<vmem>>) offsets(%dma_start3A_88 : memref<64xi32, #tpu.memory_space<vmem>>) semaphore(%arg12 : memref<!tpu.dma_semaphore, #tpu.memory_space<semaphore_mem>>)
      %scan3A_92 = arith.constant 0 : i32
      %scan3A_93 = arith.constant 0 : i32
      %scan3A_94 = arith.constant 20 : i32
      %scan3A_95 = arith.addi %scan3A_93, %scan3A_94 : i32
      %scan3A_96 = arith.constant 1 : i32
      %scan3A_97 = scf.for %scan3A_113 = %scan3A_93 to %scan3A_95 step %scan3A_96 iter_args(%scan3A_114 = %scan3A_92) -> (i32)  : i32 {
        %mul3A_115 = arith.constant 2 : i32
        %mul3A_116 = arith.muli %mul3A_115, %scan3A_113 : i32
        %mul3A_117 = arith.constant 2 : i32
        %mul3A_118 = arith.muli %mul3A_117, %scan3A_113 : i32
        %add3A_119 = arith.constant 1 : i32
        %add3A_120 = arith.addi %mul3A_118, %add3A_119 : i32
        %dma_wait3A_121 = arith.constant 0 : i32
        %dma_wait3A_122 = tpu.memref_slice %arg6[%mul3A_116, %dma_wait3A_121] : memref<40x128xi32, #tpu.memory_space<vmem>> -> memref<1x128xi32, #tpu.memory_space<vmem>>
        %dma_wait3A_123 = tpu.memref_squeeze %dma_wait3A_122 : memref<1x128xi32, #tpu.memory_space<vmem>> -> memref<128xi32, #tpu.memory_space<vmem>>
        %dma_wait3A_124 = arith.constant 0 : i32
        %dma_wait3A_125 = arith.constant 0 : i32
        %dma_wait3A_126 = tpu.memref_slice %arg4[%dma_wait3A_124, %dma_wait3A_125] : memref<10000x128xf32, #tpu.memory_space<hbm>> -> memref<10000x128xf32, #tpu.memory_space<hbm>>
        tpu.wait_indirect_dma semaphore(%arg11 : memref<!tpu.dma_semaphore, #tpu.memory_space<semaphore_mem>>) src(%dma_wait3A_126 : memref<10000x128xf32, #tpu.memory_space<hbm>>) dst(%arg8 : memref<128x128xf32, #tpu.memory_space<vmem>>)
        %dma_start3A_127 = arith.constant 0 : i32
        %dma_start3A_128 = tpu.memref_slice %arg7[%mul3A_116, %dma_start3A_127] : memref<40x128xi32, #tpu.memory_space<vmem>> -> memref<1x128xi32, #tpu.memory_space<vmem>>
        %dma_start3A_129 = tpu.memref_squeeze %dma_start3A_128 : memref<1x128xi32, #tpu.memory_space<vmem>> -> memref<128xi32, #tpu.memory_space<vmem>>
        %dma_start3A_130 = arith.constant 0 : i32
        %dma_start3A_131 = arith.constant 0 : i32
        %dma_start3A_132 = tpu.memref_slice %arg10[%dma_start3A_130, %dma_start3A_131] : memref<10240x128xf32, #tpu.memory_space<vmem_shared>> -> memref<10240x128xf32, #tpu.memory_space<vmem_shared>>
        tpu.enqueue_indirect_dma source(%arg8 : memref<128x128xf32, #tpu.memory_space<vmem>>) target(%dma_start3A_132 : memref<10240x128xf32, #tpu.memory_space<vmem_shared>>) offsets(%dma_start3A_129 : memref<128xi32, #tpu.memory_space<vmem>>) semaphore(%arg13 : memref<!tpu.dma_semaphore, #tpu.memory_space<semaphore_mem>>) {add = true}
        %dma_wait3A_133 = arith.constant 0 : i32
        %dma_wait3A_134 = tpu.memref_slice %arg6[%add3A_120, %dma_wait3A_133] : memref<40x128xi32, #tpu.memory_space<vmem>> -> memref<1x128xi32, #tpu.memory_space<vmem>>
        %dma_wait3A_135 = tpu.memref_squeeze %dma_wait3A_134 : memref<1x128xi32, #tpu.memory_space<vmem>> -> memref<128xi32, #tpu.memory_space<vmem>>
        %dma_wait3A_136 = arith.constant 0 : i32
        %dma_wait3A_137 = arith.constant 0 : i32
        %dma_wait3A_138 = tpu.memref_slice %arg4[%dma_wait3A_136, %dma_wait3A_137] : memref<10000x128xf32, #tpu.memory_space<hbm>> -> memref<10000x128xf32, #tpu.memory_space<hbm>>
        tpu.wait_indirect_dma semaphore(%arg12 : memref<!tpu.dma_semaphore, #tpu.memory_space<semaphore_mem>>) src(%dma_wait3A_138 : memref<10000x128xf32, #tpu.memory_space<hbm>>) dst(%arg9 : memref<128x128xf32, #tpu.memory_space<vmem>>)
        %dma_start3A_139 = arith.constant 0 : i32
        %dma_start3A_140 = tpu.memref_slice %arg7[%add3A_120, %dma_start3A_139] : memref<40x128xi32, #tpu.memory_space<vmem>> -> memref<1x128xi32, #tpu.memory_space<vmem>>
        %dma_start3A_141 = tpu.memref_squeeze %dma_start3A_140 : memref<1x128xi32, #tpu.memory_space<vmem>> -> memref<128xi32, #tpu.memory_space<vmem>>
        %dma_start3A_142 = arith.constant 0 : i32
        %dma_start3A_143 = arith.constant 0 : i32
        %dma_start3A_144 = tpu.memref_slice %arg10[%dma_start3A_142, %dma_start3A_143] : memref<10240x128xf32, #tpu.memory_space<vmem_shared>> -> memref<10240x128xf32, #tpu.memory_space<vmem_shared>>
        tpu.enqueue_indirect_dma source(%arg9 : memref<128x128xf32, #tpu.memory_space<vmem>>) target(%dma_start3A_144 : memref<10240x128xf32, #tpu.memory_space<vmem_shared>>) offsets(%dma_start3A_141 : memref<128xi32, #tpu.memory_space<vmem>>) semaphore(%arg14 : memref<!tpu.dma_semaphore, #tpu.memory_space<semaphore_mem>>) {add = true}
        %lt3A = arith.constant 19 : i32
        %lt3A_145 = arith.cmpi slt, %scan3A_113, %lt3A : i32
        %convert_element_type3A = arith.extui %lt3A_145 : i1 to i32
        %cond3A = arith.constant 0 : i32
        %cond3A_146 = arith.cmpi ne, %convert_element_type3A, %cond3A : i32
        scf.if %cond3A_146 {
          %dma_wait3A_148 = arith.constant 0 : i32
          %dma_wait3A_149 = tpu.memref_slice %arg7[%mul3A_116, %dma_wait3A_148] : memref<40x128xi32, #tpu.memory_space<vmem>> -> memref<1x128xi32, #tpu.memory_space<vmem>>
          %dma_wait3A_150 = tpu.memref_squeeze %dma_wait3A_149 : memref<1x128xi32, #tpu.memory_space<vmem>> -> memref<128xi32, #tpu.memory_space<vmem>>
          %dma_wait3A_151 = arith.constant 0 : i32
          %dma_wait3A_152 = arith.constant 0 : i32
          %dma_wait3A_153 = tpu.memref_slice %arg10[%dma_wait3A_151, %dma_wait3A_152] : memref<10240x128xf32, #tpu.memory_space<vmem_shared>> -> memref<10240x128xf32, #tpu.memory_space<vmem_shared>>
          tpu.wait_indirect_dma semaphore(%arg13 : memref<!tpu.dma_semaphore, #tpu.memory_space<semaphore_mem>>) src(%arg8 : memref<128x128xf32, #tpu.memory_space<vmem>>) dst(%dma_wait3A_153 : memref<10240x128xf32, #tpu.memory_space<vmem_shared>>)
          %add3A_154 = arith.constant 2 : i32
          %add3A_155 = arith.addi %mul3A_116, %add3A_154 : i32
          %dma_start3A_156 = arith.constant 0 : i32
          %dma_start3A_157 = arith.constant 0 : i32
          %dma_start3A_158 = tpu.memref_slice %arg8[%dma_start3A_156, %dma_start3A_157] : memref<128x128xf32, #tpu.memory_space<vmem>> -> memref<64x128xf32, #tpu.memory_space<vmem>>
          %dma_start3A_159 = arith.constant 0 : i32
          %dma_start3A_160 = tpu.memref_slice %arg6[%add3A_155, %dma_start3A_159] : memref<40x128xi32, #tpu.memory_space<vmem>> -> memref<1x64xi32, #tpu.memory_space<vmem>>
          %dma_start3A_161 = tpu.memref_squeeze %dma_start3A_160 : memref<1x64xi32, #tpu.memory_space<vmem>> -> memref<64xi32, #tpu.memory_space<vmem>>
          %dma_start3A_162 = arith.constant 0 : i32
          %dma_start3A_163 = arith.constant 0 : i32
          %dma_start3A_164 = tpu.memref_slice %arg4[%dma_start3A_162, %dma_start3A_163] : memref<10000x128xf32, #tpu.memory_space<hbm>> -> memref<10000x128xf32, #tpu.memory_space<hbm>>
          tpu.enqueue_indirect_dma source(%dma_start3A_164 : memref<10000x128xf32, #tpu.memory_space<hbm>>) target(%dma_start3A_158 : memref<64x128xf32, #tpu.memory_space<vmem>>) offsets(%dma_start3A_161 : memref<64xi32, #tpu.memory_space<vmem>>) semaphore(%arg11 : memref<!tpu.dma_semaphore, #tpu.memory_space<semaphore_mem>>)
          %dma_start3A_165 = arith.constant 64 : i32
          %dma_start3A_166 = arith.constant 0 : i32
          %dma_start3A_167 = tpu.memref_slice %arg8[%dma_start3A_165, %dma_start3A_166] : memref<128x128xf32, #tpu.memory_space<vmem>> -> memref<64x128xf32, #tpu.memory_space<vmem>>
          %dma_start3A_168 = arith.constant 64 : i32
          %dma_start3A_169 = tpu.memref_slice %arg6[%add3A_155, %dma_start3A_168] : memref<40x128xi32, #tpu.memory_space<vmem>> -> memref<1x64xi32, #tpu.memory_space<vmem>>
          %dma_start3A_170 = tpu.memref_squeeze %dma_start3A_169 : memref<1x64xi32, #tpu.memory_space<vmem>> -> memref<64xi32, #tpu.memory_space<vmem>>
          %dma_start3A_171 = arith.constant 0 : i32
          %dma_start3A_172 = arith.constant 0 : i32
          %dma_start3A_173 = tpu.memref_slice %arg4[%dma_start3A_171, %dma_start3A_172] : memref<10000x128xf32, #tpu.memory_space<hbm>> -> memref<10000x128xf32, #tpu.memory_space<hbm>>
          tpu.enqueue_indirect_dma source(%dma_start3A_173 : memref<10000x128xf32, #tpu.memory_space<hbm>>) target(%dma_start3A_167 : memref<64x128xf32, #tpu.memory_space<vmem>>) offsets(%dma_start3A_170 : memref<64xi32, #tpu.memory_space<vmem>>) semaphore(%arg11 : memref<!tpu.dma_semaphore, #tpu.memory_space<semaphore_mem>>)
          %dma_wait3A_174 = arith.constant 0 : i32
          %dma_wait3A_175 = tpu.memref_slice %arg7[%add3A_120, %dma_wait3A_174] : memref<40x128xi32, #tpu.memory_space<vmem>> -> memref<1x128xi32, #tpu.memory_space<vmem>>
          %dma_wait3A_176 = tpu.memref_squeeze %dma_wait3A_175 : memref<1x128xi32, #tpu.memory_space<vmem>> -> memref<128xi32, #tpu.memory_space<vmem>>
          %dma_wait3A_177 = arith.constant 0 : i32
          %dma_wait3A_178 = arith.constant 0 : i32
          %dma_wait3A_179 = tpu.memref_slice %arg10[%dma_wait3A_177, %dma_wait3A_178] : memref<10240x128xf32, #tpu.memory_space<vmem_shared>> -> memref<10240x128xf32, #tpu.memory_space<vmem_shared>>
          tpu.wait_indirect_dma semaphore(%arg14 : memref<!tpu.dma_semaphore, #tpu.memory_space<semaphore_mem>>) src(%arg9 : memref<128x128xf32, #tpu.memory_space<vmem>>) dst(%dma_wait3A_179 : memref<10240x128xf32, #tpu.memory_space<vmem_shared>>)
          %add3A_180 = arith.constant 2 : i32
          %add3A_181 = arith.addi %add3A_120, %add3A_180 : i32
          %dma_start3A_182 = arith.constant 0 : i32
          %dma_start3A_183 = arith.constant 0 : i32
          %dma_start3A_184 = tpu.memref_slice %arg9[%dma_start3A_182, %dma_start3A_183] : memref<128x128xf32, #tpu.memory_space<vmem>> -> memref<64x128xf32, #tpu.memory_space<vmem>>
          %dma_start3A_185 = arith.constant 0 : i32
          %dma_start3A_186 = tpu.memref_slice %arg6[%add3A_181, %dma_start3A_185] : memref<40x128xi32, #tpu.memory_space<vmem>> -> memref<1x64xi32, #tpu.memory_space<vmem>>
          %dma_start3A_187 = tpu.memref_squeeze %dma_start3A_186 : memref<1x64xi32, #tpu.memory_space<vmem>> -> memref<64xi32, #tpu.memory_space<vmem>>
          %dma_start3A_188 = arith.constant 0 : i32
          %dma_start3A_189 = arith.constant 0 : i32
          %dma_start3A_190 = tpu.memref_slice %arg4[%dma_start3A_188, %dma_start3A_189] : memref<10000x128xf32, #tpu.memory_space<hbm>> -> memref<10000x128xf32, #tpu.memory_space<hbm>>
          tpu.enqueue_indirect_dma source(%dma_start3A_190 : memref<10000x128xf32, #tpu.memory_space<hbm>>) target(%dma_start3A_184 : memref<64x128xf32, #tpu.memory_space<vmem>>) offsets(%dma_start3A_187 : memref<64xi32, #tpu.memory_space<vmem>>) semaphore(%arg12 : memref<!tpu.dma_semaphore, #tpu.memory_space<semaphore_mem>>)
          %dma_start3A_191 = arith.constant 64 : i32
          %dma_start3A_192 = arith.constant 0 : i32
          %dma_start3A_193 = tpu.memref_slice %arg9[%dma_start3A_191, %dma_start3A_192] : memref<128x128xf32, #tpu.memory_space<vmem>> -> memref<64x128xf32, #tpu.memory_space<vmem>>
          %dma_start3A_194 = arith.constant 64 : i32
          %dma_start3A_195 = tpu.memref_slice %arg6[%add3A_181, %dma_start3A_194] : memref<40x128xi32, #tpu.memory_space<vmem>> -> memref<1x64xi32, #tpu.memory_space<vmem>>
          %dma_start3A_196 = tpu.memref_squeeze %dma_start3A_195 : memref<1x64xi32, #tpu.memory_space<vmem>> -> memref<64xi32, #tpu.memory_space<vmem>>
          %dma_start3A_197 = arith.constant 0 : i32
          %dma_start3A_198 = arith.constant 0 : i32
          %dma_start3A_199 = tpu.memref_slice %arg4[%dma_start3A_197, %dma_start3A_198] : memref<10000x128xf32, #tpu.memory_space<hbm>> -> memref<10000x128xf32, #tpu.memory_space<hbm>>
          tpu.enqueue_indirect_dma source(%dma_start3A_199 : memref<10000x128xf32, #tpu.memory_space<hbm>>) target(%dma_start3A_193 : memref<64x128xf32, #tpu.memory_space<vmem>>) offsets(%dma_start3A_196 : memref<64xi32, #tpu.memory_space<vmem>>) semaphore(%arg12 : memref<!tpu.dma_semaphore, #tpu.memory_space<semaphore_mem>>)
        } else {
        }
        %scan3A_147 = arith.constant 0 : i32
        scf.yield %scan3A_147 : i32
      }
      %scan3A_98 = arith.constant 20 : i32
      %dma_wait3A = arith.constant 38 : i32
      %dma_wait3A_99 = arith.constant 0 : i32
      %dma_wait3A_100 = tpu.memref_slice %arg7[%dma_wait3A, %dma_wait3A_99] : memref<40x128xi32, #tpu.memory_space<vmem>> -> memref<1x128xi32, #tpu.memory_space<vmem>>
      %dma_wait3A_101 = tpu.memref_squeeze %dma_wait3A_100 : memref<1x128xi32, #tpu.memory_space<vmem>> -> memref<128xi32, #tpu.memory_space<vmem>>
      %dma_wait3A_102 = arith.constant 0 : i32
      %dma_wait3A_103 = arith.constant 0 : i32
      %dma_wait3A_104 = tpu.memref_slice %arg10[%dma_wait3A_102, %dma_wait3A_103] : memref<10240x128xf32, #tpu.memory_space<vmem_shared>> -> memref<10240x128xf32, #tpu.memory_space<vmem_shared>>
      tpu.wait_indirect_dma semaphore(%arg13 : memref<!tpu.dma_semaphore, #tpu.memory_space<semaphore_mem>>) src(%arg8 : memref<128x128xf32, #tpu.memory_space<vmem>>) dst(%dma_wait3A_104 : memref<10240x128xf32, #tpu.memory_space<vmem_shared>>)
      %dma_wait3A_105 = arith.constant 39 : i32
      %dma_wait3A_106 = arith.constant 0 : i32
      %dma_wait3A_107 = tpu.memref_slice %arg7[%dma_wait3A_105, %dma_wait3A_106] : memref<40x128xi32, #tpu.memory_space<vmem>> -> memref<1x128xi32, #tpu.memory_space<vmem>>
      %dma_wait3A_108 = tpu.memref_squeeze %dma_wait3A_107 : memref<1x128xi32, #tpu.memory_space<vmem>> -> memref<128xi32, #tpu.memory_space<vmem>>
      %dma_wait3A_109 = arith.constant 0 : i32
      %dma_wait3A_110 = arith.constant 0 : i32
      %dma_wait3A_111 = tpu.memref_slice %arg10[%dma_wait3A_109, %dma_wait3A_110] : memref<10240x128xf32, #tpu.memory_space<vmem_shared>> -> memref<10240x128xf32, #tpu.memory_space<vmem_shared>>
      tpu.wait_indirect_dma semaphore(%arg14 : memref<!tpu.dma_semaphore, #tpu.memory_space<semaphore_mem>>) src(%arg9 : memref<128x128xf32, #tpu.memory_space<vmem>>) dst(%dma_wait3A_111 : memref<10240x128xf32, #tpu.memory_space<vmem_shared>>)
      %while3A_112 = arith.constant 0 : i32
      scf.yield %while3A_112 : i32
    }
    %while3A_43 = arith.constant 1 : i32
    %while3A_44 = scf.for %while3A_48 = %while3A_40 to %while3A_36 step %while3A_43 iter_args(%while3A_49 = %while3A_42) -> (i32)  : i32 {
      %add3A_50 = arith.addi %select_n3A_33, %while3A_48 : i32
      %mul3A_51 = arith.constant 40 : i32
      %mul3A_52 = arith.muli %add3A_50, %mul3A_51 : i32
      "tpu.region"() ({
        %run_scoped3A = tpu.sem_alloc : memref<!tpu.dma_semaphore, #tpu.memory_space<semaphore_mem>>
        %dma_start3A_113 = arith.constant 0 : i32
        %dma_start3A_114 = tpu.memref_slice %arg2[%mul3A_52, %dma_start3A_113] : memref<2560x128xi32, #tpu.memory_space<hbm>> -> memref<40x128xi32, #tpu.memory_space<hbm>>
        %dma_start3A_115 = arith.constant 0 : i32
        %dma_start3A_116 = tpu.memref_slice %arg2[%mul3A_52, %dma_start3A_115] : memref<2560x128xi32, #tpu.memory_space<hbm>> -> memref<40x128xi32, #tpu.memory_space<hbm>>
        tpu.enqueue_dma source(%dma_start3A_116 : memref<40x128xi32, #tpu.memory_space<hbm>>) target(%arg6 : memref<40x128xi32, #tpu.memory_space<vmem>>) target_semaphore(%run_scoped3A : memref<!tpu.dma_semaphore, #tpu.memory_space<semaphore_mem>>)
        %dma_wait3A_117 = arith.constant 0 : i32
        %dma_wait3A_118 = tpu.memref_slice %arg2[%mul3A_52, %dma_wait3A_117] : memref<2560x128xi32, #tpu.memory_space<hbm>> -> memref<40x128xi32, #tpu.memory_space<hbm>>
        %dma_wait3A_119 = arith.constant 0 : i32
        %dma_wait3A_120 = tpu.memref_slice %arg2[%mul3A_52, %dma_wait3A_119] : memref<2560x128xi32, #tpu.memory_space<hbm>> -> memref<40x128xi32, #tpu.memory_space<hbm>>
        tpu.wait_dma2 semaphore(%run_scoped3A : memref<!tpu.dma_semaphore, #tpu.memory_space<semaphore_mem>>) src(%dma_wait3A_120 : memref<40x128xi32, #tpu.memory_space<hbm>>) dst(%arg6 : memref<40x128xi32, #tpu.memory_space<vmem>>)
        tpu.yield
      }) : () -> ()
      "tpu.region"() ({
        %run_scoped3A = tpu.sem_alloc : memref<!tpu.dma_semaphore, #tpu.memory_space<semaphore_mem>>
        %dma_start3A_113 = arith.constant 0 : i32
        %dma_start3A_114 = tpu.memref_slice %arg3[%mul3A_52, %dma_start3A_113] : memref<2560x128xi32, #tpu.memory_space<hbm>> -> memref<40x128xi32, #tpu.memory_space<hbm>>
        %dma_start3A_115 = arith.constant 0 : i32
        %dma_start3A_116 = tpu.memref_slice %arg3[%mul3A_52, %dma_start3A_115] : memref<2560x128xi32, #tpu.memory_space<hbm>> -> memref<40x128xi32, #tpu.memory_space<hbm>>
        tpu.enqueue_dma source(%dma_start3A_116 : memref<40x128xi32, #tpu.memory_space<hbm>>) target(%arg7 : memref<40x128xi32, #tpu.memory_space<vmem>>) target_semaphore(%run_scoped3A : memref<!tpu.dma_semaphore, #tpu.memory_space<semaphore_mem>>)
        %dma_wait3A_117 = arith.constant 0 : i32
        %dma_wait3A_118 = tpu.memref_slice %arg3[%mul3A_52, %dma_wait3A_117] : memref<2560x128xi32, #tpu.memory_space<hbm>> -> memref<40x128xi32, #tpu.memory_space<hbm>>
        %dma_wait3A_119 = arith.constant 0 : i32
        %dma_wait3A_120 = tpu.memref_slice %arg3[%mul3A_52, %dma_wait3A_119] : memref<2560x128xi32, #tpu.memory_space<hbm>> -> memref<40x128xi32, #tpu.memory_space<hbm>>
        tpu.wait_dma2 semaphore(%run_scoped3A : memref<!tpu.dma_semaphore, #tpu.memory_space<semaphore_mem>>) src(%dma_wait3A_120 : memref<40x128xi32, #tpu.memory_space<hbm>>) dst(%arg7 : memref<40x128xi32, #tpu.memory_space<vmem>>)
        tpu.yield
      }) : () -> ()
      %dma_start3A = arith.constant 0 : i32
      %dma_start3A_53 = arith.constant 0 : i32
      %dma_start3A_54 = arith.constant 0 : i32
      %dma_start3A_55 = tpu.memref_slice %arg8[%dma_start3A_53, %dma_start3A_54] : memref<128x128xf32, #tpu.memory_space<vmem>> -> memref<64x128xf32, #tpu.memory_space<vmem>>
      %dma_start3A_56 = arith.constant 0 : i32
      %dma_start3A_57 = tpu.memref_slice %arg6[%dma_start3A, %dma_start3A_56] : memref<40x128xi32, #tpu.memory_space<vmem>> -> memref<1x64xi32, #tpu.memory_space<vmem>>
      %dma_start3A_58 = tpu.memref_squeeze %dma_start3A_57 : memref<1x64xi32, #tpu.memory_space<vmem>> -> memref<64xi32, #tpu.memory_space<vmem>>
      %dma_start3A_59 = arith.constant 0 : i32
      %dma_start3A_60 = arith.constant 0 : i32
      %dma_start3A_61 = tpu.memref_slice %arg4[%dma_start3A_59, %dma_start3A_60] : memref<10000x128xf32, #tpu.memory_space<hbm>> -> memref<10000x128xf32, #tpu.memory_space<hbm>>
      tpu.enqueue_indirect_dma source(%dma_start3A_61 : memref<10000x128xf32, #tpu.memory_space<hbm>>) target(%dma_start3A_55 : memref<64x128xf32, #tpu.memory_space<vmem>>) offsets(%dma_start3A_58 : memref<64xi32, #tpu.memory_space<vmem>>) semaphore(%arg11 : memref<!tpu.dma_semaphore, #tpu.memory_space<semaphore_mem>>)
      %dma_start3A_62 = arith.constant 0 : i32
      %dma_start3A_63 = arith.constant 64 : i32
      %dma_start3A_64 = arith.constant 0 : i32
      %dma_start3A_65 = tpu.memref_slice %arg8[%dma_start3A_63, %dma_start3A_64] : memref<128x128xf32, #tpu.memory_space<vmem>> -> memref<64x128xf32, #tpu.memory_space<vmem>>
      %dma_start3A_66 = arith.constant 64 : i32
      %dma_start3A_67 = tpu.memref_slice %arg6[%dma_start3A_62, %dma_start3A_66] : memref<40x128xi32, #tpu.memory_space<vmem>> -> memref<1x64xi32, #tpu.memory_space<vmem>>
      %dma_start3A_68 = tpu.memref_squeeze %dma_start3A_67 : memref<1x64xi32, #tpu.memory_space<vmem>> -> memref<64xi32, #tpu.memory_space<vmem>>
      %dma_start3A_69 = arith.constant 0 : i32
      %dma_start3A_70 = arith.constant 0 : i32
      %dma_start3A_71 = tpu.memref_slice %arg4[%dma_start3A_69, %dma_start3A_70] : memref<10000x128xf32, #tpu.memory_space<hbm>> -> memref<10000x128xf32, #tpu.memory_space<hbm>>
      tpu.enqueue_indirect_dma source(%dma_start3A_71 : memref<10000x128xf32, #tpu.memory_space<hbm>>) target(%dma_start3A_65 : memref<64x128xf32, #tpu.memory_space<vmem>>) offsets(%dma_start3A_68 : memref<64xi32, #tpu.memory_space<vmem>>) semaphore(%arg11 : memref<!tpu.dma_semaphore, #tpu.memory_space<semaphore_mem>>)
      %dma_start3A_72 = arith.constant 1 : i32
      %dma_start3A_73 = arith.constant 0 : i32
      %dma_start3A_74 = arith.constant 0 : i32
      %dma_start3A_75 = tpu.memref_slice %arg9[%dma_start3A_73, %dma_start3A_74] : memref<128x128xf32, #tpu.memory_space<vmem>> -> memref<64x128xf32, #tpu.memory_space<vmem>>
      %dma_start3A_76 = arith.constant 0 : i32
      %dma_start3A_77 = tpu.memref_slice %arg6[%dma_start3A_72, %dma_start3A_76] : memref<40x128xi32, #tpu.memory_space<vmem>> -> memref<1x64xi32, #tpu.memory_space<vmem>>
      %dma_start3A_78 = tpu.memref_squeeze %dma_start3A_77 : memref<1x64xi32, #tpu.memory_space<vmem>> -> memref<64xi32, #tpu.memory_space<vmem>>
      %dma_start3A_79 = arith.constant 0 : i32
      %dma_start3A_80 = arith.constant 0 : i32
      %dma_start3A_81 = tpu.memref_slice %arg4[%dma_start3A_79, %dma_start3A_80] : memref<10000x128xf32, #tpu.memory_space<hbm>> -> memref<10000x128xf32, #tpu.memory_space<hbm>>
      tpu.enqueue_indirect_dma source(%dma_start3A_81 : memref<10000x128xf32, #tpu.memory_space<hbm>>) target(%dma_start3A_75 : memref<64x128xf32, #tpu.memory_space<vmem>>) offsets(%dma_start3A_78 : memref<64xi32, #tpu.memory_space<vmem>>) semaphore(%arg12 : memref<!tpu.dma_semaphore, #tpu.memory_space<semaphore_mem>>)
      %dma_start3A_82 = arith.constant 1 : i32
      %dma_start3A_83 = arith.constant 64 : i32
      %dma_start3A_84 = arith.constant 0 : i32
      %dma_start3A_85 = tpu.memref_slice %arg9[%dma_start3A_83, %dma_start3A_84] : memref<128x128xf32, #tpu.memory_space<vmem>> -> memref<64x128xf32, #tpu.memory_space<vmem>>
      %dma_start3A_86 = arith.constant 64 : i32
      %dma_start3A_87 = tpu.memref_slice %arg6[%dma_start3A_82, %dma_start3A_86] : memref<40x128xi32, #tpu.memory_space<vmem>> -> memref<1x64xi32, #tpu.memory_space<vmem>>
      %dma_start3A_88 = tpu.memref_squeeze %dma_start3A_87 : memref<1x64xi32, #tpu.memory_space<vmem>> -> memref<64xi32, #tpu.memory_space<vmem>>
      %dma_start3A_89 = arith.constant 0 : i32
      %dma_start3A_90 = arith.constant 0 : i32
      %dma_start3A_91 = tpu.memref_slice %arg4[%dma_start3A_89, %dma_start3A_90] : memref<10000x128xf32, #tpu.memory_space<hbm>> -> memref<10000x128xf32, #tpu.memory_space<hbm>>
      tpu.enqueue_indirect_dma source(%dma_start3A_91 : memref<10000x128xf32, #tpu.memory_space<hbm>>) target(%dma_start3A_85 : memref<64x128xf32, #tpu.memory_space<vmem>>) offsets(%dma_start3A_88 : memref<64xi32, #tpu.memory_space<vmem>>) semaphore(%arg12 : memref<!tpu.dma_semaphore, #tpu.memory_space<semaphore_mem>>)
      %scan3A_92 = arith.constant 0 : i32
      %scan3A_93 = arith.constant 0 : i32
      %scan3A_94 = arith.constant 20 : i32
      %scan3A_95 = arith.addi %scan3A_93, %scan3A_94 : i32
      %scan3A_96 = arith.constant 1 : i32
      %scan3A_97 = scf.for %scan3A_113 = %scan3A_93 to %scan3A_95 step %scan3A_96 iter_args(%scan3A_114 = %scan3A_92) -> (i32)  : i32 {
        %mul3A_115 = arith.constant 2 : i32
        %mul3A_116 = arith.muli %mul3A_115, %scan3A_113 : i32
        %mul3A_117 = arith.constant 2 : i32
        %mul3A_118 = arith.muli %mul3A_117, %scan3A_113 : i32
        %add3A_119 = arith.constant 1 : i32
        %add3A_120 = arith.addi %mul3A_118, %add3A_119 : i32
        %dma_wait3A_121 = arith.constant 0 : i32
        %dma_wait3A_122 = tpu.memref_slice %arg6[%mul3A_116, %dma_wait3A_121] : memref<40x128xi32, #tpu.memory_space<vmem>> -> memref<1x128xi32, #tpu.memory_space<vmem>>
        %dma_wait3A_123 = tpu.memref_squeeze %dma_wait3A_122 : memref<1x128xi32, #tpu.memory_space<vmem>> -> memref<128xi32, #tpu.memory_space<vmem>>
        %dma_wait3A_124 = arith.constant 0 : i32
        %dma_wait3A_125 = arith.constant 0 : i32
        %dma_wait3A_126 = tpu.memref_slice %arg4[%dma_wait3A_124, %dma_wait3A_125] : memref<10000x128xf32, #tpu.memory_space<hbm>> -> memref<10000x128xf32, #tpu.memory_space<hbm>>
        tpu.wait_indirect_dma semaphore(%arg11 : memref<!tpu.dma_semaphore, #tpu.memory_space<semaphore_mem>>) src(%dma_wait3A_126 : memref<10000x128xf32, #tpu.memory_space<hbm>>) dst(%arg8 : memref<128x128xf32, #tpu.memory_space<vmem>>)
        %dma_start3A_127 = arith.constant 0 : i32
        %dma_start3A_128 = tpu.memref_slice %arg7[%mul3A_116, %dma_start3A_127] : memref<40x128xi32, #tpu.memory_space<vmem>> -> memref<1x128xi32, #tpu.memory_space<vmem>>
        %dma_start3A_129 = tpu.memref_squeeze %dma_start3A_128 : memref<1x128xi32, #tpu.memory_space<vmem>> -> memref<128xi32, #tpu.memory_space<vmem>>
        %dma_start3A_130 = arith.constant 0 : i32
        %dma_start3A_131 = arith.constant 0 : i32
        %dma_start3A_132 = tpu.memref_slice %arg10[%dma_start3A_130, %dma_start3A_131] : memref<10240x128xf32, #tpu.memory_space<vmem_shared>> -> memref<10240x128xf32, #tpu.memory_space<vmem_shared>>
        tpu.enqueue_indirect_dma source(%arg8 : memref<128x128xf32, #tpu.memory_space<vmem>>) target(%dma_start3A_132 : memref<10240x128xf32, #tpu.memory_space<vmem_shared>>) offsets(%dma_start3A_129 : memref<128xi32, #tpu.memory_space<vmem>>) semaphore(%arg13 : memref<!tpu.dma_semaphore, #tpu.memory_space<semaphore_mem>>) {add = true}
        %dma_wait3A_133 = arith.constant 0 : i32
        %dma_wait3A_134 = tpu.memref_slice %arg6[%add3A_120, %dma_wait3A_133] : memref<40x128xi32, #tpu.memory_space<vmem>> -> memref<1x128xi32, #tpu.memory_space<vmem>>
        %dma_wait3A_135 = tpu.memref_squeeze %dma_wait3A_134 : memref<1x128xi32, #tpu.memory_space<vmem>> -> memref<128xi32, #tpu.memory_space<vmem>>
        %dma_wait3A_136 = arith.constant 0 : i32
        %dma_wait3A_137 = arith.constant 0 : i32
        %dma_wait3A_138 = tpu.memref_slice %arg4[%dma_wait3A_136, %dma_wait3A_137] : memref<10000x128xf32, #tpu.memory_space<hbm>> -> memref<10000x128xf32, #tpu.memory_space<hbm>>
        tpu.wait_indirect_dma semaphore(%arg12 : memref<!tpu.dma_semaphore, #tpu.memory_space<semaphore_mem>>) src(%dma_wait3A_138 : memref<10000x128xf32, #tpu.memory_space<hbm>>) dst(%arg9 : memref<128x128xf32, #tpu.memory_space<vmem>>)
        %dma_start3A_139 = arith.constant 0 : i32
        %dma_start3A_140 = tpu.memref_slice %arg7[%add3A_120, %dma_start3A_139] : memref<40x128xi32, #tpu.memory_space<vmem>> -> memref<1x128xi32, #tpu.memory_space<vmem>>
        %dma_start3A_141 = tpu.memref_squeeze %dma_start3A_140 : memref<1x128xi32, #tpu.memory_space<vmem>> -> memref<128xi32, #tpu.memory_space<vmem>>
        %dma_start3A_142 = arith.constant 0 : i32
        %dma_start3A_143 = arith.constant 0 : i32
        %dma_start3A_144 = tpu.memref_slice %arg10[%dma_start3A_142, %dma_start3A_143] : memref<10240x128xf32, #tpu.memory_space<vmem_shared>> -> memref<10240x128xf32, #tpu.memory_space<vmem_shared>>
        tpu.enqueue_indirect_dma source(%arg9 : memref<128x128xf32, #tpu.memory_space<vmem>>) target(%dma_start3A_144 : memref<10240x128xf32, #tpu.memory_space<vmem_shared>>) offsets(%dma_start3A_141 : memref<128xi32, #tpu.memory_space<vmem>>) semaphore(%arg14 : memref<!tpu.dma_semaphore, #tpu.memory_space<semaphore_mem>>) {add = true}
        %lt3A = arith.constant 19 : i32
        %lt3A_145 = arith.cmpi slt, %scan3A_113, %lt3A : i32
        %convert_element_type3A = arith.extui %lt3A_145 : i1 to i32
        %cond3A = arith.constant 0 : i32
        %cond3A_146 = arith.cmpi ne, %convert_element_type3A, %cond3A : i32
        scf.if %cond3A_146 {
          %dma_wait3A_148 = arith.constant 0 : i32
          %dma_wait3A_149 = tpu.memref_slice %arg7[%mul3A_116, %dma_wait3A_148] : memref<40x128xi32, #tpu.memory_space<vmem>> -> memref<1x128xi32, #tpu.memory_space<vmem>>
          %dma_wait3A_150 = tpu.memref_squeeze %dma_wait3A_149 : memref<1x128xi32, #tpu.memory_space<vmem>> -> memref<128xi32, #tpu.memory_space<vmem>>
          %dma_wait3A_151 = arith.constant 0 : i32
          %dma_wait3A_152 = arith.constant 0 : i32
          %dma_wait3A_153 = tpu.memref_slice %arg10[%dma_wait3A_151, %dma_wait3A_152] : memref<10240x128xf32, #tpu.memory_space<vmem_shared>> -> memref<10240x128xf32, #tpu.memory_space<vmem_shared>>
          tpu.wait_indirect_dma semaphore(%arg13 : memref<!tpu.dma_semaphore, #tpu.memory_space<semaphore_mem>>) src(%arg8 : memref<128x128xf32, #tpu.memory_space<vmem>>) dst(%dma_wait3A_153 : memref<10240x128xf32, #tpu.memory_space<vmem_shared>>)
          %add3A_154 = arith.constant 2 : i32
          %add3A_155 = arith.addi %mul3A_116, %add3A_154 : i32
          %dma_start3A_156 = arith.constant 0 : i32
          %dma_start3A_157 = arith.constant 0 : i32
          %dma_start3A_158 = tpu.memref_slice %arg8[%dma_start3A_156, %dma_start3A_157] : memref<128x128xf32, #tpu.memory_space<vmem>> -> memref<64x128xf32, #tpu.memory_space<vmem>>
          %dma_start3A_159 = arith.constant 0 : i32
          %dma_start3A_160 = tpu.memref_slice %arg6[%add3A_155, %dma_start3A_159] : memref<40x128xi32, #tpu.memory_space<vmem>> -> memref<1x64xi32, #tpu.memory_space<vmem>>
          %dma_start3A_161 = tpu.memref_squeeze %dma_start3A_160 : memref<1x64xi32, #tpu.memory_space<vmem>> -> memref<64xi32, #tpu.memory_space<vmem>>
          %dma_start3A_162 = arith.constant 0 : i32
          %dma_start3A_163 = arith.constant 0 : i32
          %dma_start3A_164 = tpu.memref_slice %arg4[%dma_start3A_162, %dma_start3A_163] : memref<10000x128xf32, #tpu.memory_space<hbm>> -> memref<10000x128xf32, #tpu.memory_space<hbm>>
          tpu.enqueue_indirect_dma source(%dma_start3A_164 : memref<10000x128xf32, #tpu.memory_space<hbm>>) target(%dma_start3A_158 : memref<64x128xf32, #tpu.memory_space<vmem>>) offsets(%dma_start3A_161 : memref<64xi32, #tpu.memory_space<vmem>>) semaphore(%arg11 : memref<!tpu.dma_semaphore, #tpu.memory_space<semaphore_mem>>)
          %dma_start3A_165 = arith.constant 64 : i32
          %dma_start3A_166 = arith.constant 0 : i32
          %dma_start3A_167 = tpu.memref_slice %arg8[%dma_start3A_165, %dma_start3A_166] : memref<128x128xf32, #tpu.memory_space<vmem>> -> memref<64x128xf32, #tpu.memory_space<vmem>>
          %dma_start3A_168 = arith.constant 64 : i32
          %dma_start3A_169 = tpu.memref_slice %arg6[%add3A_155, %dma_start3A_168] : memref<40x128xi32, #tpu.memory_space<vmem>> -> memref<1x64xi32, #tpu.memory_space<vmem>>
          %dma_start3A_170 = tpu.memref_squeeze %dma_start3A_169 : memref<1x64xi32, #tpu.memory_space<vmem>> -> memref<64xi32, #tpu.memory_space<vmem>>
          %dma_start3A_171 = arith.constant 0 : i32
          %dma_start3A_172 = arith.constant 0 : i32
          %dma_start3A_173 = tpu.memref_slice %arg4[%dma_start3A_171, %dma_start3A_172] : memref<10000x128xf32, #tpu.memory_space<hbm>> -> memref<10000x128xf32, #tpu.memory_space<hbm>>
          tpu.enqueue_indirect_dma source(%dma_start3A_173 : memref<10000x128xf32, #tpu.memory_space<hbm>>) target(%dma_start3A_167 : memref<64x128xf32, #tpu.memory_space<vmem>>) offsets(%dma_start3A_170 : memref<64xi32, #tpu.memory_space<vmem>>) semaphore(%arg11 : memref<!tpu.dma_semaphore, #tpu.memory_space<semaphore_mem>>)
          %dma_wait3A_174 = arith.constant 0 : i32
          %dma_wait3A_175 = tpu.memref_slice %arg7[%add3A_120, %dma_wait3A_174] : memref<40x128xi32, #tpu.memory_space<vmem>> -> memref<1x128xi32, #tpu.memory_space<vmem>>
          %dma_wait3A_176 = tpu.memref_squeeze %dma_wait3A_175 : memref<1x128xi32, #tpu.memory_space<vmem>> -> memref<128xi32, #tpu.memory_space<vmem>>
          %dma_wait3A_177 = arith.constant 0 : i32
          %dma_wait3A_178 = arith.constant 0 : i32
          %dma_wait3A_179 = tpu.memref_slice %arg10[%dma_wait3A_177, %dma_wait3A_178] : memref<10240x128xf32, #tpu.memory_space<vmem_shared>> -> memref<10240x128xf32, #tpu.memory_space<vmem_shared>>
          tpu.wait_indirect_dma semaphore(%arg14 : memref<!tpu.dma_semaphore, #tpu.memory_space<semaphore_mem>>) src(%arg9 : memref<128x128xf32, #tpu.memory_space<vmem>>) dst(%dma_wait3A_179 : memref<10240x128xf32, #tpu.memory_space<vmem_shared>>)
          %add3A_180 = arith.constant 2 : i32
          %add3A_181 = arith.addi %add3A_120, %add3A_180 : i32
          %dma_start3A_182 = arith.constant 0 : i32
          %dma_start3A_183 = arith.constant 0 : i32
          %dma_start3A_184 = tpu.memref_slice %arg9[%dma_start3A_182, %dma_start3A_183] : memref<128x128xf32, #tpu.memory_space<vmem>> -> memref<64x128xf32, #tpu.memory_space<vmem>>
          %dma_start3A_185 = arith.constant 0 : i32
          %dma_start3A_186 = tpu.memref_slice %arg6[%add3A_181, %dma_start3A_185] : memref<40x128xi32, #tpu.memory_space<vmem>> -> memref<1x64xi32, #tpu.memory_space<vmem>>
          %dma_start3A_187 = tpu.memref_squeeze %dma_start3A_186 : memref<1x64xi32, #tpu.memory_space<vmem>> -> memref<64xi32, #tpu.memory_space<vmem>>
          %dma_start3A_188 = arith.constant 0 : i32
          %dma_start3A_189 = arith.constant 0 : i32
          %dma_start3A_190 = tpu.memref_slice %arg4[%dma_start3A_188, %dma_start3A_189] : memref<10000x128xf32, #tpu.memory_space<hbm>> -> memref<10000x128xf32, #tpu.memory_space<hbm>>
          tpu.enqueue_indirect_dma source(%dma_start3A_190 : memref<10000x128xf32, #tpu.memory_space<hbm>>) target(%dma_start3A_184 : memref<64x128xf32, #tpu.memory_space<vmem>>) offsets(%dma_start3A_187 : memref<64xi32, #tpu.memory_space<vmem>>) semaphore(%arg12 : memref<!tpu.dma_semaphore, #tpu.memory_space<semaphore_mem>>)
          %dma_start3A_191 = arith.constant 64 : i32
          %dma_start3A_192 = arith.constant 0 : i32
          %dma_start3A_193 = tpu.memref_slice %arg9[%dma_start3A_191, %dma_start3A_192] : memref<128x128xf32, #tpu.memory_space<vmem>> -> memref<64x128xf32, #tpu.memory_space<vmem>>
          %dma_start3A_194 = arith.constant 64 : i32
          %dma_start3A_195 = tpu.memref_slice %arg6[%add3A_181, %dma_start3A_194] : memref<40x128xi32, #tpu.memory_space<vmem>> -> memref<1x64xi32, #tpu.memory_space<vmem>>
          %dma_start3A_196 = tpu.memref_squeeze %dma_start3A_195 : memref<1x64xi32, #tpu.memory_space<vmem>> -> memref<64xi32, #tpu.memory_space<vmem>>
          %dma_start3A_197 = arith.constant 0 : i32
          %dma_start3A_198 = arith.constant 0 : i32
          %dma_start3A_199 = tpu.memref_slice %arg4[%dma_start3A_197, %dma_start3A_198] : memref<10000x128xf32, #tpu.memory_space<hbm>> -> memref<10000x128xf32, #tpu.memory_space<hbm>>
          tpu.enqueue_indirect_dma source(%dma_start3A_199 : memref<10000x128xf32, #tpu.memory_space<hbm>>) target(%dma_start3A_193 : memref<64x128xf32, #tpu.memory_space<vmem>>) offsets(%dma_start3A_196 : memref<64xi32, #tpu.memory_space<vmem>>) semaphore(%arg12 : memref<!tpu.dma_semaphore, #tpu.memory_space<semaphore_mem>>)
        } else {
        }
        %scan3A_147 = arith.constant 0 : i32
        scf.yield %scan3A_147 : i32
      }
      %scan3A_98 = arith.constant 20 : i32
      %dma_wait3A = arith.constant 38 : i32
      %dma_wait3A_99 = arith.constant 0 : i32
      %dma_wait3A_100 = tpu.memref_slice %arg7[%dma_wait3A, %dma_wait3A_99] : memref<40x128xi32, #tpu.memory_space<vmem>> -> memref<1x128xi32, #tpu.memory_space<vmem>>
      %dma_wait3A_101 = tpu.memref_squeeze %dma_wait3A_100 : memref<1x128xi32, #tpu.memory_space<vmem>> -> memref<128xi32, #tpu.memory_space<vmem>>
      %dma_wait3A_102 = arith.constant 0 : i32
      %dma_wait3A_103 = arith.constant 0 : i32
      %dma_wait3A_104 = tpu.memref_slice %arg10[%dma_wait3A_102, %dma_wait3A_103] : memref<10240x128xf32, #tpu.memory_space<vmem_shared>> -> memref<10240x128xf32, #tpu.memory_space<vmem_shared>>
      tpu.wait_indirect_dma semaphore(%arg13 : memref<!tpu.dma_semaphore, #tpu.memory_space<semaphore_mem>>) src(%arg8 : memref<128x128xf32, #tpu.memory_space<vmem>>) dst(%dma_wait3A_104 : memref<10240x128xf32, #tpu.memory_space<vmem_shared>>)
      %dma_wait3A_105 = arith.constant 39 : i32
      %dma_wait3A_106 = arith.constant 0 : i32
      %dma_wait3A_107 = tpu.memref_slice %arg7[%dma_wait3A_105, %dma_wait3A_106] : memref<40x128xi32, #tpu.memory_space<vmem>> -> memref<1x128xi32, #tpu.memory_space<vmem>>
      %dma_wait3A_108 = tpu.memref_squeeze %dma_wait3A_107 : memref<1x128xi32, #tpu.memory_space<vmem>> -> memref<128xi32, #tpu.memory_space<vmem>>
      %dma_wait3A_109 = arith.constant 0 : i32
      %dma_wait3A_110 = arith.constant 0 : i32
      %dma_wait3A_111 = tpu.memref_slice %arg10[%dma_wait3A_109, %dma_wait3A_110] : memref<10240x128xf32, #tpu.memory_space<vmem_shared>> -> memref<10240x128xf32, #tpu.memory_space<vmem_shared>>
      tpu.wait_indirect_dma semaphore(%arg14 : memref<!tpu.dma_semaphore, #tpu.memory_space<semaphore_mem>>) src(%arg9 : memref<128x128xf32, #tpu.memory_space<vmem>>) dst(%dma_wait3A_111 : memref<10240x128xf32, #tpu.memory_space<vmem_shared>>)
      %while3A_112 = arith.constant 0 : i32
      scf.yield %while3A_112 : i32
    }
    %barrier3A_45 = arith.constant 0 : index
    tpu.barrier barrier_id(%barrier3A_45)
    %mul3A_46 = arith.constant 640 : i32
    %mul3A_47 = arith.muli %arg1, %mul3A_46 : i32
    "tpu.region"() ({
      %run_scoped3A = tpu.sem_alloc : memref<!tpu.dma_semaphore, #tpu.memory_space<semaphore_mem>>
      %dma_start3A = arith.constant 0 : i32
      %dma_start3A_48 = tpu.memref_slice %arg5[%arg0, %mul3A_47, %dma_start3A] : memref<2x10240x128xf32, #tpu.memory_space<hbm>> -> memref<1x640x128xf32, #tpu.memory_space<hbm>>
      %dma_start3A_49 = tpu.memref_squeeze %dma_start3A_48 : memref<1x640x128xf32, #tpu.memory_space<hbm>> -> memref<640x128xf32, #tpu.memory_space<hbm>>
      %dma_start3A_50 = arith.constant 0 : i32
      %dma_start3A_51 = tpu.memref_slice %arg10[%mul3A_47, %dma_start3A_50] : memref<10240x128xf32, #tpu.memory_space<vmem_shared>> -> memref<640x128xf32, #tpu.memory_space<vmem_shared>>
      tpu.enqueue_dma source(%dma_start3A_51 : memref<640x128xf32, #tpu.memory_space<vmem_shared>>) target(%dma_start3A_49 : memref<640x128xf32, #tpu.memory_space<hbm>>) target_semaphore(%run_scoped3A : memref<!tpu.dma_semaphore, #tpu.memory_space<semaphore_mem>>)
      %dma_wait3A = arith.constant 0 : i32
      %dma_wait3A_52 = tpu.memref_slice %arg5[%arg0, %mul3A_47, %dma_wait3A] : memref<2x10240x128xf32, #tpu.memory_space<hbm>> -> memref<1x640x128xf32, #tpu.memory_space<hbm>>
      %dma_wait3A_53 = tpu.memref_squeeze %dma_wait3A_52 : memref<1x640x128xf32, #tpu.memory_space<hbm>> -> memref<640x128xf32, #tpu.memory_space<hbm>>
      %dma_wait3A_54 = arith.constant 0 : i32
      %dma_wait3A_55 = tpu.memref_slice %arg10[%mul3A_47, %dma_wait3A_54] : memref<10240x128xf32, #tpu.memory_space<vmem_shared>> -> memref<640x128xf32, #tpu.memory_space<vmem_shared>>
      tpu.wait_dma2 semaphore(%run_scoped3A : memref<!tpu.dma_semaphore, #tpu.memory_space<semaphore_mem>>) src(%dma_wait3A_55 : memref<640x128xf32, #tpu.memory_space<vmem_shared>>) dst(%dma_wait3A_53 : memref<640x128xf32, #tpu.memory_space<hbm>>)
      tpu.yield
    }) : () -> ()
    return
  }
}

#map = affine_map<(d0, d1) -> (0, 0)>
#map1 = affine_map<(d0, d1) -> (0, 0, 0)>
module attributes {stable_mosaic.version = 14 : i64} {
  func.func @_agg_body(%arg0: i32, %arg1: i32, %arg2: memref<2560x128xi32, #tpu.memory_space<hbm>>, %arg3: memref<2560x128xi32, #tpu.memory_space<hbm>>, %arg4: memref<10000x128xf32, #tpu.memory_space<hbm>>, %arg5: memref<2x10240x128xf32, #tpu.memory_space<hbm>>, %arg6: memref<40x128xi32, #tpu.memory_space<vmem>>, %arg7: memref<40x128xi32, #tpu.memory_space<vmem>>, %arg8: memref<128x128xf32, #tpu.memory_space<vmem>>, %arg9: memref<128x128xf32, #tpu.memory_space<vmem>>, %arg10: memref<10240x128xf32, #tpu.memory_space<vmem_shared>>, %arg11: memref<!tpu.dma_semaphore, #tpu.memory_space<semaphore_mem>>, %arg12: memref<!tpu.dma_semaphore, #tpu.memory_space<semaphore_mem>>, %arg13: memref<!tpu.dma_semaphore, #tpu.memory_space<semaphore_mem>>, %arg14: memref<!tpu.dma_semaphore, #tpu.memory_space<semaphore_mem>>) attributes {dimension_semantics = [#tpu.dimension_semantics<core_parallel>, #tpu.dimension_semantics<subcore_parallel>], iteration_bounds = array<i64: 2, 16>, scalar_prefetch = 0 : i64, scratch_operands = 9 : i64, tpu.core_type = #tpu.core_type<sc_vector_subcore>, window_params = [{transform_indices = #map}, {transform_indices = #map}, {transform_indices = #map}, {transform_indices = #map1}]} {
    %broadcast_in_dim3A = arith.constant 0.000000e+00 : f32
    %broadcast_in_dim3A_0 = vector.broadcast %broadcast_in_dim3A : f32 to vector<16xf32>
    %scan3A = arith.constant 0 : i32
    %scan3A_1 = arith.constant 0 : i32
    %scan3A_2 = arith.constant 128 : i32
    %scan3A_3 = arith.addi %scan3A_1, %scan3A_2 : i32
    %scan3A_4 = arith.constant 1 : i32
    %scan3A_5 = scf.for %scan3A_48 = %scan3A_1 to %scan3A_3 step %scan3A_4 iter_args(%scan3A_49 = %scan3A) -> (i32)  : i32 {
      %swap3A = arith.index_cast %scan3A_48 : i32 to index
      %swap3A_50 = arith.constant 0 : index
      %swap3A_51 = tpu.vector_load %arg8[%swap3A, %swap3A_50] {strides = array<i32>} : memref<128x128xf32, #tpu.memory_space<vmem>>, vector<1x16xf32>,
      %swap3A_52 = vector.shape_cast %swap3A_51 : vector<1x16xf32> to vector<16xf32>
      %swap3A_53 = vector.shape_cast %broadcast_in_dim3A_0 : vector<16xf32> to vector<1x16xf32>
      tpu.vector_store %arg8[%swap3A, %swap3A_50], %swap3A_53 {strides = array<i32>} : memref<128x128xf32, #tpu.memory_space<vmem>>, vector<1x16xf32>,
      %swap3A_54 = arith.index_cast %scan3A_48 : i32 to index
      %swap3A_55 = arith.constant 16 : index
      %swap3A_56 = tpu.vector_load %arg8[%swap3A_54, %swap3A_55] {strides = array<i32>} : memref<128x128xf32, #tpu.memory_space<vmem>>, vector<1x16xf32>,
      %swap3A_57 = vector.shape_cast %swap3A_56 : vector<1x16xf32> to vector<16xf32>
      %swap3A_58 = vector.shape_cast %broadcast_in_dim3A_0 : vector<16xf32> to vector<1x16xf32>
      tpu.vector_store %arg8[%swap3A_54, %swap3A_55], %swap3A_58 {strides = array<i32>} : memref<128x128xf32, #tpu.memory_space<vmem>>, vector<1x16xf32>,
      %swap3A_59 = arith.index_cast %scan3A_48 : i32 to index
      %swap3A_60 = arith.constant 32 : index
      %swap3A_61 = tpu.vector_load %arg8[%swap3A_59, %swap3A_60] {strides = array<i32>} : memref<128x128xf32, #tpu.memory_space<vmem>>, vector<1x16xf32>,
      %swap3A_62 = vector.shape_cast %swap3A_61 : vector<1x16xf32> to vector<16xf32>
      %swap3A_63 = vector.shape_cast %broadcast_in_dim3A_0 : vector<16xf32> to vector<1x16xf32>
      tpu.vector_store %arg8[%swap3A_59, %swap3A_60], %swap3A_63 {strides = array<i32>} : memref<128x128xf32, #tpu.memory_space<vmem>>, vector<1x16xf32>,
      %swap3A_64 = arith.index_cast %scan3A_48 : i32 to index
      %swap3A_65 = arith.constant 48 : index
      %swap3A_66 = tpu.vector_load %arg8[%swap3A_64, %swap3A_65] {strides = array<i32>} : memref<128x128xf32, #tpu.memory_space<vmem>>, vector<1x16xf32>,
      %swap3A_67 = vector.shape_cast %swap3A_66 : vector<1x16xf32> to vector<16xf32>
      %swap3A_68 = vector.shape_cast %broadcast_in_dim3A_0 : vector<16xf32> to vector<1x16xf32>
      tpu.vector_store %arg8[%swap3A_64, %swap3A_65], %swap3A_68 {strides = array<i32>} : memref<128x128xf32, #tpu.memory_space<vmem>>, vector<1x16xf32>,
      %swap3A_69 = arith.index_cast %scan3A_48 : i32 to index
      %swap3A_70 = arith.constant 64 : index
      %swap3A_71 = tpu.vector_load %arg8[%swap3A_69, %swap3A_70] {strides = array<i32>} : memref<128x128xf32, #tpu.memory_space<vmem>>, vector<1x16xf32>,
      %swap3A_72 = vector.shape_cast %swap3A_71 : vector<1x16xf32> to vector<16xf32>
      %swap3A_73 = vector.shape_cast %broadcast_in_dim3A_0 : vector<16xf32> to vector<1x16xf32>
      tpu.vector_store %arg8[%swap3A_69, %swap3A_70], %swap3A_73 {strides = array<i32>} : memref<128x128xf32, #tpu.memory_space<vmem>>, vector<1x16xf32>,
      %swap3A_74 = arith.index_cast %scan3A_48 : i32 to index
      %swap3A_75 = arith.constant 80 : index
      %swap3A_76 = tpu.vector_load %arg8[%swap3A_74, %swap3A_75] {strides = array<i32>} : memref<128x128xf32, #tpu.memory_space<vmem>>, vector<1x16xf32>,
      %swap3A_77 = vector.shape_cast %swap3A_76 : vector<1x16xf32> to vector<16xf32>
      %swap3A_78 = vector.shape_cast %broadcast_in_dim3A_0 : vector<16xf32> to vector<1x16xf32>
      tpu.vector_store %arg8[%swap3A_74, %swap3A_75], %swap3A_78 {strides = array<i32>} : memref<128x128xf32, #tpu.memory_space<vmem>>, vector<1x16xf32>,
      %swap3A_79 = arith.index_cast %scan3A_48 : i32 to index
      %swap3A_80 = arith.constant 96 : index
      %swap3A_81 = tpu.vector_load %arg8[%swap3A_79, %swap3A_80] {strides = array<i32>} : memref<128x128xf32, #tpu.memory_space<vmem>>, vector<1x16xf32>,
      %swap3A_82 = vector.shape_cast %swap3A_81 : vector<1x16xf32> to vector<16xf32>
      %swap3A_83 = vector.shape_cast %broadcast_in_dim3A_0 : vector<16xf32> to vector<1x16xf32>
      tpu.vector_store %arg8[%swap3A_79, %swap3A_80], %swap3A_83 {strides = array<i32>} : memref<128x128xf32, #tpu.memory_space<vmem>>, vector<1x16xf32>,
      %swap3A_84 = arith.index_cast %scan3A_48 : i32 to index
      %swap3A_85 = arith.constant 112 : index
      %swap3A_86 = tpu.vector_load %arg8[%swap3A_84, %swap3A_85] {strides = array<i32>} : memref<128x128xf32, #tpu.memory_space<vmem>>, vector<1x16xf32>,
      %swap3A_87 = vector.shape_cast %swap3A_86 : vector<1x16xf32> to vector<16xf32>
      %swap3A_88 = vector.shape_cast %broadcast_in_dim3A_0 : vector<16xf32> to vector<1x16xf32>
      tpu.vector_store %arg8[%swap3A_84, %swap3A_85], %swap3A_88 {strides = array<i32>} : memref<128x128xf32, #tpu.memory_space<vmem>>, vector<1x16xf32>,
      %scan3A_89 = arith.constant 0 : i32
      scf.yield %scan3A_89 : i32
    }
    %scan3A_6 = arith.constant 128 : i32
    %mul3A = arith.constant 640 : i32
    %mul3A_7 = arith.muli %arg1, %mul3A : i32
    %add3A = arith.constant 0 : i32
    %add3A_8 = arith.addi %mul3A_7, %add3A : i32
    "tpu.region"() ({
      %run_scoped3A = tpu.sem_alloc : memref<!tpu.dma_semaphore, #tpu.memory_space<semaphore_mem>>
      %dma_start3A = arith.constant 0 : i32
      %dma_start3A_48 = tpu.memref_slice %arg10[%add3A_8, %dma_start3A] : memref<10240x128xf32, #tpu.memory_space<vmem_shared>> -> memref<128x128xf32, #tpu.memory_space<vmem_shared>>
      %dma_start3A_49 = arith.constant 0 : i32
      %dma_start3A_50 = tpu.memref_slice %arg10[%add3A_8, %dma_start3A_49] : memref<10240x128xf32, #tpu.memory_space<vmem_shared>> -> memref<128x128xf32, #tpu.memory_space<vmem_shared>>
      tpu.enqueue_dma source(%arg8 : memref<128x128xf32, #tpu.memory_space<vmem>>) target(%dma_start3A_50 : memref<128x128xf32, #tpu.memory_space<vmem_shared>>) target_semaphore(%run_scoped3A : memref<!tpu.dma_semaphore, #tpu.memory_space<semaphore_mem>>)
      %dma_wait3A = arith.constant 0 : i32
      %dma_wait3A_51 = tpu.memref_slice %arg10[%add3A_8, %dma_wait3A] : memref<10240x128xf32, #tpu.memory_space<vmem_shared>> -> memref<128x128xf32, #tpu.memory_space<vmem_shared>>
      %dma_wait3A_52 = arith.constant 0 : i32
      %dma_wait3A_53 = tpu.memref_slice %arg10[%add3A_8, %dma_wait3A_52] : memref<10240x128xf32, #tpu.memory_space<vmem_shared>> -> memref<128x128xf32, #tpu.memory_space<vmem_shared>>
      tpu.wait_dma2 semaphore(%run_scoped3A : memref<!tpu.dma_semaphore, #tpu.memory_space<semaphore_mem>>) src(%arg8 : memref<128x128xf32, #tpu.memory_space<vmem>>) dst(%dma_wait3A_53 : memref<128x128xf32, #tpu.memory_space<vmem_shared>>)
      tpu.yield
    }) : () -> ()
    %mul3A_9 = arith.constant 640 : i32
    %mul3A_10 = arith.muli %arg1, %mul3A_9 : i32
    %add3A_11 = arith.constant 128 : i32
    %add3A_12 = arith.addi %mul3A_10, %add3A_11 : i32
    "tpu.region"() ({
      %run_scoped3A = tpu.sem_alloc : memref<!tpu.dma_semaphore, #tpu.memory_space<semaphore_mem>>
      %dma_start3A = arith.constant 0 : i32
      %dma_start3A_48 = tpu.memref_slice %arg10[%add3A_12, %dma_start3A] : memref<10240x128xf32, #tpu.memory_space<vmem_shared>> -> memref<128x128xf32, #tpu.memory_space<vmem_shared>>
      %dma_start3A_49 = arith.constant 0 : i32
      %dma_start3A_50 = tpu.memref_slice %arg10[%add3A_12, %dma_start3A_49] : memref<10240x128xf32, #tpu.memory_space<vmem_shared>> -> memref<128x128xf32, #tpu.memory_space<vmem_shared>>
      tpu.enqueue_dma source(%arg8 : memref<128x128xf32, #tpu.memory_space<vmem>>) target(%dma_start3A_50 : memref<128x128xf32, #tpu.memory_space<vmem_shared>>) target_semaphore(%run_scoped3A : memref<!tpu.dma_semaphore, #tpu.memory_space<semaphore_mem>>)
      %dma_wait3A = arith.constant 0 : i32
      %dma_wait3A_51 = tpu.memref_slice %arg10[%add3A_12, %dma_wait3A] : memref<10240x128xf32, #tpu.memory_space<vmem_shared>> -> memref<128x128xf32, #tpu.memory_space<vmem_shared>>
      %dma_wait3A_52 = arith.constant 0 : i32
      %dma_wait3A_53 = tpu.memref_slice %arg10[%add3A_12, %dma_wait3A_52] : memref<10240x128xf32, #tpu.memory_space<vmem_shared>> -> memref<128x128xf32, #tpu.memory_space<vmem_shared>>
      tpu.wait_dma2 semaphore(%run_scoped3A : memref<!tpu.dma_semaphore, #tpu.memory_space<semaphore_mem>>) src(%arg8 : memref<128x128xf32, #tpu.memory_space<vmem>>) dst(%dma_wait3A_53 : memref<128x128xf32, #tpu.memory_space<vmem_shared>>)
      tpu.yield
    }) : () -> ()
    %mul3A_13 = arith.constant 640 : i32
    %mul3A_14 = arith.muli %arg1, %mul3A_13 : i32
    %add3A_15 = arith.constant 256 : i32
    %add3A_16 = arith.addi %mul3A_14, %add3A_15 : i32
    "tpu.region"() ({
      %run_scoped3A = tpu.sem_alloc : memref<!tpu.dma_semaphore, #tpu.memory_space<semaphore_mem>>
      %dma_start3A = arith.constant 0 : i32
      %dma_start3A_48 = tpu.memref_slice %arg10[%add3A_16, %dma_start3A] : memref<10240x128xf32, #tpu.memory_space<vmem_shared>> -> memref<128x128xf32, #tpu.memory_space<vmem_shared>>
      %dma_start3A_49 = arith.constant 0 : i32
      %dma_start3A_50 = tpu.memref_slice %arg10[%add3A_16, %dma_start3A_49] : memref<10240x128xf32, #tpu.memory_space<vmem_shared>> -> memref<128x128xf32, #tpu.memory_space<vmem_shared>>
      tpu.enqueue_dma source(%arg8 : memref<128x128xf32, #tpu.memory_space<vmem>>) target(%dma_start3A_50 : memref<128x128xf32, #tpu.memory_space<vmem_shared>>) target_semaphore(%run_scoped3A : memref<!tpu.dma_semaphore, #tpu.memory_space<semaphore_mem>>)
      %dma_wait3A = arith.constant 0 : i32
      %dma_wait3A_51 = tpu.memref_slice %arg10[%add3A_16, %dma_wait3A] : memref<10240x128xf32, #tpu.memory_space<vmem_shared>> -> memref<128x128xf32, #tpu.memory_space<vmem_shared>>
      %dma_wait3A_52 = arith.constant 0 : i32
      %dma_wait3A_53 = tpu.memref_slice %arg10[%add3A_16, %dma_wait3A_52] : memref<10240x128xf32, #tpu.memory_space<vmem_shared>> -> memref<128x128xf32, #tpu.memory_space<vmem_shared>>
      tpu.wait_dma2 semaphore(%run_scoped3A : memref<!tpu.dma_semaphore, #tpu.memory_space<semaphore_mem>>) src(%arg8 : memref<128x128xf32, #tpu.memory_space<vmem>>) dst(%dma_wait3A_53 : memref<128x128xf32, #tpu.memory_space<vmem_shared>>)
      tpu.yield
    }) : () -> ()
    %mul3A_17 = arith.constant 640 : i32
    %mul3A_18 = arith.muli %arg1, %mul3A_17 : i32
    %add3A_19 = arith.constant 384 : i32
    %add3A_20 = arith.addi %mul3A_18, %add3A_19 : i32
    "tpu.region"() ({
      %run_scoped3A = tpu.sem_alloc : memref<!tpu.dma_semaphore, #tpu.memory_space<semaphore_mem>>
      %dma_start3A = arith.constant 0 : i32
      %dma_start3A_48 = tpu.memref_slice %arg10[%add3A_20, %dma_start3A] : memref<10240x128xf32, #tpu.memory_space<vmem_shared>> -> memref<128x128xf32, #tpu.memory_space<vmem_shared>>
      %dma_start3A_49 = arith.constant 0 : i32
      %dma_start3A_50 = tpu.memref_slice %arg10[%add3A_20, %dma_start3A_49] : memref<10240x128xf32, #tpu.memory_space<vmem_shared>> -> memref<128x128xf32, #tpu.memory_space<vmem_shared>>
      tpu.enqueue_dma source(%arg8 : memref<128x128xf32, #tpu.memory_space<vmem>>) target(%dma_start3A_50 : memref<128x128xf32, #tpu.memory_space<vmem_shared>>) target_semaphore(%run_scoped3A : memref<!tpu.dma_semaphore, #tpu.memory_space<semaphore_mem>>)
      %dma_wait3A = arith.constant 0 : i32
      %dma_wait3A_51 = tpu.memref_slice %arg10[%add3A_20, %dma_wait3A] : memref<10240x128xf32, #tpu.memory_space<vmem_shared>> -> memref<128x128xf32, #tpu.memory_space<vmem_shared>>
      %dma_wait3A_52 = arith.constant 0 : i32
      %dma_wait3A_53 = tpu.memref_slice %arg10[%add3A_20, %dma_wait3A_52] : memref<10240x128xf32, #tpu.memory_space<vmem_shared>> -> memref<128x128xf32, #tpu.memory_space<vmem_shared>>
      tpu.wait_dma2 semaphore(%run_scoped3A : memref<!tpu.dma_semaphore, #tpu.memory_space<semaphore_mem>>) src(%arg8 : memref<128x128xf32, #tpu.memory_space<vmem>>) dst(%dma_wait3A_53 : memref<128x128xf32, #tpu.memory_space<vmem_shared>>)
      tpu.yield
    }) : () -> ()
    %mul3A_21 = arith.constant 640 : i32
    %mul3A_22 = arith.muli %arg1, %mul3A_21 : i32
    %add3A_23 = arith.constant 512 : i32
    %add3A_24 = arith.addi %mul3A_22, %add3A_23 : i32
    "tpu.region"() ({
      %run_scoped3A = tpu.sem_alloc : memref<!tpu.dma_semaphore, #tpu.memory_space<semaphore_mem>>
      %dma_start3A = arith.constant 0 : i32
      %dma_start3A_48 = tpu.memref_slice %arg10[%add3A_24, %dma_start3A] : memref<10240x128xf32, #tpu.memory_space<vmem_shared>> -> memref<128x128xf32, #tpu.memory_space<vmem_shared>>
      %dma_start3A_49 = arith.constant 0 : i32
      %dma_start3A_50 = tpu.memref_slice %arg10[%add3A_24, %dma_start3A_49] : memref<10240x128xf32, #tpu.memory_space<vmem_shared>> -> memref<128x128xf32, #tpu.memory_space<vmem_shared>>
      tpu.enqueue_dma source(%arg8 : memref<128x128xf32, #tpu.memory_space<vmem>>) target(%dma_start3A_50 : memref<128x128xf32, #tpu.memory_space<vmem_shared>>) target_semaphore(%run_scoped3A : memref<!tpu.dma_semaphore, #tpu.memory_space<semaphore_mem>>)
      %dma_wait3A = arith.constant 0 : i32
      %dma_wait3A_51 = tpu.memref_slice %arg10[%add3A_24, %dma_wait3A] : memref<10240x128xf32, #tpu.memory_space<vmem_shared>> -> memref<128x128xf32, #tpu.memory_space<vmem_shared>>
      %dma_wait3A_52 = arith.constant 0 : i32
      %dma_wait3A_53 = tpu.memref_slice %arg10[%add3A_24, %dma_wait3A_52] : memref<10240x128xf32, #tpu.memory_space<vmem_shared>> -> memref<128x128xf32, #tpu.memory_space<vmem_shared>>
      tpu.wait_dma2 semaphore(%run_scoped3A : memref<!tpu.dma_semaphore, #tpu.memory_space<semaphore_mem>>) src(%arg8 : memref<128x128xf32, #tpu.memory_space<vmem>>) dst(%dma_wait3A_53 : memref<128x128xf32, #tpu.memory_space<vmem_shared>>)
      tpu.yield
    }) : () -> ()
    %barrier3A = arith.constant 0 : index
    tpu.barrier barrier_id(%barrier3A)
    %eq3A = arith.constant 1 : i32
    %eq3A_25 = arith.cmpi eq, %arg0, %eq3A : i32
    %jit3A = arith.constant 2 : i32
    %jit3A_26 = arith.constant 2 : i32
    %select_n3A = arith.select %eq3A_25, %jit3A, %jit3A_26 : i32
    %mul3A_27 = arith.constant 2 : i32
    %mul3A_28 = arith.muli %arg1, %mul3A_27 : i32
    %mul3A_29 = arith.constant 2 : i32
    %mul3A_30 = arith.muli %arg1, %mul3A_29 : i32
    %add3A_31 = arith.constant 32 : i32
    %add3A_32 = arith.addi %add3A_31, %mul3A_30 : i32
    %select_n3A_33 = arith.select %eq3A_25, %mul3A_28, %add3A_32 : i32
    %while3A = arith.constant 0 : i32
    %while3A_34 = arith.constant 0 : i32
    %while3A_35 = arith.subi %select_n3A, %while3A : i32
    %while3A_36 = arith.addi %while3A, %while3A_35 : i32
    %while3A_37 = arith.constant 1 : i32
    %while3A_38 = arith.divsi %while3A_35, %while3A_37 : i32
    %while3A_39 = arith.muli %while3A_38, %while3A_37 : i32
    %while3A_40 = arith.addi %while3A, %while3A_39 : i32
    %while3A_41 = arith.constant 1 : i32
    %while3A_42 = scf.for %while3A_48 = %while3A to %while3A_40 step %while3A_41 iter_args(%while3A_49 = %while3A_34) -> (i32)  : i32 {
      %add3A_50 = arith.addi %select_n3A_33, %while3A_48 : i32
      %mul3A_51 = arith.constant 40 : i32
      %mul3A_52 = arith.muli %add3A_50, %mul3A_51 : i32
      "tpu.region"() ({
        %run_scoped3A = tpu.sem_alloc : memref<!tpu.dma_semaphore, #tpu.memory_space<semaphore_mem>>
        %dma_start3A_113 = arith.constant 0 : i32
        %dma_start3A_114 = tpu.memref_slice %arg2[%mul3A_52, %dma_start3A_113] : memref<2560x128xi32, #tpu.memory_space<hbm>> -> memref<40x128xi32, #tpu.memory_space<hbm>>
        %dma_start3A_115 = arith.constant 0 : i32
        %dma_start3A_116 = tpu.memref_slice %arg2[%mul3A_52, %dma_start3A_115] : memref<2560x128xi32, #tpu.memory_space<hbm>> -> memref<40x128xi32, #tpu.memory_space<hbm>>
        tpu.enqueue_dma source(%dma_start3A_116 : memref<40x128xi32, #tpu.memory_space<hbm>>) target(%arg6 : memref<40x128xi32, #tpu.memory_space<vmem>>) target_semaphore(%run_scoped3A : memref<!tpu.dma_semaphore, #tpu.memory_space<semaphore_mem>>)
        %dma_wait3A_117 = arith.constant 0 : i32
        %dma_wait3A_118 = tpu.memref_slice %arg2[%mul3A_52, %dma_wait3A_117] : memref<2560x128xi32, #tpu.memory_space<hbm>> -> memref<40x128xi32, #tpu.memory_space<hbm>>
        %dma_wait3A_119 = arith.constant 0 : i32
        %dma_wait3A_120 = tpu.memref_slice %arg2[%mul3A_52, %dma_wait3A_119] : memref<2560x128xi32, #tpu.memory_space<hbm>> -> memref<40x128xi32, #tpu.memory_space<hbm>>
        tpu.wait_dma2 semaphore(%run_scoped3A : memref<!tpu.dma_semaphore, #tpu.memory_space<semaphore_mem>>) src(%dma_wait3A_120 : memref<40x128xi32, #tpu.memory_space<hbm>>) dst(%arg6 : memref<40x128xi32, #tpu.memory_space<vmem>>)
        tpu.yield
      }) : () -> ()
      "tpu.region"() ({
        %run_scoped3A = tpu.sem_alloc : memref<!tpu.dma_semaphore, #tpu.memory_space<semaphore_mem>>
        %dma_start3A_113 = arith.constant 0 : i32
        %dma_start3A_114 = tpu.memref_slice %arg3[%mul3A_52, %dma_start3A_113] : memref<2560x128xi32, #tpu.memory_space<hbm>> -> memref<40x128xi32, #tpu.memory_space<hbm>>
        %dma_start3A_115 = arith.constant 0 : i32
        %dma_start3A_116 = tpu.memref_slice %arg3[%mul3A_52, %dma_start3A_115] : memref<2560x128xi32, #tpu.memory_space<hbm>> -> memref<40x128xi32, #tpu.memory_space<hbm>>
        tpu.enqueue_dma source(%dma_start3A_116 : memref<40x128xi32, #tpu.memory_space<hbm>>) target(%arg7 : memref<40x128xi32, #tpu.memory_space<vmem>>) target_semaphore(%run_scoped3A : memref<!tpu.dma_semaphore, #tpu.memory_space<semaphore_mem>>)
        %dma_wait3A_117 = arith.constant 0 : i32
        %dma_wait3A_118 = tpu.memref_slice %arg3[%mul3A_52, %dma_wait3A_117] : memref<2560x128xi32, #tpu.memory_space<hbm>> -> memref<40x128xi32, #tpu.memory_space<hbm>>
        %dma_wait3A_119 = arith.constant 0 : i32
        %dma_wait3A_120 = tpu.memref_slice %arg3[%mul3A_52, %dma_wait3A_119] : memref<2560x128xi32, #tpu.memory_space<hbm>> -> memref<40x128xi32, #tpu.memory_space<hbm>>
        tpu.wait_dma2 semaphore(%run_scoped3A : memref<!tpu.dma_semaphore, #tpu.memory_space<semaphore_mem>>) src(%dma_wait3A_120 : memref<40x128xi32, #tpu.memory_space<hbm>>) dst(%arg7 : memref<40x128xi32, #tpu.memory_space<vmem>>)
        tpu.yield
      }) : () -> ()
      %dma_start3A = arith.constant 0 : i32
      %dma_start3A_53 = arith.constant 0 : i32
      %dma_start3A_54 = arith.constant 0 : i32
      %dma_start3A_55 = tpu.memref_slice %arg8[%dma_start3A_53, %dma_start3A_54] : memref<128x128xf32, #tpu.memory_space<vmem>> -> memref<64x128xf32, #tpu.memory_space<vmem>>
      %dma_start3A_56 = arith.constant 0 : i32
      %dma_start3A_57 = tpu.memref_slice %arg6[%dma_start3A, %dma_start3A_56] : memref<40x128xi32, #tpu.memory_space<vmem>> -> memref<1x64xi32, #tpu.memory_space<vmem>>
      %dma_start3A_58 = tpu.memref_squeeze %dma_start3A_57 : memref<1x64xi32, #tpu.memory_space<vmem>> -> memref<64xi32, #tpu.memory_space<vmem>>
      %dma_start3A_59 = arith.constant 0 : i32
      %dma_start3A_60 = arith.constant 0 : i32
      %dma_start3A_61 = tpu.memref_slice %arg4[%dma_start3A_59, %dma_start3A_60] : memref<10000x128xf32, #tpu.memory_space<hbm>> -> memref<10000x128xf32, #tpu.memory_space<hbm>>
      tpu.enqueue_indirect_dma source(%dma_start3A_61 : memref<10000x128xf32, #tpu.memory_space<hbm>>) target(%dma_start3A_55 : memref<64x128xf32, #tpu.memory_space<vmem>>) offsets(%dma_start3A_58 : memref<64xi32, #tpu.memory_space<vmem>>) semaphore(%arg11 : memref<!tpu.dma_semaphore, #tpu.memory_space<semaphore_mem>>)
      %dma_start3A_62 = arith.constant 0 : i32
      %dma_start3A_63 = arith.constant 64 : i32
      %dma_start3A_64 = arith.constant 0 : i32
      %dma_start3A_65 = tpu.memref_slice %arg8[%dma_start3A_63, %dma_start3A_64] : memref<128x128xf32, #tpu.memory_space<vmem>> -> memref<64x128xf32, #tpu.memory_space<vmem>>
      %dma_start3A_66 = arith.constant 64 : i32
      %dma_start3A_67 = tpu.memref_slice %arg6[%dma_start3A_62, %dma_start3A_66] : memref<40x128xi32, #tpu.memory_space<vmem>> -> memref<1x64xi32, #tpu.memory_space<vmem>>
      %dma_start3A_68 = tpu.memref_squeeze %dma_start3A_67 : memref<1x64xi32, #tpu.memory_space<vmem>> -> memref<64xi32, #tpu.memory_space<vmem>>
      %dma_start3A_69 = arith.constant 0 : i32
      %dma_start3A_70 = arith.constant 0 : i32
      %dma_start3A_71 = tpu.memref_slice %arg4[%dma_start3A_69, %dma_start3A_70] : memref<10000x128xf32, #tpu.memory_space<hbm>> -> memref<10000x128xf32, #tpu.memory_space<hbm>>
      tpu.enqueue_indirect_dma source(%dma_start3A_71 : memref<10000x128xf32, #tpu.memory_space<hbm>>) target(%dma_start3A_65 : memref<64x128xf32, #tpu.memory_space<vmem>>) offsets(%dma_start3A_68 : memref<64xi32, #tpu.memory_space<vmem>>) semaphore(%arg11 : memref<!tpu.dma_semaphore, #tpu.memory_space<semaphore_mem>>)
      %dma_start3A_72 = arith.constant 1 : i32
      %dma_start3A_73 = arith.constant 0 : i32
      %dma_start3A_74 = arith.constant 0 : i32
      %dma_start3A_75 = tpu.memref_slice %arg9[%dma_start3A_73, %dma_start3A_74] : memref<128x128xf32, #tpu.memory_space<vmem>> -> memref<64x128xf32, #tpu.memory_space<vmem>>
      %dma_start3A_76 = arith.constant 0 : i32
      %dma_start3A_77 = tpu.memref_slice %arg6[%dma_start3A_72, %dma_start3A_76] : memref<40x128xi32, #tpu.memory_space<vmem>> -> memref<1x64xi32, #tpu.memory_space<vmem>>
      %dma_start3A_78 = tpu.memref_squeeze %dma_start3A_77 : memref<1x64xi32, #tpu.memory_space<vmem>> -> memref<64xi32, #tpu.memory_space<vmem>>
      %dma_start3A_79 = arith.constant 0 : i32
      %dma_start3A_80 = arith.constant 0 : i32
      %dma_start3A_81 = tpu.memref_slice %arg4[%dma_start3A_79, %dma_start3A_80] : memref<10000x128xf32, #tpu.memory_space<hbm>> -> memref<10000x128xf32, #tpu.memory_space<hbm>>
      tpu.enqueue_indirect_dma source(%dma_start3A_81 : memref<10000x128xf32, #tpu.memory_space<hbm>>) target(%dma_start3A_75 : memref<64x128xf32, #tpu.memory_space<vmem>>) offsets(%dma_start3A_78 : memref<64xi32, #tpu.memory_space<vmem>>) semaphore(%arg12 : memref<!tpu.dma_semaphore, #tpu.memory_space<semaphore_mem>>)
      %dma_start3A_82 = arith.constant 1 : i32
      %dma_start3A_83 = arith.constant 64 : i32
      %dma_start3A_84 = arith.constant 0 : i32
      %dma_start3A_85 = tpu.memref_slice %arg9[%dma_start3A_83, %dma_start3A_84] : memref<128x128xf32, #tpu.memory_space<vmem>> -> memref<64x128xf32, #tpu.memory_space<vmem>>
      %dma_start3A_86 = arith.constant 64 : i32
      %dma_start3A_87 = tpu.memref_slice %arg6[%dma_start3A_82, %dma_start3A_86] : memref<40x128xi32, #tpu.memory_space<vmem>> -> memref<1x64xi32, #tpu.memory_space<vmem>>
      %dma_start3A_88 = tpu.memref_squeeze %dma_start3A_87 : memref<1x64xi32, #tpu.memory_space<vmem>> -> memref<64xi32, #tpu.memory_space<vmem>>
      %dma_start3A_89 = arith.constant 0 : i32
      %dma_start3A_90 = arith.constant 0 : i32
      %dma_start3A_91 = tpu.memref_slice %arg4[%dma_start3A_89, %dma_start3A_90] : memref<10000x128xf32, #tpu.memory_space<hbm>> -> memref<10000x128xf32, #tpu.memory_space<hbm>>
      tpu.enqueue_indirect_dma source(%dma_start3A_91 : memref<10000x128xf32, #tpu.memory_space<hbm>>) target(%dma_start3A_85 : memref<64x128xf32, #tpu.memory_space<vmem>>) offsets(%dma_start3A_88 : memref<64xi32, #tpu.memory_space<vmem>>) semaphore(%arg12 : memref<!tpu.dma_semaphore, #tpu.memory_space<semaphore_mem>>)
      %scan3A_92 = arith.constant 0 : i32
      %scan3A_93 = arith.constant 0 : i32
      %scan3A_94 = arith.constant 20 : i32
      %scan3A_95 = arith.addi %scan3A_93, %scan3A_94 : i32
      %scan3A_96 = arith.constant 1 : i32
      %scan3A_97 = scf.for %scan3A_113 = %scan3A_93 to %scan3A_95 step %scan3A_96 iter_args(%scan3A_114 = %scan3A_92) -> (i32)  : i32 {
        %mul3A_115 = arith.constant 2 : i32
        %mul3A_116 = arith.muli %mul3A_115, %scan3A_113 : i32
        %mul3A_117 = arith.constant 2 : i32
        %mul3A_118 = arith.muli %mul3A_117, %scan3A_113 : i32
        %add3A_119 = arith.constant 1 : i32
        %add3A_120 = arith.addi %mul3A_118, %add3A_119 : i32
        %dma_wait3A_121 = arith.constant 0 : i32
        %dma_wait3A_122 = tpu.memref_slice %arg6[%mul3A_116, %dma_wait3A_121] : memref<40x128xi32, #tpu.memory_space<vmem>> -> memref<1x128xi32, #tpu.memory_space<vmem>>
        %dma_wait3A_123 = tpu.memref_squeeze %dma_wait3A_122 : memref<1x128xi32, #tpu.memory_space<vmem>> -> memref<128xi32, #tpu.memory_space<vmem>>
        %dma_wait3A_124 = arith.constant 0 : i32
        %dma_wait3A_125 = arith.constant 0 : i32
        %dma_wait3A_126 = tpu.memref_slice %arg4[%dma_wait3A_124, %dma_wait3A_125] : memref<10000x128xf32, #tpu.memory_space<hbm>> -> memref<10000x128xf32, #tpu.memory_space<hbm>>
        tpu.wait_indirect_dma semaphore(%arg11 : memref<!tpu.dma_semaphore, #tpu.memory_space<semaphore_mem>>) src(%dma_wait3A_126 : memref<10000x128xf32, #tpu.memory_space<hbm>>) dst(%arg8 : memref<128x128xf32, #tpu.memory_space<vmem>>)
        %dma_start3A_127 = arith.constant 0 : i32
        %dma_start3A_128 = tpu.memref_slice %arg7[%mul3A_116, %dma_start3A_127] : memref<40x128xi32, #tpu.memory_space<vmem>> -> memref<1x128xi32, #tpu.memory_space<vmem>>
        %dma_start3A_129 = tpu.memref_squeeze %dma_start3A_128 : memref<1x128xi32, #tpu.memory_space<vmem>> -> memref<128xi32, #tpu.memory_space<vmem>>
        %dma_start3A_130 = arith.constant 0 : i32
        %dma_start3A_131 = arith.constant 0 : i32
        %dma_start3A_132 = tpu.memref_slice %arg10[%dma_start3A_130, %dma_start3A_131] : memref<10240x128xf32, #tpu.memory_space<vmem_shared>> -> memref<10240x128xf32, #tpu.memory_space<vmem_shared>>
        tpu.enqueue_indirect_dma source(%arg8 : memref<128x128xf32, #tpu.memory_space<vmem>>) target(%dma_start3A_132 : memref<10240x128xf32, #tpu.memory_space<vmem_shared>>) offsets(%dma_start3A_129 : memref<128xi32, #tpu.memory_space<vmem>>) semaphore(%arg13 : memref<!tpu.dma_semaphore, #tpu.memory_space<semaphore_mem>>) {add = true}
        %dma_wait3A_133 = arith.constant 0 : i32
        %dma_wait3A_134 = tpu.memref_slice %arg6[%add3A_120, %dma_wait3A_133] : memref<40x128xi32, #tpu.memory_space<vmem>> -> memref<1x128xi32, #tpu.memory_space<vmem>>
        %dma_wait3A_135 = tpu.memref_squeeze %dma_wait3A_134 : memref<1x128xi32, #tpu.memory_space<vmem>> -> memref<128xi32, #tpu.memory_space<vmem>>
        %dma_wait3A_136 = arith.constant 0 : i32
        %dma_wait3A_137 = arith.constant 0 : i32
        %dma_wait3A_138 = tpu.memref_slice %arg4[%dma_wait3A_136, %dma_wait3A_137] : memref<10000x128xf32, #tpu.memory_space<hbm>> -> memref<10000x128xf32, #tpu.memory_space<hbm>>
        tpu.wait_indirect_dma semaphore(%arg12 : memref<!tpu.dma_semaphore, #tpu.memory_space<semaphore_mem>>) src(%dma_wait3A_138 : memref<10000x128xf32, #tpu.memory_space<hbm>>) dst(%arg9 : memref<128x128xf32, #tpu.memory_space<vmem>>)
        %dma_start3A_139 = arith.constant 0 : i32
        %dma_start3A_140 = tpu.memref_slice %arg7[%add3A_120, %dma_start3A_139] : memref<40x128xi32, #tpu.memory_space<vmem>> -> memref<1x128xi32, #tpu.memory_space<vmem>>
        %dma_start3A_141 = tpu.memref_squeeze %dma_start3A_140 : memref<1x128xi32, #tpu.memory_space<vmem>> -> memref<128xi32, #tpu.memory_space<vmem>>
        %dma_start3A_142 = arith.constant 0 : i32
        %dma_start3A_143 = arith.constant 0 : i32
        %dma_start3A_144 = tpu.memref_slice %arg10[%dma_start3A_142, %dma_start3A_143] : memref<10240x128xf32, #tpu.memory_space<vmem_shared>> -> memref<10240x128xf32, #tpu.memory_space<vmem_shared>>
        tpu.enqueue_indirect_dma source(%arg9 : memref<128x128xf32, #tpu.memory_space<vmem>>) target(%dma_start3A_144 : memref<10240x128xf32, #tpu.memory_space<vmem_shared>>) offsets(%dma_start3A_141 : memref<128xi32, #tpu.memory_space<vmem>>) semaphore(%arg14 : memref<!tpu.dma_semaphore, #tpu.memory_space<semaphore_mem>>) {add = true}
        %lt3A = arith.constant 19 : i32
        %lt3A_145 = arith.cmpi slt, %scan3A_113, %lt3A : i32
        %convert_element_type3A = arith.extui %lt3A_145 : i1 to i32
        %cond3A = arith.constant 0 : i32
        %cond3A_146 = arith.cmpi ne, %convert_element_type3A, %cond3A : i32
        scf.if %cond3A_146 {
          %dma_wait3A_148 = arith.constant 0 : i32
          %dma_wait3A_149 = tpu.memref_slice %arg7[%mul3A_116, %dma_wait3A_148] : memref<40x128xi32, #tpu.memory_space<vmem>> -> memref<1x128xi32, #tpu.memory_space<vmem>>
          %dma_wait3A_150 = tpu.memref_squeeze %dma_wait3A_149 : memref<1x128xi32, #tpu.memory_space<vmem>> -> memref<128xi32, #tpu.memory_space<vmem>>
          %dma_wait3A_151 = arith.constant 0 : i32
          %dma_wait3A_152 = arith.constant 0 : i32
          %dma_wait3A_153 = tpu.memref_slice %arg10[%dma_wait3A_151, %dma_wait3A_152] : memref<10240x128xf32, #tpu.memory_space<vmem_shared>> -> memref<10240x128xf32, #tpu.memory_space<vmem_shared>>
          tpu.wait_indirect_dma semaphore(%arg13 : memref<!tpu.dma_semaphore, #tpu.memory_space<semaphore_mem>>) src(%arg8 : memref<128x128xf32, #tpu.memory_space<vmem>>) dst(%dma_wait3A_153 : memref<10240x128xf32, #tpu.memory_space<vmem_shared>>)
          %add3A_154 = arith.constant 2 : i32
          %add3A_155 = arith.addi %mul3A_116, %add3A_154 : i32
          %dma_start3A_156 = arith.constant 0 : i32
          %dma_start3A_157 = arith.constant 0 : i32
          %dma_start3A_158 = tpu.memref_slice %arg8[%dma_start3A_156, %dma_start3A_157] : memref<128x128xf32, #tpu.memory_space<vmem>> -> memref<64x128xf32, #tpu.memory_space<vmem>>
          %dma_start3A_159 = arith.constant 0 : i32
          %dma_start3A_160 = tpu.memref_slice %arg6[%add3A_155, %dma_start3A_159] : memref<40x128xi32, #tpu.memory_space<vmem>> -> memref<1x64xi32, #tpu.memory_space<vmem>>
          %dma_start3A_161 = tpu.memref_squeeze %dma_start3A_160 : memref<1x64xi32, #tpu.memory_space<vmem>> -> memref<64xi32, #tpu.memory_space<vmem>>
          %dma_start3A_162 = arith.constant 0 : i32
          %dma_start3A_163 = arith.constant 0 : i32
          %dma_start3A_164 = tpu.memref_slice %arg4[%dma_start3A_162, %dma_start3A_163] : memref<10000x128xf32, #tpu.memory_space<hbm>> -> memref<10000x128xf32, #tpu.memory_space<hbm>>
          tpu.enqueue_indirect_dma source(%dma_start3A_164 : memref<10000x128xf32, #tpu.memory_space<hbm>>) target(%dma_start3A_158 : memref<64x128xf32, #tpu.memory_space<vmem>>) offsets(%dma_start3A_161 : memref<64xi32, #tpu.memory_space<vmem>>) semaphore(%arg11 : memref<!tpu.dma_semaphore, #tpu.memory_space<semaphore_mem>>)
          %dma_start3A_165 = arith.constant 64 : i32
          %dma_start3A_166 = arith.constant 0 : i32
          %dma_start3A_167 = tpu.memref_slice %arg8[%dma_start3A_165, %dma_start3A_166] : memref<128x128xf32, #tpu.memory_space<vmem>> -> memref<64x128xf32, #tpu.memory_space<vmem>>
          %dma_start3A_168 = arith.constant 64 : i32
          %dma_start3A_169 = tpu.memref_slice %arg6[%add3A_155, %dma_start3A_168] : memref<40x128xi32, #tpu.memory_space<vmem>> -> memref<1x64xi32, #tpu.memory_space<vmem>>
          %dma_start3A_170 = tpu.memref_squeeze %dma_start3A_169 : memref<1x64xi32, #tpu.memory_space<vmem>> -> memref<64xi32, #tpu.memory_space<vmem>>
          %dma_start3A_171 = arith.constant 0 : i32
          %dma_start3A_172 = arith.constant 0 : i32
          %dma_start3A_173 = tpu.memref_slice %arg4[%dma_start3A_171, %dma_start3A_172] : memref<10000x128xf32, #tpu.memory_space<hbm>> -> memref<10000x128xf32, #tpu.memory_space<hbm>>
          tpu.enqueue_indirect_dma source(%dma_start3A_173 : memref<10000x128xf32, #tpu.memory_space<hbm>>) target(%dma_start3A_167 : memref<64x128xf32, #tpu.memory_space<vmem>>) offsets(%dma_start3A_170 : memref<64xi32, #tpu.memory_space<vmem>>) semaphore(%arg11 : memref<!tpu.dma_semaphore, #tpu.memory_space<semaphore_mem>>)
          %dma_wait3A_174 = arith.constant 0 : i32
          %dma_wait3A_175 = tpu.memref_slice %arg7[%add3A_120, %dma_wait3A_174] : memref<40x128xi32, #tpu.memory_space<vmem>> -> memref<1x128xi32, #tpu.memory_space<vmem>>
          %dma_wait3A_176 = tpu.memref_squeeze %dma_wait3A_175 : memref<1x128xi32, #tpu.memory_space<vmem>> -> memref<128xi32, #tpu.memory_space<vmem>>
          %dma_wait3A_177 = arith.constant 0 : i32
          %dma_wait3A_178 = arith.constant 0 : i32
          %dma_wait3A_179 = tpu.memref_slice %arg10[%dma_wait3A_177, %dma_wait3A_178] : memref<10240x128xf32, #tpu.memory_space<vmem_shared>> -> memref<10240x128xf32, #tpu.memory_space<vmem_shared>>
          tpu.wait_indirect_dma semaphore(%arg14 : memref<!tpu.dma_semaphore, #tpu.memory_space<semaphore_mem>>) src(%arg9 : memref<128x128xf32, #tpu.memory_space<vmem>>) dst(%dma_wait3A_179 : memref<10240x128xf32, #tpu.memory_space<vmem_shared>>)
          %add3A_180 = arith.constant 2 : i32
          %add3A_181 = arith.addi %add3A_120, %add3A_180 : i32
          %dma_start3A_182 = arith.constant 0 : i32
          %dma_start3A_183 = arith.constant 0 : i32
          %dma_start3A_184 = tpu.memref_slice %arg9[%dma_start3A_182, %dma_start3A_183] : memref<128x128xf32, #tpu.memory_space<vmem>> -> memref<64x128xf32, #tpu.memory_space<vmem>>
          %dma_start3A_185 = arith.constant 0 : i32
          %dma_start3A_186 = tpu.memref_slice %arg6[%add3A_181, %dma_start3A_185] : memref<40x128xi32, #tpu.memory_space<vmem>> -> memref<1x64xi32, #tpu.memory_space<vmem>>
          %dma_start3A_187 = tpu.memref_squeeze %dma_start3A_186 : memref<1x64xi32, #tpu.memory_space<vmem>> -> memref<64xi32, #tpu.memory_space<vmem>>
          %dma_start3A_188 = arith.constant 0 : i32
          %dma_start3A_189 = arith.constant 0 : i32
          %dma_start3A_190 = tpu.memref_slice %arg4[%dma_start3A_188, %dma_start3A_189] : memref<10000x128xf32, #tpu.memory_space<hbm>> -> memref<10000x128xf32, #tpu.memory_space<hbm>>
          tpu.enqueue_indirect_dma source(%dma_start3A_190 : memref<10000x128xf32, #tpu.memory_space<hbm>>) target(%dma_start3A_184 : memref<64x128xf32, #tpu.memory_space<vmem>>) offsets(%dma_start3A_187 : memref<64xi32, #tpu.memory_space<vmem>>) semaphore(%arg12 : memref<!tpu.dma_semaphore, #tpu.memory_space<semaphore_mem>>)
          %dma_start3A_191 = arith.constant 64 : i32
          %dma_start3A_192 = arith.constant 0 : i32
          %dma_start3A_193 = tpu.memref_slice %arg9[%dma_start3A_191, %dma_start3A_192] : memref<128x128xf32, #tpu.memory_space<vmem>> -> memref<64x128xf32, #tpu.memory_space<vmem>>
          %dma_start3A_194 = arith.constant 64 : i32
          %dma_start3A_195 = tpu.memref_slice %arg6[%add3A_181, %dma_start3A_194] : memref<40x128xi32, #tpu.memory_space<vmem>> -> memref<1x64xi32, #tpu.memory_space<vmem>>
          %dma_start3A_196 = tpu.memref_squeeze %dma_start3A_195 : memref<1x64xi32, #tpu.memory_space<vmem>> -> memref<64xi32, #tpu.memory_space<vmem>>
          %dma_start3A_197 = arith.constant 0 : i32
          %dma_start3A_198 = arith.constant 0 : i32
          %dma_start3A_199 = tpu.memref_slice %arg4[%dma_start3A_197, %dma_start3A_198] : memref<10000x128xf32, #tpu.memory_space<hbm>> -> memref<10000x128xf32, #tpu.memory_space<hbm>>
          tpu.enqueue_indirect_dma source(%dma_start3A_199 : memref<10000x128xf32, #tpu.memory_space<hbm>>) target(%dma_start3A_193 : memref<64x128xf32, #tpu.memory_space<vmem>>) offsets(%dma_start3A_196 : memref<64xi32, #tpu.memory_space<vmem>>) semaphore(%arg12 : memref<!tpu.dma_semaphore, #tpu.memory_space<semaphore_mem>>)
        } else {
        }
        %scan3A_147 = arith.constant 0 : i32
        scf.yield %scan3A_147 : i32
      }
      %scan3A_98 = arith.constant 20 : i32
      %dma_wait3A = arith.constant 38 : i32
      %dma_wait3A_99 = arith.constant 0 : i32
      %dma_wait3A_100 = tpu.memref_slice %arg7[%dma_wait3A, %dma_wait3A_99] : memref<40x128xi32, #tpu.memory_space<vmem>> -> memref<1x128xi32, #tpu.memory_space<vmem>>
      %dma_wait3A_101 = tpu.memref_squeeze %dma_wait3A_100 : memref<1x128xi32, #tpu.memory_space<vmem>> -> memref<128xi32, #tpu.memory_space<vmem>>
      %dma_wait3A_102 = arith.constant 0 : i32
      %dma_wait3A_103 = arith.constant 0 : i32
      %dma_wait3A_104 = tpu.memref_slice %arg10[%dma_wait3A_102, %dma_wait3A_103] : memref<10240x128xf32, #tpu.memory_space<vmem_shared>> -> memref<10240x128xf32, #tpu.memory_space<vmem_shared>>
      tpu.wait_indirect_dma semaphore(%arg13 : memref<!tpu.dma_semaphore, #tpu.memory_space<semaphore_mem>>) src(%arg8 : memref<128x128xf32, #tpu.memory_space<vmem>>) dst(%dma_wait3A_104 : memref<10240x128xf32, #tpu.memory_space<vmem_shared>>)
      %dma_wait3A_105 = arith.constant 39 : i32
      %dma_wait3A_106 = arith.constant 0 : i32
      %dma_wait3A_107 = tpu.memref_slice %arg7[%dma_wait3A_105, %dma_wait3A_106] : memref<40x128xi32, #tpu.memory_space<vmem>> -> memref<1x128xi32, #tpu.memory_space<vmem>>
      %dma_wait3A_108 = tpu.memref_squeeze %dma_wait3A_107 : memref<1x128xi32, #tpu.memory_space<vmem>> -> memref<128xi32, #tpu.memory_space<vmem>>
      %dma_wait3A_109 = arith.constant 0 : i32
      %dma_wait3A_110 = arith.constant 0 : i32
      %dma_wait3A_111 = tpu.memref_slice %arg10[%dma_wait3A_109, %dma_wait3A_110] : memref<10240x128xf32, #tpu.memory_space<vmem_shared>> -> memref<10240x128xf32, #tpu.memory_space<vmem_shared>>
      tpu.wait_indirect_dma semaphore(%arg14 : memref<!tpu.dma_semaphore, #tpu.memory_space<semaphore_mem>>) src(%arg9 : memref<128x128xf32, #tpu.memory_space<vmem>>) dst(%dma_wait3A_111 : memref<10240x128xf32, #tpu.memory_space<vmem_shared>>)
      %while3A_112 = arith.constant 0 : i32
      scf.yield %while3A_112 : i32
    }
    %while3A_43 = arith.constant 1 : i32
    %while3A_44 = scf.for %while3A_48 = %while3A_40 to %while3A_36 step %while3A_43 iter_args(%while3A_49 = %while3A_42) -> (i32)  : i32 {
      %add3A_50 = arith.addi %select_n3A_33, %while3A_48 : i32
      %mul3A_51 = arith.constant 40 : i32
      %mul3A_52 = arith.muli %add3A_50, %mul3A_51 : i32
      "tpu.region"() ({
        %run_scoped3A = tpu.sem_alloc : memref<!tpu.dma_semaphore, #tpu.memory_space<semaphore_mem>>
        %dma_start3A_113 = arith.constant 0 : i32
        %dma_start3A_114 = tpu.memref_slice %arg2[%mul3A_52, %dma_start3A_113] : memref<2560x128xi32, #tpu.memory_space<hbm>> -> memref<40x128xi32, #tpu.memory_space<hbm>>
        %dma_start3A_115 = arith.constant 0 : i32
        %dma_start3A_116 = tpu.memref_slice %arg2[%mul3A_52, %dma_start3A_115] : memref<2560x128xi32, #tpu.memory_space<hbm>> -> memref<40x128xi32, #tpu.memory_space<hbm>>
        tpu.enqueue_dma source(%dma_start3A_116 : memref<40x128xi32, #tpu.memory_space<hbm>>) target(%arg6 : memref<40x128xi32, #tpu.memory_space<vmem>>) target_semaphore(%run_scoped3A : memref<!tpu.dma_semaphore, #tpu.memory_space<semaphore_mem>>)
        %dma_wait3A_117 = arith.constant 0 : i32
        %dma_wait3A_118 = tpu.memref_slice %arg2[%mul3A_52, %dma_wait3A_117] : memref<2560x128xi32, #tpu.memory_space<hbm>> -> memref<40x128xi32, #tpu.memory_space<hbm>>
        %dma_wait3A_119 = arith.constant 0 : i32
        %dma_wait3A_120 = tpu.memref_slice %arg2[%mul3A_52, %dma_wait3A_119] : memref<2560x128xi32, #tpu.memory_space<hbm>> -> memref<40x128xi32, #tpu.memory_space<hbm>>
        tpu.wait_dma2 semaphore(%run_scoped3A : memref<!tpu.dma_semaphore, #tpu.memory_space<semaphore_mem>>) src(%dma_wait3A_120 : memref<40x128xi32, #tpu.memory_space<hbm>>) dst(%arg6 : memref<40x128xi32, #tpu.memory_space<vmem>>)
        tpu.yield
      }) : () -> ()
      "tpu.region"() ({
        %run_scoped3A = tpu.sem_alloc : memref<!tpu.dma_semaphore, #tpu.memory_space<semaphore_mem>>
        %dma_start3A_113 = arith.constant 0 : i32
        %dma_start3A_114 = tpu.memref_slice %arg3[%mul3A_52, %dma_start3A_113] : memref<2560x128xi32, #tpu.memory_space<hbm>> -> memref<40x128xi32, #tpu.memory_space<hbm>>
        %dma_start3A_115 = arith.constant 0 : i32
        %dma_start3A_116 = tpu.memref_slice %arg3[%mul3A_52, %dma_start3A_115] : memref<2560x128xi32, #tpu.memory_space<hbm>> -> memref<40x128xi32, #tpu.memory_space<hbm>>
        tpu.enqueue_dma source(%dma_start3A_116 : memref<40x128xi32, #tpu.memory_space<hbm>>) target(%arg7 : memref<40x128xi32, #tpu.memory_space<vmem>>) target_semaphore(%run_scoped3A : memref<!tpu.dma_semaphore, #tpu.memory_space<semaphore_mem>>)
        %dma_wait3A_117 = arith.constant 0 : i32
        %dma_wait3A_118 = tpu.memref_slice %arg3[%mul3A_52, %dma_wait3A_117] : memref<2560x128xi32, #tpu.memory_space<hbm>> -> memref<40x128xi32, #tpu.memory_space<hbm>>
        %dma_wait3A_119 = arith.constant 0 : i32
        %dma_wait3A_120 = tpu.memref_slice %arg3[%mul3A_52, %dma_wait3A_119] : memref<2560x128xi32, #tpu.memory_space<hbm>> -> memref<40x128xi32, #tpu.memory_space<hbm>>
        tpu.wait_dma2 semaphore(%run_scoped3A : memref<!tpu.dma_semaphore, #tpu.memory_space<semaphore_mem>>) src(%dma_wait3A_120 : memref<40x128xi32, #tpu.memory_space<hbm>>) dst(%arg7 : memref<40x128xi32, #tpu.memory_space<vmem>>)
        tpu.yield
      }) : () -> ()
      %dma_start3A = arith.constant 0 : i32
      %dma_start3A_53 = arith.constant 0 : i32
      %dma_start3A_54 = arith.constant 0 : i32
      %dma_start3A_55 = tpu.memref_slice %arg8[%dma_start3A_53, %dma_start3A_54] : memref<128x128xf32, #tpu.memory_space<vmem>> -> memref<64x128xf32, #tpu.memory_space<vmem>>
      %dma_start3A_56 = arith.constant 0 : i32
      %dma_start3A_57 = tpu.memref_slice %arg6[%dma_start3A, %dma_start3A_56] : memref<40x128xi32, #tpu.memory_space<vmem>> -> memref<1x64xi32, #tpu.memory_space<vmem>>
      %dma_start3A_58 = tpu.memref_squeeze %dma_start3A_57 : memref<1x64xi32, #tpu.memory_space<vmem>> -> memref<64xi32, #tpu.memory_space<vmem>>
      %dma_start3A_59 = arith.constant 0 : i32
      %dma_start3A_60 = arith.constant 0 : i32
      %dma_start3A_61 = tpu.memref_slice %arg4[%dma_start3A_59, %dma_start3A_60] : memref<10000x128xf32, #tpu.memory_space<hbm>> -> memref<10000x128xf32, #tpu.memory_space<hbm>>
      tpu.enqueue_indirect_dma source(%dma_start3A_61 : memref<10000x128xf32, #tpu.memory_space<hbm>>) target(%dma_start3A_55 : memref<64x128xf32, #tpu.memory_space<vmem>>) offsets(%dma_start3A_58 : memref<64xi32, #tpu.memory_space<vmem>>) semaphore(%arg11 : memref<!tpu.dma_semaphore, #tpu.memory_space<semaphore_mem>>)
      %dma_start3A_62 = arith.constant 0 : i32
      %dma_start3A_63 = arith.constant 64 : i32
      %dma_start3A_64 = arith.constant 0 : i32
      %dma_start3A_65 = tpu.memref_slice %arg8[%dma_start3A_63, %dma_start3A_64] : memref<128x128xf32, #tpu.memory_space<vmem>> -> memref<64x128xf32, #tpu.memory_space<vmem>>
      %dma_start3A_66 = arith.constant 64 : i32
      %dma_start3A_67 = tpu.memref_slice %arg6[%dma_start3A_62, %dma_start3A_66] : memref<40x128xi32, #tpu.memory_space<vmem>> -> memref<1x64xi32, #tpu.memory_space<vmem>>
      %dma_start3A_68 = tpu.memref_squeeze %dma_start3A_67 : memref<1x64xi32, #tpu.memory_space<vmem>> -> memref<64xi32, #tpu.memory_space<vmem>>
      %dma_start3A_69 = arith.constant 0 : i32
      %dma_start3A_70 = arith.constant 0 : i32
      %dma_start3A_71 = tpu.memref_slice %arg4[%dma_start3A_69, %dma_start3A_70] : memref<10000x128xf32, #tpu.memory_space<hbm>> -> memref<10000x128xf32, #tpu.memory_space<hbm>>
      tpu.enqueue_indirect_dma source(%dma_start3A_71 : memref<10000x128xf32, #tpu.memory_space<hbm>>) target(%dma_start3A_65 : memref<64x128xf32, #tpu.memory_space<vmem>>) offsets(%dma_start3A_68 : memref<64xi32, #tpu.memory_space<vmem>>) semaphore(%arg11 : memref<!tpu.dma_semaphore, #tpu.memory_space<semaphore_mem>>)
      %dma_start3A_72 = arith.constant 1 : i32
      %dma_start3A_73 = arith.constant 0 : i32
      %dma_start3A_74 = arith.constant 0 : i32
      %dma_start3A_75 = tpu.memref_slice %arg9[%dma_start3A_73, %dma_start3A_74] : memref<128x128xf32, #tpu.memory_space<vmem>> -> memref<64x128xf32, #tpu.memory_space<vmem>>
      %dma_start3A_76 = arith.constant 0 : i32
      %dma_start3A_77 = tpu.memref_slice %arg6[%dma_start3A_72, %dma_start3A_76] : memref<40x128xi32, #tpu.memory_space<vmem>> -> memref<1x64xi32, #tpu.memory_space<vmem>>
      %dma_start3A_78 = tpu.memref_squeeze %dma_start3A_77 : memref<1x64xi32, #tpu.memory_space<vmem>> -> memref<64xi32, #tpu.memory_space<vmem>>
      %dma_start3A_79 = arith.constant 0 : i32
      %dma_start3A_80 = arith.constant 0 : i32
      %dma_start3A_81 = tpu.memref_slice %arg4[%dma_start3A_79, %dma_start3A_80] : memref<10000x128xf32, #tpu.memory_space<hbm>> -> memref<10000x128xf32, #tpu.memory_space<hbm>>
      tpu.enqueue_indirect_dma source(%dma_start3A_81 : memref<10000x128xf32, #tpu.memory_space<hbm>>) target(%dma_start3A_75 : memref<64x128xf32, #tpu.memory_space<vmem>>) offsets(%dma_start3A_78 : memref<64xi32, #tpu.memory_space<vmem>>) semaphore(%arg12 : memref<!tpu.dma_semaphore, #tpu.memory_space<semaphore_mem>>)
      %dma_start3A_82 = arith.constant 1 : i32
      %dma_start3A_83 = arith.constant 64 : i32
      %dma_start3A_84 = arith.constant 0 : i32
      %dma_start3A_85 = tpu.memref_slice %arg9[%dma_start3A_83, %dma_start3A_84] : memref<128x128xf32, #tpu.memory_space<vmem>> -> memref<64x128xf32, #tpu.memory_space<vmem>>
      %dma_start3A_86 = arith.constant 64 : i32
      %dma_start3A_87 = tpu.memref_slice %arg6[%dma_start3A_82, %dma_start3A_86] : memref<40x128xi32, #tpu.memory_space<vmem>> -> memref<1x64xi32, #tpu.memory_space<vmem>>
      %dma_start3A_88 = tpu.memref_squeeze %dma_start3A_87 : memref<1x64xi32, #tpu.memory_space<vmem>> -> memref<64xi32, #tpu.memory_space<vmem>>
      %dma_start3A_89 = arith.constant 0 : i32
      %dma_start3A_90 = arith.constant 0 : i32
      %dma_start3A_91 = tpu.memref_slice %arg4[%dma_start3A_89, %dma_start3A_90] : memref<10000x128xf32, #tpu.memory_space<hbm>> -> memref<10000x128xf32, #tpu.memory_space<hbm>>
      tpu.enqueue_indirect_dma source(%dma_start3A_91 : memref<10000x128xf32, #tpu.memory_space<hbm>>) target(%dma_start3A_85 : memref<64x128xf32, #tpu.memory_space<vmem>>) offsets(%dma_start3A_88 : memref<64xi32, #tpu.memory_space<vmem>>) semaphore(%arg12 : memref<!tpu.dma_semaphore, #tpu.memory_space<semaphore_mem>>)
      %scan3A_92 = arith.constant 0 : i32
      %scan3A_93 = arith.constant 0 : i32
      %scan3A_94 = arith.constant 20 : i32
      %scan3A_95 = arith.addi %scan3A_93, %scan3A_94 : i32
      %scan3A_96 = arith.constant 1 : i32
      %scan3A_97 = scf.for %scan3A_113 = %scan3A_93 to %scan3A_95 step %scan3A_96 iter_args(%scan3A_114 = %scan3A_92) -> (i32)  : i32 {
        %mul3A_115 = arith.constant 2 : i32
        %mul3A_116 = arith.muli %mul3A_115, %scan3A_113 : i32
        %mul3A_117 = arith.constant 2 : i32
        %mul3A_118 = arith.muli %mul3A_117, %scan3A_113 : i32
        %add3A_119 = arith.constant 1 : i32
        %add3A_120 = arith.addi %mul3A_118, %add3A_119 : i32
        %dma_wait3A_121 = arith.constant 0 : i32
        %dma_wait3A_122 = tpu.memref_slice %arg6[%mul3A_116, %dma_wait3A_121] : memref<40x128xi32, #tpu.memory_space<vmem>> -> memref<1x128xi32, #tpu.memory_space<vmem>>
        %dma_wait3A_123 = tpu.memref_squeeze %dma_wait3A_122 : memref<1x128xi32, #tpu.memory_space<vmem>> -> memref<128xi32, #tpu.memory_space<vmem>>
        %dma_wait3A_124 = arith.constant 0 : i32
        %dma_wait3A_125 = arith.constant 0 : i32
        %dma_wait3A_126 = tpu.memref_slice %arg4[%dma_wait3A_124, %dma_wait3A_125] : memref<10000x128xf32, #tpu.memory_space<hbm>> -> memref<10000x128xf32, #tpu.memory_space<hbm>>
        tpu.wait_indirect_dma semaphore(%arg11 : memref<!tpu.dma_semaphore, #tpu.memory_space<semaphore_mem>>) src(%dma_wait3A_126 : memref<10000x128xf32, #tpu.memory_space<hbm>>) dst(%arg8 : memref<128x128xf32, #tpu.memory_space<vmem>>)
        %dma_start3A_127 = arith.constant 0 : i32
        %dma_start3A_128 = tpu.memref_slice %arg7[%mul3A_116, %dma_start3A_127] : memref<40x128xi32, #tpu.memory_space<vmem>> -> memref<1x128xi32, #tpu.memory_space<vmem>>
        %dma_start3A_129 = tpu.memref_squeeze %dma_start3A_128 : memref<1x128xi32, #tpu.memory_space<vmem>> -> memref<128xi32, #tpu.memory_space<vmem>>
        %dma_start3A_130 = arith.constant 0 : i32
        %dma_start3A_131 = arith.constant 0 : i32
        %dma_start3A_132 = tpu.memref_slice %arg10[%dma_start3A_130, %dma_start3A_131] : memref<10240x128xf32, #tpu.memory_space<vmem_shared>> -> memref<10240x128xf32, #tpu.memory_space<vmem_shared>>
        tpu.enqueue_indirect_dma source(%arg8 : memref<128x128xf32, #tpu.memory_space<vmem>>) target(%dma_start3A_132 : memref<10240x128xf32, #tpu.memory_space<vmem_shared>>) offsets(%dma_start3A_129 : memref<128xi32, #tpu.memory_space<vmem>>) semaphore(%arg13 : memref<!tpu.dma_semaphore, #tpu.memory_space<semaphore_mem>>) {add = true}
        %dma_wait3A_133 = arith.constant 0 : i32
        %dma_wait3A_134 = tpu.memref_slice %arg6[%add3A_120, %dma_wait3A_133] : memref<40x128xi32, #tpu.memory_space<vmem>> -> memref<1x128xi32, #tpu.memory_space<vmem>>
        %dma_wait3A_135 = tpu.memref_squeeze %dma_wait3A_134 : memref<1x128xi32, #tpu.memory_space<vmem>> -> memref<128xi32, #tpu.memory_space<vmem>>
        %dma_wait3A_136 = arith.constant 0 : i32
        %dma_wait3A_137 = arith.constant 0 : i32
        %dma_wait3A_138 = tpu.memref_slice %arg4[%dma_wait3A_136, %dma_wait3A_137] : memref<10000x128xf32, #tpu.memory_space<hbm>> -> memref<10000x128xf32, #tpu.memory_space<hbm>>
        tpu.wait_indirect_dma semaphore(%arg12 : memref<!tpu.dma_semaphore, #tpu.memory_space<semaphore_mem>>) src(%dma_wait3A_138 : memref<10000x128xf32, #tpu.memory_space<hbm>>) dst(%arg9 : memref<128x128xf32, #tpu.memory_space<vmem>>)
        %dma_start3A_139 = arith.constant 0 : i32
        %dma_start3A_140 = tpu.memref_slice %arg7[%add3A_120, %dma_start3A_139] : memref<40x128xi32, #tpu.memory_space<vmem>> -> memref<1x128xi32, #tpu.memory_space<vmem>>
        %dma_start3A_141 = tpu.memref_squeeze %dma_start3A_140 : memref<1x128xi32, #tpu.memory_space<vmem>> -> memref<128xi32, #tpu.memory_space<vmem>>
        %dma_start3A_142 = arith.constant 0 : i32
        %dma_start3A_143 = arith.constant 0 : i32
        %dma_start3A_144 = tpu.memref_slice %arg10[%dma_start3A_142, %dma_start3A_143] : memref<10240x128xf32, #tpu.memory_space<vmem_shared>> -> memref<10240x128xf32, #tpu.memory_space<vmem_shared>>
        tpu.enqueue_indirect_dma source(%arg9 : memref<128x128xf32, #tpu.memory_space<vmem>>) target(%dma_start3A_144 : memref<10240x128xf32, #tpu.memory_space<vmem_shared>>) offsets(%dma_start3A_141 : memref<128xi32, #tpu.memory_space<vmem>>) semaphore(%arg14 : memref<!tpu.dma_semaphore, #tpu.memory_space<semaphore_mem>>) {add = true}
        %lt3A = arith.constant 19 : i32
        %lt3A_145 = arith.cmpi slt, %scan3A_113, %lt3A : i32
        %convert_element_type3A = arith.extui %lt3A_145 : i1 to i32
        %cond3A = arith.constant 0 : i32
        %cond3A_146 = arith.cmpi ne, %convert_element_type3A, %cond3A : i32
        scf.if %cond3A_146 {
          %dma_wait3A_148 = arith.constant 0 : i32
          %dma_wait3A_149 = tpu.memref_slice %arg7[%mul3A_116, %dma_wait3A_148] : memref<40x128xi32, #tpu.memory_space<vmem>> -> memref<1x128xi32, #tpu.memory_space<vmem>>
          %dma_wait3A_150 = tpu.memref_squeeze %dma_wait3A_149 : memref<1x128xi32, #tpu.memory_space<vmem>> -> memref<128xi32, #tpu.memory_space<vmem>>
          %dma_wait3A_151 = arith.constant 0 : i32
          %dma_wait3A_152 = arith.constant 0 : i32
          %dma_wait3A_153 = tpu.memref_slice %arg10[%dma_wait3A_151, %dma_wait3A_152] : memref<10240x128xf32, #tpu.memory_space<vmem_shared>> -> memref<10240x128xf32, #tpu.memory_space<vmem_shared>>
          tpu.wait_indirect_dma semaphore(%arg13 : memref<!tpu.dma_semaphore, #tpu.memory_space<semaphore_mem>>) src(%arg8 : memref<128x128xf32, #tpu.memory_space<vmem>>) dst(%dma_wait3A_153 : memref<10240x128xf32, #tpu.memory_space<vmem_shared>>)
          %add3A_154 = arith.constant 2 : i32
          %add3A_155 = arith.addi %mul3A_116, %add3A_154 : i32
          %dma_start3A_156 = arith.constant 0 : i32
          %dma_start3A_157 = arith.constant 0 : i32
          %dma_start3A_158 = tpu.memref_slice %arg8[%dma_start3A_156, %dma_start3A_157] : memref<128x128xf32, #tpu.memory_space<vmem>> -> memref<64x128xf32, #tpu.memory_space<vmem>>
          %dma_start3A_159 = arith.constant 0 : i32
          %dma_start3A_160 = tpu.memref_slice %arg6[%add3A_155, %dma_start3A_159] : memref<40x128xi32, #tpu.memory_space<vmem>> -> memref<1x64xi32, #tpu.memory_space<vmem>>
          %dma_start3A_161 = tpu.memref_squeeze %dma_start3A_160 : memref<1x64xi32, #tpu.memory_space<vmem>> -> memref<64xi32, #tpu.memory_space<vmem>>
          %dma_start3A_162 = arith.constant 0 : i32
          %dma_start3A_163 = arith.constant 0 : i32
          %dma_start3A_164 = tpu.memref_slice %arg4[%dma_start3A_162, %dma_start3A_163] : memref<10000x128xf32, #tpu.memory_space<hbm>> -> memref<10000x128xf32, #tpu.memory_space<hbm>>
          tpu.enqueue_indirect_dma source(%dma_start3A_164 : memref<10000x128xf32, #tpu.memory_space<hbm>>) target(%dma_start3A_158 : memref<64x128xf32, #tpu.memory_space<vmem>>) offsets(%dma_start3A_161 : memref<64xi32, #tpu.memory_space<vmem>>) semaphore(%arg11 : memref<!tpu.dma_semaphore, #tpu.memory_space<semaphore_mem>>)
          %dma_start3A_165 = arith.constant 64 : i32
          %dma_start3A_166 = arith.constant 0 : i32
          %dma_start3A_167 = tpu.memref_slice %arg8[%dma_start3A_165, %dma_start3A_166] : memref<128x128xf32, #tpu.memory_space<vmem>> -> memref<64x128xf32, #tpu.memory_space<vmem>>
          %dma_start3A_168 = arith.constant 64 : i32
          %dma_start3A_169 = tpu.memref_slice %arg6[%add3A_155, %dma_start3A_168] : memref<40x128xi32, #tpu.memory_space<vmem>> -> memref<1x64xi32, #tpu.memory_space<vmem>>
          %dma_start3A_170 = tpu.memref_squeeze %dma_start3A_169 : memref<1x64xi32, #tpu.memory_space<vmem>> -> memref<64xi32, #tpu.memory_space<vmem>>
          %dma_start3A_171 = arith.constant 0 : i32
          %dma_start3A_172 = arith.constant 0 : i32
          %dma_start3A_173 = tpu.memref_slice %arg4[%dma_start3A_171, %dma_start3A_172] : memref<10000x128xf32, #tpu.memory_space<hbm>> -> memref<10000x128xf32, #tpu.memory_space<hbm>>
          tpu.enqueue_indirect_dma source(%dma_start3A_173 : memref<10000x128xf32, #tpu.memory_space<hbm>>) target(%dma_start3A_167 : memref<64x128xf32, #tpu.memory_space<vmem>>) offsets(%dma_start3A_170 : memref<64xi32, #tpu.memory_space<vmem>>) semaphore(%arg11 : memref<!tpu.dma_semaphore, #tpu.memory_space<semaphore_mem>>)
          %dma_wait3A_174 = arith.constant 0 : i32
          %dma_wait3A_175 = tpu.memref_slice %arg7[%add3A_120, %dma_wait3A_174] : memref<40x128xi32, #tpu.memory_space<vmem>> -> memref<1x128xi32, #tpu.memory_space<vmem>>
          %dma_wait3A_176 = tpu.memref_squeeze %dma_wait3A_175 : memref<1x128xi32, #tpu.memory_space<vmem>> -> memref<128xi32, #tpu.memory_space<vmem>>
          %dma_wait3A_177 = arith.constant 0 : i32
          %dma_wait3A_178 = arith.constant 0 : i32
          %dma_wait3A_179 = tpu.memref_slice %arg10[%dma_wait3A_177, %dma_wait3A_178] : memref<10240x128xf32, #tpu.memory_space<vmem_shared>> -> memref<10240x128xf32, #tpu.memory_space<vmem_shared>>
          tpu.wait_indirect_dma semaphore(%arg14 : memref<!tpu.dma_semaphore, #tpu.memory_space<semaphore_mem>>) src(%arg9 : memref<128x128xf32, #tpu.memory_space<vmem>>) dst(%dma_wait3A_179 : memref<10240x128xf32, #tpu.memory_space<vmem_shared>>)
          %add3A_180 = arith.constant 2 : i32
          %add3A_181 = arith.addi %add3A_120, %add3A_180 : i32
          %dma_start3A_182 = arith.constant 0 : i32
          %dma_start3A_183 = arith.constant 0 : i32
          %dma_start3A_184 = tpu.memref_slice %arg9[%dma_start3A_182, %dma_start3A_183] : memref<128x128xf32, #tpu.memory_space<vmem>> -> memref<64x128xf32, #tpu.memory_space<vmem>>
          %dma_start3A_185 = arith.constant 0 : i32
          %dma_start3A_186 = tpu.memref_slice %arg6[%add3A_181, %dma_start3A_185] : memref<40x128xi32, #tpu.memory_space<vmem>> -> memref<1x64xi32, #tpu.memory_space<vmem>>
          %dma_start3A_187 = tpu.memref_squeeze %dma_start3A_186 : memref<1x64xi32, #tpu.memory_space<vmem>> -> memref<64xi32, #tpu.memory_space<vmem>>
          %dma_start3A_188 = arith.constant 0 : i32
          %dma_start3A_189 = arith.constant 0 : i32
          %dma_start3A_190 = tpu.memref_slice %arg4[%dma_start3A_188, %dma_start3A_189] : memref<10000x128xf32, #tpu.memory_space<hbm>> -> memref<10000x128xf32, #tpu.memory_space<hbm>>
          tpu.enqueue_indirect_dma source(%dma_start3A_190 : memref<10000x128xf32, #tpu.memory_space<hbm>>) target(%dma_start3A_184 : memref<64x128xf32, #tpu.memory_space<vmem>>) offsets(%dma_start3A_187 : memref<64xi32, #tpu.memory_space<vmem>>) semaphore(%arg12 : memref<!tpu.dma_semaphore, #tpu.memory_space<semaphore_mem>>)
          %dma_start3A_191 = arith.constant 64 : i32
          %dma_start3A_192 = arith.constant 0 : i32
          %dma_start3A_193 = tpu.memref_slice %arg9[%dma_start3A_191, %dma_start3A_192] : memref<128x128xf32, #tpu.memory_space<vmem>> -> memref<64x128xf32, #tpu.memory_space<vmem>>
          %dma_start3A_194 = arith.constant 64 : i32
          %dma_start3A_195 = tpu.memref_slice %arg6[%add3A_181, %dma_start3A_194] : memref<40x128xi32, #tpu.memory_space<vmem>> -> memref<1x64xi32, #tpu.memory_space<vmem>>
          %dma_start3A_196 = tpu.memref_squeeze %dma_start3A_195 : memref<1x64xi32, #tpu.memory_space<vmem>> -> memref<64xi32, #tpu.memory_space<vmem>>
          %dma_start3A_197 = arith.constant 0 : i32
          %dma_start3A_198 = arith.constant 0 : i32
          %dma_start3A_199 = tpu.memref_slice %arg4[%dma_start3A_197, %dma_start3A_198] : memref<10000x128xf32, #tpu.memory_space<hbm>> -> memref<10000x128xf32, #tpu.memory_space<hbm>>
          tpu.enqueue_indirect_dma source(%dma_start3A_199 : memref<10000x128xf32, #tpu.memory_space<hbm>>) target(%dma_start3A_193 : memref<64x128xf32, #tpu.memory_space<vmem>>) offsets(%dma_start3A_196 : memref<64xi32, #tpu.memory_space<vmem>>) semaphore(%arg12 : memref<!tpu.dma_semaphore, #tpu.memory_space<semaphore_mem>>)
        } else {
        }
        %scan3A_147 = arith.constant 0 : i32
        scf.yield %scan3A_147 : i32
      }
      %scan3A_98 = arith.constant 20 : i32
      %dma_wait3A = arith.constant 38 : i32
      %dma_wait3A_99 = arith.constant 0 : i32
      %dma_wait3A_100 = tpu.memref_slice %arg7[%dma_wait3A, %dma_wait3A_99] : memref<40x128xi32, #tpu.memory_space<vmem>> -> memref<1x128xi32, #tpu.memory_space<vmem>>
      %dma_wait3A_101 = tpu.memref_squeeze %dma_wait3A_100 : memref<1x128xi32, #tpu.memory_space<vmem>> -> memref<128xi32, #tpu.memory_space<vmem>>
      %dma_wait3A_102 = arith.constant 0 : i32
      %dma_wait3A_103 = arith.constant 0 : i32
      %dma_wait3A_104 = tpu.memref_slice %arg10[%dma_wait3A_102, %dma_wait3A_103] : memref<10240x128xf32, #tpu.memory_space<vmem_shared>> -> memref<10240x128xf32, #tpu.memory_space<vmem_shared>>
      tpu.wait_indirect_dma semaphore(%arg13 : memref<!tpu.dma_semaphore, #tpu.memory_space<semaphore_mem>>) src(%arg8 : memref<128x128xf32, #tpu.memory_space<vmem>>) dst(%dma_wait3A_104 : memref<10240x128xf32, #tpu.memory_space<vmem_shared>>)
      %dma_wait3A_105 = arith.constant 39 : i32
      %dma_wait3A_106 = arith.constant 0 : i32
      %dma_wait3A_107 = tpu.memref_slice %arg7[%dma_wait3A_105, %dma_wait3A_106] : memref<40x128xi32, #tpu.memory_space<vmem>> -> memref<1x128xi32, #tpu.memory_space<vmem>>
      %dma_wait3A_108 = tpu.memref_squeeze %dma_wait3A_107 : memref<1x128xi32, #tpu.memory_space<vmem>> -> memref<128xi32, #tpu.memory_space<vmem>>
      %dma_wait3A_109 = arith.constant 0 : i32
      %dma_wait3A_110 = arith.constant 0 : i32
      %dma_wait3A_111 = tpu.memref_slice %arg10[%dma_wait3A_109, %dma_wait3A_110] : memref<10240x128xf32, #tpu.memory_space<vmem_shared>> -> memref<10240x128xf32, #tpu.memory_space<vmem_shared>>
      tpu.wait_indirect_dma semaphore(%arg14 : memref<!tpu.dma_semaphore, #tpu.memory_space<semaphore_mem>>) src(%arg9 : memref<128x128xf32, #tpu.memory_space<vmem>>) dst(%dma_wait3A_111 : memref<10240x128xf32, #tpu.memory_space<vmem_shared>>)
      %while3A_112 = arith.constant 0 : i32
      scf.yield %while3A_112 : i32
    }
    %barrier3A_45 = arith.constant 0 : index
    tpu.barrier barrier_id(%barrier3A_45)
    %mul3A_46 = arith.constant 640 : i32
    %mul3A_47 = arith.muli %arg1, %mul3A_46 : i32
    "tpu.region"() ({
      %run_scoped3A = tpu.sem_alloc : memref<!tpu.dma_semaphore, #tpu.memory_space<semaphore_mem>>
      %dma_start3A = arith.constant 0 : i32
      %dma_start3A_48 = tpu.memref_slice %arg5[%arg0, %mul3A_47, %dma_start3A] : memref<2x10240x128xf32, #tpu.memory_space<hbm>> -> memref<1x640x128xf32, #tpu.memory_space<hbm>>
      %dma_start3A_49 = tpu.memref_squeeze %dma_start3A_48 : memref<1x640x128xf32, #tpu.memory_space<hbm>> -> memref<640x128xf32, #tpu.memory_space<hbm>>
      %dma_start3A_50 = arith.constant 0 : i32
      %dma_start3A_51 = tpu.memref_slice %arg10[%mul3A_47, %dma_start3A_50] : memref<10240x128xf32, #tpu.memory_space<vmem_shared>> -> memref<640x128xf32, #tpu.memory_space<vmem_shared>>
      tpu.enqueue_dma source(%dma_start3A_51 : memref<640x128xf32, #tpu.memory_space<vmem_shared>>) target(%dma_start3A_49 : memref<640x128xf32, #tpu.memory_space<hbm>>) target_semaphore(%run_scoped3A : memref<!tpu.dma_semaphore, #tpu.memory_space<semaphore_mem>>)
      %dma_wait3A = arith.constant 0 : i32
      %dma_wait3A_52 = tpu.memref_slice %arg5[%arg0, %mul3A_47, %dma_wait3A] : memref<2x10240x128xf32, #tpu.memory_space<hbm>> -> memref<1x640x128xf32, #tpu.memory_space<hbm>>
      %dma_wait3A_53 = tpu.memref_squeeze %dma_wait3A_52 : memref<1x640x128xf32, #tpu.memory_space<hbm>> -> memref<640x128xf32, #tpu.memory_space<hbm>>
      %dma_wait3A_54 = arith.constant 0 : i32
      %dma_wait3A_55 = tpu.memref_slice %arg10[%mul3A_47, %dma_wait3A_54] : memref<10240x128xf32, #tpu.memory_space<vmem_shared>> -> memref<640x128xf32, #tpu.memory_space<vmem_shared>>
      tpu.wait_dma2 semaphore(%run_scoped3A : memref<!tpu.dma_semaphore, #tpu.memory_space<semaphore_mem>>) src(%dma_wait3A_55 : memref<640x128xf32, #tpu.memory_space<vmem_shared>>) dst(%dma_wait3A_53 : memref<640x128xf32, #tpu.memory_space<hbm>>)
      tpu.yield
    }) : () -> ()
    return
  }
}

module attributes {stable_mosaic.version = 14 : i64} {
  func.func @_scale_mm_body(%arg0: i32, %arg1: memref<1000x128xf32, #tpu.memory_space<vmem>>, %arg2: memref<128x128xf32, #tpu.memory_space<vmem>>, %arg3: memref<1000x128xf32, #tpu.memory_space<vmem>>, %arg4: memref<1000x128xf32, #tpu.memory_space<vmem>>, %arg5: memref<1000x128xf32, #tpu.memory_space<vmem>>) attributes {dimension_semantics = [#tpu.dimension_semantics<arbitrary>], iteration_bounds = array<i64: 10>, scalar_prefetch = 0 : i64, scratch_operands = 0 : i64, tpu.core_type = #tpu.core_type<tc>, window_params = [{transform_indices = @transform_0, window_bounds = array<i64: 1000, 128>}, {pipeline_mode = #tpu.pipeline_mode<synchronous>, transform_indices = @transform_1, window_bounds = array<i64: 128, 128>}, {transform_indices = @transform_2, window_bounds = array<i64: 1000, 128>}, {transform_indices = @transform_3, window_bounds = array<i64: 1000, 128>}, {transform_indices = @transform_4, window_bounds = array<i64: 1000, 128>}]} {
    %get3A = arith.constant 0 : index
    %get3A_0 = arith.constant 0 : index
    %get3A_1 = vector.load %arg1[%get3A, %get3A_0] : memref<1000x128xf32, #tpu.memory_space<vmem>>, vector<1000x128xf32>
    %get3A_2 = arith.constant 0 : index
    %get3A_3 = arith.constant 0 : index
    %get3A_4 = vector.load %arg2[%get3A_2, %get3A_3] : memref<128x128xf32, #tpu.memory_space<vmem>>, vector<128x128xf32>
    %dot_general3A = arith.constant dense<0.000000e+00> : vector<1000x128xf32>
    %dot_general3A_5 = tpu.matmul %get3A_1, %get3A_4, %dot_general3A {dimension_numbers = #tpu.dot_dimension_numbers<[1], [0], [0], [1], [0, 0, 1, 1], [], []>, transpose_lhs_hint = false} : vector<1000x128xf32>, vector<128x128xf32>, vector<1000x128xf32> -> vector<1000x128xf32>
    %get3A_6 = arith.constant 0 : index
    %get3A_7 = arith.constant 0 : index
    %get3A_8 = vector.load %arg3[%get3A_6, %get3A_7] : memref<1000x128xf32, #tpu.memory_space<vmem>>, vector<1000x128xf32>
    %get3A_9 = arith.constant 0 : index
    %get3A_10 = arith.constant 0 : index
    %get3A_11 = vector.load %arg4[%get3A_9, %get3A_10] : memref<1000x128xf32, #tpu.memory_space<vmem>>, vector<1000x128xf32>
    %add3A = arith.addf %get3A_8, %get3A_11 : vector<1000x128xf32>
    %add3A_12 = arith.constant 1.000000e+00 : f32
    %add3A_13 = vector.broadcast %add3A_12 : f32 to vector<1000x128xf32>
    %add3A_14 = arith.addf %add3A, %add3A_13 : vector<1000x128xf32>
    %rsqrt3A = math.rsqrt %add3A_14 : vector<1000x128xf32>
    %mul3A = arith.mulf %dot_general3A_5, %rsqrt3A : vector<1000x128xf32>
    %swap3A = arith.constant 0 : index
    %swap3A_15 = arith.constant 0 : index
    %swap3A_16 = vector.load %arg5[%swap3A, %swap3A_15] : memref<1000x128xf32, #tpu.memory_space<vmem>>, vector<1000x128xf32>
    tpu.vector_store %arg5[%swap3A, %swap3A_15], %mul3A {strides = array<i32>} : memref<1000x128xf32, #tpu.memory_space<vmem>>, vector<1000x128xf32>,
    return
  }
  func.func @transform_0(%arg0: i32) -> (i32, i32) {
    %c0_i32 = arith.constant 0 : i32
    %c0_i32_0 = arith.constant 0 : i32
    return %arg0, %c0_i32 : i32, i32
  }
  func.func @transform_1(%arg0: i32) -> (i32, i32) {
    %c0_i32 = arith.constant 0 : i32
    %c0_i32_0 = arith.constant 0 : i32
    %c0_i32_1 = arith.constant 0 : i32
    return %c0_i32, %c0_i32_0 : i32, i32
  }
  func.func @transform_2(%arg0: i32) -> (i32, i32) {
    %c0_i32 = arith.constant 0 : i32
    %c0_i32_0 = arith.constant 0 : i32
    return %arg0, %c0_i32 : i32, i32
  }
  func.func @transform_3(%arg0: i32) -> (i32, i32) {
    %c0_i32 = arith.constant 0 : i32
    %c0_i32_0 = arith.constant 0 : i32
    return %arg0, %c0_i32 : i32, i32
  }
  func.func @transform_4(%arg0: i32) -> (i32, i32) {
    %c0_i32 = arith.constant 0 : i32
    %c0_i32_0 = arith.constant 0 : i32
    return %arg0, %c0_i32 : i32, i32
  }
}

module attributes {stable_mosaic.version = 14 : i64} {
  func.func @_layer2_body(%arg0: i32, %arg1: memref<1000x128xf32, #tpu.memory_space<vmem>>, %arg2: memref<1000x128xf32, #tpu.memory_space<vmem>>, %arg3: memref<1000x128xf32, #tpu.memory_space<vmem>>, %arg4: memref<1000x128xf32, #tpu.memory_space<vmem>>, %arg5: memref<1000x128xf32, #tpu.memory_space<vmem>>, %arg6: memref<1x128xf32, #tpu.memory_space<vmem>>, %arg7: memref<128x128xf32, #tpu.memory_space<vmem>>, %arg8: memref<1000x128xf32, #tpu.memory_space<vmem>>) attributes {dimension_semantics = [#tpu.dimension_semantics<arbitrary>], iteration_bounds = array<i64: 10>, scalar_prefetch = 0 : i64, scratch_operands = 0 : i64, tpu.core_type = #tpu.core_type<tc>, window_params = [{transform_indices = @transform_0, window_bounds = array<i64: 1000, 128>}, {transform_indices = @transform_1, window_bounds = array<i64: 1000, 128>}, {transform_indices = @transform_2, window_bounds = array<i64: 1000, 128>}, {transform_indices = @transform_3, window_bounds = array<i64: 1000, 128>}, {transform_indices = @transform_4, window_bounds = array<i64: 1000, 128>}, {pipeline_mode = #tpu.pipeline_mode<synchronous>, transform_indices = @transform_5, window_bounds = array<i64: 1, 128>}, {pipeline_mode = #tpu.pipeline_mode<synchronous>, transform_indices = @transform_6, window_bounds = array<i64: 128, 128>}, {transform_indices = @transform_7, window_bounds = array<i64: 1000, 128>}]} {
    %get3A = arith.constant 0 : index
    %get3A_0 = arith.constant 0 : index
    %get3A_1 = vector.load %arg4[%get3A, %get3A_0] : memref<1000x128xf32, #tpu.memory_space<vmem>>, vector<1000x128xf32>
    %get3A_2 = arith.constant 0 : index
    %get3A_3 = arith.constant 0 : index
    %get3A_4 = vector.load %arg5[%get3A_2, %get3A_3] : memref<1000x128xf32, #tpu.memory_space<vmem>>, vector<1000x128xf32>
    %add3A = arith.addf %get3A_1, %get3A_4 : vector<1000x128xf32>
    %add3A_5 = arith.constant 1.000000e+00 : f32
    %add3A_6 = vector.broadcast %add3A_5 : f32 to vector<1000x128xf32>
    %add3A_7 = arith.addf %add3A, %add3A_6 : vector<1000x128xf32>
    %rsqrt3A = math.rsqrt %add3A_7 : vector<1000x128xf32>
    %get3A_8 = arith.constant 0 : index
    %get3A_9 = arith.constant 0 : index
    %get3A_10 = vector.load %arg1[%get3A_8, %get3A_9] : memref<1000x128xf32, #tpu.memory_space<vmem>>, vector<1000x128xf32>
    %get3A_11 = arith.constant 0 : index
    %get3A_12 = arith.constant 0 : index
    %get3A_13 = vector.load %arg2[%get3A_11, %get3A_12] : memref<1000x128xf32, #tpu.memory_space<vmem>>, vector<1000x128xf32>
    %add3A_14 = arith.addf %get3A_10, %get3A_13 : vector<1000x128xf32>
    %get3A_15 = arith.constant 0 : index
    %get3A_16 = arith.constant 0 : index
    %get3A_17 = vector.load %arg3[%get3A_15, %get3A_16] : memref<1000x128xf32, #tpu.memory_space<vmem>>, vector<1000x128xf32>
    %add3A_18 = arith.addf %add3A_14, %get3A_17 : vector<1000x128xf32>
    %mul3A = arith.mulf %rsqrt3A, %add3A_18 : vector<1000x128xf32>
    %get3A_19 = arith.constant 0 : index
    %get3A_20 = arith.constant 0 : index
    %get3A_21 = vector.load %arg6[%get3A_19, %get3A_20] : memref<1x128xf32, #tpu.memory_space<vmem>>, vector<1x128xf32>
    %add3A_22 = vector.broadcast %get3A_21 : vector<1x128xf32> to vector<1000x128xf32>
    %add3A_23 = arith.addf %mul3A, %add3A_22 : vector<1000x128xf32>
    %tanh3A = math.tanh %add3A_23 : vector<1000x128xf32>
    %get3A_24 = arith.constant 0 : index
    %get3A_25 = arith.constant 0 : index
    %get3A_26 = vector.load %arg7[%get3A_24, %get3A_25] : memref<128x128xf32, #tpu.memory_space<vmem>>, vector<128x128xf32>
    %dot_general3A = arith.constant dense<0.000000e+00> : vector<1000x128xf32>
    %dot_general3A_27 = tpu.matmul %tanh3A, %get3A_26, %dot_general3A {dimension_numbers = #tpu.dot_dimension_numbers<[1], [0], [0], [1], [0, 0, 1, 1], [], []>, transpose_lhs_hint = false} : vector<1000x128xf32>, vector<128x128xf32>, vector<1000x128xf32> -> vector<1000x128xf32>
    %mul3A_28 = arith.mulf %dot_general3A_27, %rsqrt3A : vector<1000x128xf32>
    %swap3A = arith.constant 0 : index
    %swap3A_29 = arith.constant 0 : index
    %swap3A_30 = vector.load %arg8[%swap3A, %swap3A_29] : memref<1000x128xf32, #tpu.memory_space<vmem>>, vector<1000x128xf32>
    tpu.vector_store %arg8[%swap3A, %swap3A_29], %mul3A_28 {strides = array<i32>} : memref<1000x128xf32, #tpu.memory_space<vmem>>, vector<1000x128xf32>,
    return
  }
  func.func @transform_0(%arg0: i32) -> (i32, i32) {
    %c0_i32 = arith.constant 0 : i32
    %c0_i32_0 = arith.constant 0 : i32
    return %arg0, %c0_i32 : i32, i32
  }
  func.func @transform_1(%arg0: i32) -> (i32, i32) {
    %c0_i32 = arith.constant 0 : i32
    %c0_i32_0 = arith.constant 0 : i32
    return %arg0, %c0_i32 : i32, i32
  }
  func.func @transform_2(%arg0: i32) -> (i32, i32) {
    %c0_i32 = arith.constant 0 : i32
    %c0_i32_0 = arith.constant 0 : i32
    return %arg0, %c0_i32 : i32, i32
  }
  func.func @transform_3(%arg0: i32) -> (i32, i32) {
    %c0_i32 = arith.constant 0 : i32
    %c0_i32_0 = arith.constant 0 : i32
    return %arg0, %c0_i32 : i32, i32
  }
  func.func @transform_4(%arg0: i32) -> (i32, i32) {
    %c0_i32 = arith.constant 0 : i32
    %c0_i32_0 = arith.constant 0 : i32
    return %arg0, %c0_i32 : i32, i32
  }
  func.func @transform_5(%arg0: i32) -> (i32, i32) {
    %c0_i32 = arith.constant 0 : i32
    %c0_i32_0 = arith.constant 0 : i32
    %c0_i32_1 = arith.constant 0 : i32
    return %c0_i32, %c0_i32_0 : i32, i32
  }
  func.func @transform_6(%arg0: i32) -> (i32, i32) {
    %c0_i32 = arith.constant 0 : i32
    %c0_i32_0 = arith.constant 0 : i32
    %c0_i32_1 = arith.constant 0 : i32
    return %c0_i32, %c0_i32_0 : i32, i32
  }
  func.func @transform_7(%arg0: i32) -> (i32, i32) {
    %c0_i32 = arith.constant 0 : i32
    %c0_i32_0 = arith.constant 0 : i32
    return %arg0, %c0_i32 : i32, i32
  }
}

module attributes {stable_mosaic.version = 14 : i64} {
  func.func @_final_body(%arg0: i32, %arg1: memref<1000x128xf32, #tpu.memory_space<vmem>>, %arg2: memref<1000x128xf32, #tpu.memory_space<vmem>>, %arg3: memref<1000x128xf32, #tpu.memory_space<vmem>>, %arg4: memref<1000x128xf32, #tpu.memory_space<vmem>>, %arg5: memref<1000x128xf32, #tpu.memory_space<vmem>>, %arg6: memref<1x128xf32, #tpu.memory_space<vmem>>, %arg7: memref<128x64xf32, #tpu.memory_space<vmem>>, %arg8: memref<1x64xf32, #tpu.memory_space<vmem>>, %arg9: memref<1000x64xf32, #tpu.memory_space<vmem>>, %arg10: memref<1000x128xf32, #tpu.memory_space<vmem>>) attributes {dimension_semantics = [#tpu.dimension_semantics<arbitrary>], iteration_bounds = array<i64: 10>, scalar_prefetch = 0 : i64, scratch_operands = 0 : i64, tpu.core_type = #tpu.core_type<tc>, window_params = [{transform_indices = @transform_0, window_bounds = array<i64: 1000, 128>}, {transform_indices = @transform_1, window_bounds = array<i64: 1000, 128>}, {transform_indices = @transform_2, window_bounds = array<i64: 1000, 128>}, {transform_indices = @transform_3, window_bounds = array<i64: 1000, 128>}, {transform_indices = @transform_4, window_bounds = array<i64: 1000, 128>}, {pipeline_mode = #tpu.pipeline_mode<synchronous>, transform_indices = @transform_5, window_bounds = array<i64: 1, 128>}, {pipeline_mode = #tpu.pipeline_mode<synchronous>, transform_indices = @transform_6, window_bounds = array<i64: 128, 64>}, {pipeline_mode = #tpu.pipeline_mode<synchronous>, transform_indices = @transform_7, window_bounds = array<i64: 1, 64>}, {transform_indices = @transform_8, window_bounds = array<i64: 1000, 64>}, {transform_indices = @transform_9, window_bounds = array<i64: 1000, 128>}]} {
    %get3A = arith.constant 0 : index
    %get3A_0 = arith.constant 0 : index
    %get3A_1 = vector.load %arg4[%get3A, %get3A_0] : memref<1000x128xf32, #tpu.memory_space<vmem>>, vector<1000x128xf32>
    %get3A_2 = arith.constant 0 : index
    %get3A_3 = arith.constant 0 : index
    %get3A_4 = vector.load %arg5[%get3A_2, %get3A_3] : memref<1000x128xf32, #tpu.memory_space<vmem>>, vector<1000x128xf32>
    %add3A = arith.addf %get3A_1, %get3A_4 : vector<1000x128xf32>
    %add3A_5 = arith.constant 1.000000e+00 : f32
    %add3A_6 = vector.broadcast %add3A_5 : f32 to vector<1000x128xf32>
    %add3A_7 = arith.addf %add3A, %add3A_6 : vector<1000x128xf32>
    %rsqrt3A = math.rsqrt %add3A_7 : vector<1000x128xf32>
    %get3A_8 = arith.constant 0 : index
    %get3A_9 = arith.constant 0 : index
    %get3A_10 = vector.load %arg1[%get3A_8, %get3A_9] : memref<1000x128xf32, #tpu.memory_space<vmem>>, vector<1000x128xf32>
    %get3A_11 = arith.constant 0 : index
    %get3A_12 = arith.constant 0 : index
    %get3A_13 = vector.load %arg2[%get3A_11, %get3A_12] : memref<1000x128xf32, #tpu.memory_space<vmem>>, vector<1000x128xf32>
    %add3A_14 = arith.addf %get3A_10, %get3A_13 : vector<1000x128xf32>
    %get3A_15 = arith.constant 0 : index
    %get3A_16 = arith.constant 0 : index
    %get3A_17 = vector.load %arg3[%get3A_15, %get3A_16] : memref<1000x128xf32, #tpu.memory_space<vmem>>, vector<1000x128xf32>
    %add3A_18 = arith.addf %add3A_14, %get3A_17 : vector<1000x128xf32>
    %mul3A = arith.mulf %rsqrt3A, %add3A_18 : vector<1000x128xf32>
    %get3A_19 = arith.constant 0 : index
    %get3A_20 = arith.constant 0 : index
    %get3A_21 = vector.load %arg6[%get3A_19, %get3A_20] : memref<1x128xf32, #tpu.memory_space<vmem>>, vector<1x128xf32>
    %add3A_22 = vector.broadcast %get3A_21 : vector<1x128xf32> to vector<1000x128xf32>
    %add3A_23 = arith.addf %mul3A, %add3A_22 : vector<1000x128xf32>
    %tanh3A = math.tanh %add3A_23 : vector<1000x128xf32>
    %swap3A = arith.constant 0 : index
    %swap3A_24 = arith.constant 0 : index
    %swap3A_25 = vector.load %arg10[%swap3A, %swap3A_24] : memref<1000x128xf32, #tpu.memory_space<vmem>>, vector<1000x128xf32>
    tpu.vector_store %arg10[%swap3A, %swap3A_24], %tanh3A {strides = array<i32>} : memref<1000x128xf32, #tpu.memory_space<vmem>>, vector<1000x128xf32>,
    %get3A_26 = arith.constant 0 : index
    %get3A_27 = arith.constant 0 : index
    %get3A_28 = vector.load %arg7[%get3A_26, %get3A_27] : memref<128x64xf32, #tpu.memory_space<vmem>>, vector<128x64xf32>
    %dot_general3A = arith.constant dense<0.000000e+00> : vector<1000x64xf32>
    %dot_general3A_29 = tpu.matmul %tanh3A, %get3A_28, %dot_general3A {dimension_numbers = #tpu.dot_dimension_numbers<[1], [0], [0], [1], [0, 0, 1, 1], [], []>, transpose_lhs_hint = false} : vector<1000x128xf32>, vector<128x64xf32>, vector<1000x64xf32> -> vector<1000x64xf32>
    %get3A_30 = arith.constant 0 : index
    %get3A_31 = arith.constant 0 : index
    %get3A_32 = vector.load %arg8[%get3A_30, %get3A_31] : memref<1x64xf32, #tpu.memory_space<vmem>>, vector<1x64xf32>
    %add3A_33 = vector.broadcast %get3A_32 : vector<1x64xf32> to vector<1000x64xf32>
    %add3A_34 = arith.addf %dot_general3A_29, %add3A_33 : vector<1000x64xf32>
    %swap3A_35 = arith.constant 0 : index
    %swap3A_36 = arith.constant 0 : index
    %swap3A_37 = vector.load %arg9[%swap3A_35, %swap3A_36] : memref<1000x64xf32, #tpu.memory_space<vmem>>, vector<1000x64xf32>
    tpu.vector_store %arg9[%swap3A_35, %swap3A_36], %add3A_34 {strides = array<i32>} : memref<1000x64xf32, #tpu.memory_space<vmem>>, vector<1000x64xf32>,
    return
  }
  func.func @transform_0(%arg0: i32) -> (i32, i32) {
    %c0_i32 = arith.constant 0 : i32
    %c0_i32_0 = arith.constant 0 : i32
    return %arg0, %c0_i32 : i32, i32
  }
  func.func @transform_1(%arg0: i32) -> (i32, i32) {
    %c0_i32 = arith.constant 0 : i32
    %c0_i32_0 = arith.constant 0 : i32
    return %arg0, %c0_i32 : i32, i32
  }
  func.func @transform_2(%arg0: i32) -> (i32, i32) {
    %c0_i32 = arith.constant 0 : i32
    %c0_i32_0 = arith.constant 0 : i32
    return %arg0, %c0_i32 : i32, i32
  }
  func.func @transform_3(%arg0: i32) -> (i32, i32) {
    %c0_i32 = arith.constant 0 : i32
    %c0_i32_0 = arith.constant 0 : i32
    return %arg0, %c0_i32 : i32, i32
  }
  func.func @transform_4(%arg0: i32) -> (i32, i32) {
    %c0_i32 = arith.constant 0 : i32
    %c0_i32_0 = arith.constant 0 : i32
    return %arg0, %c0_i32 : i32, i32
  }
  func.func @transform_5(%arg0: i32) -> (i32, i32) {
    %c0_i32 = arith.constant 0 : i32
    %c0_i32_0 = arith.constant 0 : i32
    %c0_i32_1 = arith.constant 0 : i32
    return %c0_i32, %c0_i32_0 : i32, i32
  }
  func.func @transform_6(%arg0: i32) -> (i32, i32) {
    %c0_i32 = arith.constant 0 : i32
    %c0_i32_0 = arith.constant 0 : i32
    %c0_i32_1 = arith.constant 0 : i32
    return %c0_i32, %c0_i32_0 : i32, i32
  }
  func.func @transform_7(%arg0: i32) -> (i32, i32) {
    %c0_i32 = arith.constant 0 : i32
    %c0_i32_0 = arith.constant 0 : i32
    %c0_i32_1 = arith.constant 0 : i32
    return %c0_i32, %c0_i32_0 : i32, i32
  }
  func.func @transform_8(%arg0: i32) -> (i32, i32) {
    %c0_i32 = arith.constant 0 : i32
    %c0_i32_0 = arith.constant 0 : i32
    return %arg0, %c0_i32 : i32, i32
  }
  func.func @transform_9(%arg0: i32) -> (i32, i32) {
    %c0_i32 = arith.constant 0 : i32
    %c0_i32_0 = arith.constant 0 : i32
    return %arg0, %c0_i32 : i32, i32
  }
}

</mosaic_0001>

<sc_bundles>
// kernel: kernel.11.cloned.1.call-start
scs
__scs_entry_jumppad:
0x0: {  	(pc) =	sbr.rel $0x88, $3  }
0x1: {  	(tag) =	ssettag $0x0;
	lr =	simm.s32 $0x1  }
0x2: {  	[smem:$0x3F99] =	sst lr;
	_ =	strace $0xD0000000  }
0x3: {  	_ = 	snop  }
0x4: {  	_ = 	snop  }
0x5: {  	_ = 	snop  }
0x6: {  	_ = 	snop  }
0x7: {  	_ = 	snop  }
__scs_overlays_trampoline_lowered:
0x8: {  	[smem:$0x3FA8] =	sst s0  }
0x9: {  	[smem:$0x3FA9] =	sst s1  }
0xa: {  	[smem:$0x3FAA] =	sst s2  }
0xb: {  	[smem:$0x3FAB] =	sst s3  }
0xc: {  	[smem:$0x3FAC] =	sst s4  }
0xd: {  	[smem:$0x3FAD] =	sst s5  }
0xe: {  	[smem:$0x3FAE] =	sst s6  }
0xf: {  	[smem:$0x3FAF] =	sst s7  }
0x10: {  	[smem:$0x3FB0] =	sst s8  }
0x11: {  	[smem:$0x3FB1] =	sst s9;
	s0 =	simm.s32 @!p0 $0x0  }
0x12: {  	s1 =	sld [smem:$0x3F97];
	s0 =	simm.s32 @p0 $0x1  }
0x13: {  	[smem:$0x3FB2] =	sst s0;
	s0 =	simm.s32 @!p1 $0x0  }
0x14: {  	s2 =	sld [smem:$0x3F96];
	s0 =	simm.s32 @p1 $0x1  }
0x15: {  	[smem:$0x3FB3] =	sst s0;
	s0 =	simm.s32 @!p2 $0x0  }
0x16: {  	s3 =	sld [smem:$0x3FDB];
	s0 =	simm.s32 @p2 $0x1  }
0x17: {  	s4 =	simm.s32 $0x1BF5;
	[smem:$0x3FB5] =	sst s0  }
0x18: {  	s0 =	sld [smem:$0x3F98];
	_ =	swait.ge [sflag:s4], $0x0  }
0x19: {  	s7 =	sld [smem:$0x3F99]  }
0x1a: {  	s8 =	sadd.s32 $0xFFFFE003, lr  }
0x1b: {  	s9 =	sadd.s32 $0xFFFFFEF7, lr;
	s5 =	simm.s32 $0xFFFFFFFF;
	p2 =	slt.u32 s8, $0xFFFFF086  }
0x1c: {  	p1 =	slt.u32 s9, $0xF7A;
	s5 =	simm.s32 @!p2 $0x0  }
0x1d: {  	s5 =	simm.s32 @p1 $0x1;
	p0 =	seq.s32 s7, s2  }
0x1e: {  	s7 =	smul.u32 @!p0 $0xF7A, s2;
	p2 =	seq.s32 @!p0 s5, $0x0  }
0x1f: {  	s9 =	smul.u32 $0xF7A, s1;
	s8 =	simm.s32 @!p0 $0x1BF5;
	p2 =	por !p2, p0  }
0x20: {  	[sflag:s8] =	ssyncset.s32 @!p0 $0xFFFFF086;
	s6 =	sadd.s32 @!p0 s3, s7;
	s7 =	simm.s32 @!p0 $0x108  }
0x21: {  	s3 =	sadd.s32 s3, s9;
	s6 =	sadd.s32 @!p0 $0x88, s6;
	s7 =	simm.s32 @p2 $0x1082  }
0x22: {  	[simem:s7], [sflag:s8] =	dma.local @!p0 [hbm:s6], $0xF7A  }
0x23: {  	s9 =	sor.u32 $0xD0000000, s2;
	s6 =	simm.s32 $0x108;
	_ =	swait.ge @!p0 [sflag:s8], $0x0  }
0x24: {  	s3 =	sadd.s32 $0x88, s3;
	s6 =	simm.s32 @!p1 $0x1082;
	[sflag:s4] =	ssyncset.s32 $0xFFFFF086  }
0x25: {  	[simem:s6], [sflag:s4] =	dma.local [hbm:s3], $0xF7A  }
0x26: {  	[smem:$0x3F99] =	sst s1;
	(tag) =	ssettag s2;
	_ =	strace s9  }
0x27: {  	s1 =	sld [smem:$0x3FA9]  }
0x28: {  	s2 =	sld [smem:$0x3FAA]  }
0x29: {  	s4 =	sld [smem:$0x3FAC]  }
0x2a: {  	p0 =	seq.s32 s5, $0x0;
	s5 =	sld [smem:$0x3FAD]  }
0x2b: {  	s6 =	sld [smem:$0x3FAE]  }
0x2c: {  	s7 =	sld [smem:$0x3FAF]  }
0x2d: {  	s3 =	simm.s32 $0x108;
	s8 =	sld [smem:$0x3FB0]  }
0x2e: {  	s3 =	simm.s32 @!p0 $0x1082;
	s9 =	sld [smem:$0x3FB1]  }
0x2f: {  	lr =	sadd.s32 s0, s3;
	s0 =	sld [smem:$0x3FA8]  }
0x30: {  	s3 =	sld [smem:$0x3FAB]  }
0x31: {  	[smem:$0x3FB4] =	sst s10  }
0x32: {  	s10 =	sld [smem:$0x3FB2];
	_ =	sdelay $0x3  }
0x33: {  	p0 =	seq.s32 s10, $0x1;
	s10 =	sld [smem:$0x3FB4];
	_ =	sdelay $0x3  }
0x34: {  	[smem:$0x3FB4] =	sst s10  }
0x35: {  	s10 =	sld [smem:$0x3FB3];
	_ =	sdelay $0x3  }
0x36: {  	p1 =	seq.s32 s10, $0x1;
	s10 =	sld [smem:$0x3FB4];
	_ =	sdelay $0x3  }
0x37: {  	[smem:$0x3FB4] =	sst s10  }
0x38: {  	s10 =	sld [smem:$0x3FB5]  }
0x39: {  	_ = 	snop;
	(pc) =	sbr.ind lr, $3  }
0x3a: {  	_ = 	snop  }
0x3b: {  	_ = 	snop  }
0x3c: {  	p2 =	seq.s32 s10, $0x1;
	s10 =	sld [smem:$0x3FB4]  }
0x3d: {  	_ =	shalt  }
0x3e: {  	_ =	shalt  }
0x3f: {  	_ =	shalt  }
0x40: {  	_ =	shalt  }
0x41: {  	_ =	shalt  }
0x42: {  	_ =	shalt  }
0x43: {  	_ =	shalt  }
0x44: {  	_ =	shalt  }
0x45: {  	_ =	shalt  }
0x46: {  	_ =	shalt  }
0x47: {  	_ =	shalt  }
0x48: {  	_ =	shalt  }
0x49: {  	_ =	shalt  }
0x4a: {  	_ =	shalt  }
0x4b: {  	_ =	shalt  }
0x4c: {  	_ =	shalt  }
0x4d: {  	_ =	shalt  }
0x4e: {  	_ =	shalt  }
0x4f: {  	_ =	shalt  }
0x50: {  	_ =	shalt  }
0x51: {  	_ =	shalt  }
0x52: {  	_ =	shalt  }
0x53: {  	_ =	shalt  }
0x54: {  	_ =	shalt  }
0x55: {  	_ =	shalt  }
0x56: {  	_ =	shalt  }
0x57: {  	_ =	shalt  }
0x58: {  	_ =	shalt  }
0x59: {  	_ =	shalt  }
0x5a: {  	_ =	shalt  }
0x5b: {  	_ =	shalt  }
0x5c: {  	_ =	shalt  }
0x5d: {  	_ =	shalt  }
0x5e: {  	_ =	shalt  }
0x5f: {  	_ =	shalt  }
0x60: {  	_ =	shalt  }
0x61: {  	_ =	shalt  }
0x62: {  	_ =	shalt  }
0x63: {  	_ =	shalt  }
0x64: {  	_ =	shalt  }
0x65: {  	_ =	shalt  }
0x66: {  	_ =	shalt  }
0x67: {  	_ =	shalt  }
0x68: {  	_ =	shalt  }
0x69: {  	_ =	shalt  }
0x6a: {  	_ =	shalt  }
0x6b: {  	_ =	shalt  }
0x6c: {  	_ =	shalt  }
0x6d: {  	_ =	shalt  }
0x6e: {  	_ =	shalt  }
0x6f: {  	_ =	shalt  }
0x70: {  	_ =	shalt  }
0x71: {  	_ =	shalt  }
0x72: {  	_ =	shalt  }
0x73: {  	_ =	shalt  }
0x74: {  	_ =	shalt  }
0x75: {  	_ =	shalt  }
0x76: {  	_ =	shalt  }
0x77: {  	_ =	shalt  }
0x78: {  	_ =	shalt  }
0x79: {  	_ =	shalt  }
0x7a: {  	_ =	shalt  }
0x7b: {  	_ =	shalt  }
0x7c: {  	_ =	shalt  }
0x7d: {  	_ =	shalt  }
0x7e: {  	_ =	shalt  }
0x7f: {  	_ =	shalt  }
0x80: {  	_ =	shalt  }
0x81: {  	_ =	shalt  }
0x82: {  	_ =	shalt  }
0x83: {  	_ =	shalt  }
0x84: {  	_ =	shalt  }
0x85: {  	_ =	shalt  }
0x86: {  	_ =	shalt  }
0x87: {  	_ =	shalt  }
.Lfunc_end0:
.L_simem_size_0:
called_computation.1_lowered:
.L_overlay_start_0:
0x88: {  	s2 =	sld [smem:$0x3FD9]  }
0x89: {  	s3 =	sld [smem:$0x3FFE];
	_ =	sdelay $0x1  }
0x8a: {  	s1 =	srdreg.scid  }
0x8b: {  	s0 =	sand.u32 $0x1, s1  }
0x8c: {  	s14 =	sshll.u32 s0, $0xA;
	s2 =	sadd.s32 s3, s2  }
0x8d: {  	s2 =	sadd.s32 s2, s14  }
0x8e: {  	[smem:$0x3FC0] =	sst s2  }
0x8f: {  	_ = 	snop  }
0x90: {  	s2 =	sld [smem:$0x3FD0];
	_ =	sdelay $0x2  }
0x91: {  	s15 =	simm.s32 $0xA;
	s4 =	simm.s32 $0x10  }
0x92: {  	[smem:s4], [sflag:s15] =	dma.local [hbm:s2], $0x1  }
0x93: {  	_ =	swait.eq [sflag:s15], $0x1  }
0x94: {  	[sflag:s15] =	ssyncset.done $0x0  }
0x95: {  	s16 =	sld [smem:$0x10];
	[sflag:s15] =	ssyncadd.s32 $0xFFFFFFFF  }
0x96: {  	s17 =	sld [smem:$0x11];
	(tm) =	ssettm $0x1  }
0x97: {  	s18 =	sld [smem:$0x3FFB];
	_ =	sdelay $0x3  }
0x98: {  	_ =	strace s18  }
0x99: {  	s4 =	sld [smem:$0x3FFC];
	_ =	sdelay $0x3  }
0x9a: {  	_ =	strace s4  }
0x9b: {  	s4 =	sld [smem:$0x3FFD];
	_ =	sdelay $0x3  }
0x9c: {  	_ =	strace s4  }
0x9d: {  	_ =	strace $0x8FFFFFFF  }
0x9e: {  	s19 =	sld [smem:$0x3FDB];
	_ =	sdelay $0x1  }
0x9f: {  	s5 =	simm.s32 $_scs_section_size  }
0xa0: {  	s6 =	simm.s32 $_size__tile_overlayer_lowered;
	s7 =	simm.s32 $_tile_overlayer_lowered  }
0xa1: {  	s22 =	simm.s32 $0x1BFF;
	s21 =	sshll.u32 s7, $0x1;
	s4 =	sadd.s32 s5, s19  }
0xa2: {  	s8 =	simm.s32 $0x0;
	s20 =	sshll.u32 s6, $0x1;
	s6 =	sadd.s32 s21, s4  }
0xa3: {  	[timem:s8], [sflag:s22] =	dma.local [hbm:s6], s20  }
0xa4: {  	_ =	swait.ge [sflag:s22], s20  }
0xa5: {  	s5 =	ssub.s32 $0x0, s20;
	[sflag:s22] =	ssyncset.done $0x0  }
0xa6: {  	[sflag:s22] =	ssyncadd.s32 s5;
	_ =	sdelay $0x1  }
0xa7: {  	s23 =	simm.s32 $0x1B8B  }
0xa8: {  	_ =	swait.ge [sflag:s23], $0x1  }
0xa9: {  	[sflag:s23] =	ssyncset.done $0x0  }
0xaa: {  	s25 =	simm.s32 $0x1B8E;
	s24 =	sld [smem:$0x3FFE];
	[sflag:s23] =	ssyncadd.s32 $0xFFFFFFFF  }
0xab: {  	s26 =	simm.s32 $execute0_lowered;
	[smem:$0x3FD2] =	sst s25  }
0xac: {  	s6 =	sshll.u32 s26, $0x1;
	_ =	strace $0x80000049;
	[dreg:$0x1] =	wrdreg $0xFFFFFFFF  }
0xad: {  	s28 =	simm.s32 $_size_execute0_lowered;
	s4 =	sadd.s32 s4, s6;
	[dreg:$0x0] =	wrdreg $0x0  }
0xae: {  	s6 =	sshll.u32 s28, $0x1;
	[dreg:$0x2] =	wrdreg s4  }
0xaf: {  	[dreg:$0x3] =	wrdreg s6  }
0xb0: {  	[dreg:$0x4] =	wrdreg $0xC0  }
0xb1: {  	_ =	task [dreg:s8], $0x5FFFF  }
0xb2: {  	[dreg:$0x1] =	wrdreg $0xFFFFFFFF  }
0xb3: {  	[dreg:$0x0] =	wrdreg $0x60  }
0xb4: {  	[dreg:$0x2] =	wrdreg s16  }
0xb5: {  	[dreg:$0x3] =	wrdreg s24  }
0xb6: {  	[dreg:$0x4] =	wrdreg s17  }
0xb7: {  	[dreg:$0x5] =	wrdreg $0xA8000  }
0xb8: {  	[dreg:$0x6] =	wrdreg $0x9  }
0xb9: {  	_ =	task.clear_ibuf [dreg:s8], $0x7FFFF;
	_ =	strace $0x90000049  }
0xba: {  	s29 =	simm.s32 $0x9;
	_ =	strace $0x8000004B  }
0xbb: {  	_ =	swait.ge [sflag:s29], $0x1  }
0xbc: {  	[sflag:s29] =	ssyncadd.s32 $0xFFFFFFFF  }
0xbd: {  	_ =	strace $0x9000004B  }
0xbe: {  	_ =	sfence  }
0xbf: {  	s30 =	sld [smem:$0x0];
	_ =	sdelay $0x2  }
0xc0: {  	s31 =	sshll.u32 s1, $0xD;
	s1 =	sshrl.u32 s1, $0x2  }
0xc1: {  	s3 =	sand.u32 $0x4000, s31;
	s1 =	sadd.s32 s1, s30  }
0xc2: {  	s0 =	sor.u32 s3, s0;
	s1 =	sshll.u32 s1, $0x11  }
0xc3: {  	s0 =	sor.u32 s1, s0  }
0xc4: {  	s0 =	sadd.s32 $0x8F2B, s0  }
0xc5: {  	[sflag:s0] =	ssyncadd.remote.s32 $0x1  }
0xc6: {  	_ =	sfence.sel $0xFFFF  }
0xc7: {  	[dreg:$0x0] =	wrdreg $0xFFFFFFFF;
	(pc) =	sbr.abs _section_cstart, $3  }
0xc8: {  	[dreg:$0x1] =	wrdreg $0xFFFFFFFF  }
0xc9: {  	_ =	task.clear_ibuf [dreg:s8], $0x2FFFF;
	_ =	strace $0x9FFFFFFF  }
0xca: {  	(tm) =	ssettm $0x7FFFFFFF  }
0xcb: {  	_ =	shalt  }
tec
execute0_lowered:
.L_overlay_start_1:
0x0: {  	(tag) =	ssettag $0x1  }
0x1: {  	s0 =	rddreg [dreg:$0x0]  }
0x2: {  	s1 =	rddreg [dreg:$0x1]  }
0x3: {  	s3 =	srdreg.scid;
	s2 =	rddreg [dreg:$0x2]  }
0x4: {  	s8 =	stileid.u32;
	s4 =	simm.s32 $0x0;
	s17 =	simm.s32 $0x5  }
0x5: {  	s18 =	simm.s32 $0x1400;
	s19 =	simm.s32 $0x40;
	s20 =	simm.s32 $0x4800  }
0x6: {  	s21 =	simm.s32 $0x80;
	s22 =	simm.s32 $0x6800;
	s28 =	simm.s32 $0x3  }
0x7: {  	s29 =	simm.s32 $0x4;
	s30 =	simm.s32 $0x2700;
	s31 =	simm.s32 $0x2780  }
0x8: {  	s5 =	sand.u32 $0x1, s3;
	s3 =	rddreg [dreg:$0x3];
	s7 =	smul.u32 $0x14000, s8  }
0x9: {  	[smem:$0x7FF] =	sst s4;
	s23 =	smul.u32 $0x50000, s8;
	s15 =	sadd.s32 $0x3A00, s1  }
0xa: {  	s8 =	sshll.u32 s8, $0x1;
	s6 =	smul.u32 $0x140000, s5;
	s24 =	ssub.s32 $0x2, s5  }
0xb: {  	_ =	strace $0x8000004A;
	s9 =	sshll.u32 s5, $0x5;
	s10 =	sshrl.u32 s24, $0x1  }
0xc: {  	s8 =	sor.u32 s8, s9;
	s6 =	sadd.s32 s7, s6;
	s7 =	sshrl.u32 s23, $0x2  }
0xd: {  	s11 =	ssub.s32 s24, s10;
	s9 =	sxor.u32 $0x20, s8;
	s26 =	sxor.u32 $0x21, s8  }
0xe: {  	s23 =	simm.s32 $0xC0;
	s24 =	simm.s32 $0x8800;
	s13 =	smul.u32 $0x280, s9  }
0xf: {  	s6 =	sshrl.u32 s6, $0x3;
	s5 =	sadd.s32 s7, s3;
	s16 =	smul.u32 $0x280, s26  }
0x10: {  	s11 =	smax.u32 s11, $0x1;
	s26 =	simm.s32 $0x2;
	s1 =	sadd.s32 s6, s1  }
0x11: {  	s25 =	sadd.s32 $0x4000, s5;
	s7 =	sadd.s32 $0x8000, s5;
	s8 =	sadd.s32 $0xC000, s5  }
0x12: {  	s9 =	sadd.s32 $0x10000, s5;
	[dreg:$0x5] =	wrdreg s25;
	s10 =	sadd.s32 $0x5DA00, s1  }
0x13: {  	s12 =	sadd.s32 s0, s13;
	s13 =	sadd.s32 s15, s13;
	s14 =	sadd.s32 s0, s16  }
0x14: {  	v0 =	vimm.f32 $0.0e+00;
	s15 =	sadd.s32 s15, s16;
	s16 =	simm.s32 $0x2800;
	s25 =	simm.s32 $0x1  }
.LBB2_1:
0x15: {  	s1 =	simm.s32 $0x0;
	s0 =	simm.s32 $0x200  }
.LBB2_2:
0x16: {  	p0 =	sne.s32 s0, $0xFE00;
	[tilespmem:s1+$0x2870] =	vst v0  }
0x17: {  	[tilespmem:s1+$0x2800] =	vst v0  }
0x18: {  	[tilespmem:s1+$0x2810] =	vst v0  }
.Ltmp0:
0x19: {  	[tilespmem:s1+$0x2820] =	vst v0;
	(pc) =	sbr.rel @p0 .LBB2_2-.Ltmp0, $4  }
0x1a: {  	[tilespmem:s1+$0x2830] =	vst v0  }
0x1b: {  	[tilespmem:s1+$0x2840] =	vst v0  }
0x1c: {  	[tilespmem:s1+$0x2850] =	vst v0  }
0x1d: {  	[tilespmem:s1+$0x2860] =	vst v0;
	s1 =	sshra.s32 s0, $0x2;
	s0 =	sadd.s32 $0x200, s0  }
0x1e: {  	[tilespmem:s1+$0x2870] =	vst v0  }
0x1f: {  	[tilespmem:s1+$0x2800] =	vst v0  }
0x20: {  	[tilespmem:s1+$0x2810] =	vst v0  }
0x21: {  	[tilespmem:s1+$0x2820] =	vst v0  }
0x22: {  	[tilespmem:s1+$0x2830] =	vst v0  }
0x23: {  	[tilespmem:s1+$0x2840] =	vst v0  }
0x24: {  	[tilespmem:s1+$0x2850] =	vst v0  }
0x25: {  	[tilespmem:s1+$0x2860] =	vst v0  }
0x26: {  	[spmem:s5] =	stream.linear.scatter [tilespmem:s16], [sflag:$0x5], $0x4000, $0x38;
	[tilespmem:$0x1E800] =	vst v63  }
0x27: {  	_ =	swait.ge [sflag:s17], $0x4000  }
0x28: {  	[sflag:s17] =	ssyncset.done $0x0  }
0x29: {  	s0 =	rddreg [dreg:$0x5];
	[sflag:s17] =	ssyncadd.s32 $0xFFFFC000  }
0x2a: {  	[spmem:s0] =	stream.linear.scatter [tilespmem:s16], [sflag:$0x5], $0x4000, $0x38;
	[tilespmem:$0x1E800] =	vst v63  }
0x2b: {  	_ =	swait.ge [sflag:s17], $0x4000  }
0x2c: {  	[sflag:s17] =	ssyncset.done $0x0  }
0x2d: {  	[sflag:s17] =	ssyncadd.s32 $0xFFFFC000  }
0x2e: {  	[spmem:s7] =	stream.linear.scatter [tilespmem:s16], [sflag:$0x5], $0x4000, $0x38;
	[tilespmem:$0x1E800] =	vst v63  }
0x2f: {  	_ =	swait.ge [sflag:s17], $0x4000  }
0x30: {  	[sflag:s17] =	ssyncset.done $0x0  }
0x31: {  	[sflag:s17] =	ssyncadd.s32 $0xFFFFC000  }
0x32: {  	[spmem:s8] =	stream.linear.scatter [tilespmem:s16], [sflag:$0x5], $0x4000, $0x38;
	[tilespmem:$0x1E800] =	vst v63  }
0x33: {  	_ =	swait.ge [sflag:s17], $0x4000  }
0x34: {  	[sflag:s17] =	ssyncset.done $0x0  }
0x35: {  	[sflag:s17] =	ssyncadd.s32 $0xFFFFC000  }
0x36: {  	[spmem:s9] =	stream.linear.scatter [tilespmem:s16], [sflag:$0x5], $0x4000, $0x38;
	[tilespmem:$0x1E800] =	vst v63  }
0x37: {  	_ =	swait.ge [sflag:s17], $0x4000  }
0x38: {  	[sflag:s17] =	ssyncset.done $0x0  }
0x39: {  	[sflag:s17] =	ssyncadd.s32 $0xFFFFC000  }
0x3a: {  	s1 =	simm.s32 $0x0;
	[bflag:$0x0] =	sbarrier.arrive $0xFFFF  }
0x3b: {  	[tilespmem:s1], [sflag:$0x5] =	stream.linear.gather [hbm4b:s12+s1], $0x1400, $0x38;
	[tilespmem:$0x1E800] =	vst v63  }
0x3c: {  	_ =	swait.ge [sflag:s17], $0x1400  }
0x3d: {  	[sflag:s17] =	ssyncset.done $0x0  }
0x3e: {  	[sflag:s17] =	ssyncadd.s32 $0xFFFFEC00  }
0x3f: {  	[tilespmem:s18], [sflag:$0x5] =	stream.linear.gather [hbm4b:s13+s1], $0x1400, $0x38;
	[tilespmem:$0x1E800] =	vst v63  }
0x40: {  	_ =	swait.ge [sflag:s17], $0x1400  }
0x41: {  	[sflag:s17] =	ssyncset.done $0x0  }
0x42: {  	[sflag:s17] =	ssyncadd.s32 $0xFFFFEC00  }
0x43: {  	[tilespmem:s16], [sflag:$0x1] =	stream.indirect.gather [hbm4b:s2+s19], $0x80, s1, s19, $0xb8;
	[tilespmem:$0x1E800] =	vst v63  }
0x44: {  	_ = 	snop  }
0x45: {  	[tilespmem:s20], [sflag:$0x1] =	stream.indirect.gather [hbm4b:s2+s19], $0x80, s19, s19, $0xb8;
	[tilespmem:$0x1E800] =	vst v63  }
0x46: {  	_ = 	snop  }
0x47: {  	[tilespmem:s22], [sflag:$0x2] =	stream.indirect.gather [hbm4b:s2+s19], $0x80, s21, s19, $0xb8;
	[tilespmem:$0x1E800] =	vst v63  }
0x48: {  	_ = 	snop  }
0x49: {  	[tilespmem:s24], [sflag:$0x2] =	stream.indirect.gather [hbm4b:s2+s19], $0x80, s23, s19, $0xb8;
	[tilespmem:$0x1E800] =	vst v63  }
0x4a: {  	_ =	swait.ge [sflag:s25], $0x4000  }
0x4b: {  	[sflag:s25] =	ssyncset.done $0x0  }
0x4c: {  	s6 =	simm.s32 $0x1400;
	[sflag:s25] =	ssyncadd.s32 $0xFFFFC000  }
0x4d: {  	[spmem:s3] =	stream.indirect.scatter.add.f32 [tilespmem:s16], [sflag:$0x3], $0x80, s6, s21, $0xb8;
	[tilespmem:$0x1E800] =	vst v63  }
0x4e: {  	_ =	swait.ge [sflag:s26], $0x4000  }
0x4f: {  	[sflag:s26] =	ssyncset.done $0x0  }
0x50: {  	s1 =	simm.s32 $0x1480;
	[sflag:s26] =	ssyncadd.s32 $0xFFFFC000  }
0x51: {  	[spmem:s3] =	stream.indirect.scatter.add.f32 [tilespmem:s22], [sflag:$0x4], $0x80, s1, s21, $0xb8;
	[tilespmem:$0x1E800] =	vst v63  }
0x52: {  	_ =	swait.ge [sflag:s28], $0x4000  }
0x53: {  	[sflag:s28] =	ssyncset.done $0x0  }
0x54: {  	s6 =	simm.s32 $0x100;
	[sflag:s28] =	ssyncadd.s32 $0xFFFFC000  }
0x55: {  	[tilespmem:s16], [sflag:$0x1] =	stream.indirect.gather [hbm4b:s2+s19], $0x80, s6, s19, $0xb8;
	[tilespmem:$0x1E800] =	vst v63  }
0x56: {  	s1 =	simm.s32 $0x140  }
0x57: {  	[tilespmem:s20], [sflag:$0x1] =	stream.indirect.gather [hbm4b:s2+s19], $0x80, s1, s19, $0xb8;
	[tilespmem:$0x1E800] =	vst v63  }
0x58: {  	_ =	swait.ge [sflag:s29], $0x4000  }
0x59: {  	s0 =	simm.s32 $0x1C0;
	[sflag:s29] =	ssyncset.done $0x0  }
0x5a: {  	s6 =	simm.s32 $0x180;
	s1 =	simm.s32 $0x400;
	[sflag:s29] =	ssyncadd.s32 $0xFFFFC000  }
0x5b: {  	[tilespmem:s22], [sflag:$0x2] =	stream.indirect.gather [hbm4b:s2+s19], $0x80, s6, s19, $0xb8;
	[tilespmem:$0x1E800] =	vst v63  }
.LBB2_4:
0x5c: {  	[tilespmem:s24], [sflag:$0x2] =	stream.indirect.gather [hbm4b:s2+s19], $0x80, s0, s19, $0xb8;
	[tilespmem:$0x1E800] =	vst v63  }
0x5d: {  	s0 =	smov.u32 s1  }
0x5e: {  	p0 =	sne.s32 s1, $0x4800;
	s1 =	sadd.s32 $0x400, s1;
	_ =	swait.ge [sflag:s25], $0x4000  }
0x5f: {  	s0 =	sshra.s32 s0, $0x2;
	[sflag:s25] =	ssyncset.done $0x0  }
0x60: {  	s6 =	sadd.s32 $0x1400, s0;
	[sflag:s25] =	ssyncadd.s32 $0xFFFFC000  }
0x61: {  	[spmem:s3] =	stream.indirect.scatter.add.f32 [tilespmem:s16], [sflag:$0x3], $0x80, s6, s21, $0xb8;
	[tilespmem:$0x1E800] =	vst v63  }
0x62: {  	_ =	swait.ge [sflag:s26], $0x4000  }
0x63: {  	[sflag:s26] =	ssyncset.done $0x0  }
0x64: {  	s6 =	sadd.s32 $0x1480, s0;
	[sflag:s26] =	ssyncadd.s32 $0xFFFFC000  }
0x65: {  	[spmem:s3] =	stream.indirect.scatter.add.f32 [tilespmem:s22], [sflag:$0x4], $0x80, s6, s21, $0xb8;
	[tilespmem:$0x1E800] =	vst v63  }
0x66: {  	_ =	swait.ge [sflag:s28], $0x4000  }
0x67: {  	[sflag:s28] =	ssyncset.done $0x0  }
0x68: {  	s6 =	sadd.s32 $0x100, s0;
	[sflag:s28] =	ssyncadd.s32 $0xFFFFC000  }
0x69: {  	[tilespmem:s16], [sflag:$0x1] =	stream.indirect.gather [hbm4b:s2+s19], $0x80, s6, s19, $0xb8;
	[tilespmem:$0x1E800] =	vst v63  }
0x6a: {  	s6 =	sadd.s32 $0x140, s0  }
0x6b: {  	[tilespmem:s20], [sflag:$0x1] =	stream.indirect.gather [hbm4b:s2+s19], $0x80, s6, s19, $0xb8;
	[tilespmem:$0x1E800] =	vst v63  }
.Ltmp1:
0x6c: {  	_ =	swait.ge [sflag:s29], $0x4000;
	(pc) =	sbr.rel @p0 .LBB2_4-.Ltmp1, $4  }
0x6d: {  	[sflag:s29] =	ssyncset.done $0x0  }
0x6e: {  	s6 =	sadd.s32 $0x180, s0;
	[sflag:s29] =	ssyncadd.s32 $0xFFFFC000  }
0x6f: {  	[tilespmem:s22], [sflag:$0x2] =	stream.indirect.gather [hbm4b:s2+s19], $0x80, s6, s19, $0xb8;
	[tilespmem:$0x1E800] =	vst v63  }
0x70: {  	s0 =	sadd.s32 $0x1C0, s0  }
0x71: {  	[tilespmem:s24], [sflag:$0x2] =	stream.indirect.gather [hbm4b:s2+s19], $0x80, s0, s19, $0xb8;
	[tilespmem:$0x1E800] =	vst v63  }
0x72: {  	_ =	swait.ge [sflag:s25], $0x4000  }
0x73: {  	[sflag:s25] =	ssyncset.done $0x0  }
0x74: {  	[sflag:s25] =	ssyncadd.s32 $0xFFFFC000  }
0x75: {  	[spmem:s3] =	stream.indirect.scatter.add.f32 [tilespmem:s16], [sflag:$0x3], $0x80, s30, s21, $0xb8;
	[tilespmem:$0x1E800] =	vst v63  }
0x76: {  	_ =	swait.ge [sflag:s26], $0x4000  }
0x77: {  	[sflag:s26] =	ssyncset.done $0x0  }
0x78: {  	[sflag:s26] =	ssyncadd.s32 $0xFFFFC000  }
0x79: {  	[spmem:s3] =	stream.indirect.scatter.add.f32 [tilespmem:s22], [sflag:$0x4], $0x80, s31, s21, $0xb8;
	[tilespmem:$0x1E800] =	vst v63  }
0x7a: {  	_ =	swait.ge [sflag:s28], $0x4000  }
0x7b: {  	[sflag:s28] =	ssyncset.done $0x0  }
0x7c: {  	[sflag:s28] =	ssyncadd.s32 $0xFFFFC000  }
0x7d: {  	_ =	swait.ge [sflag:s29], $0x4000  }
0x7e: {  	[sflag:s29] =	ssyncset.done $0x0  }
0x7f: {  	s1 =	simm.s32 $0x0;
	[sflag:s29] =	ssyncadd.s32 $0xFFFFC000  }
0x80: {  	[tilespmem:s1], [sflag:$0x5] =	stream.linear.gather [hbm4b:s14+s1], $0x1400, $0x38;
	[tilespmem:$0x1E800] =	vst v63  }
0x81: {  	_ =	swait.ge [sflag:s17], $0x1400  }
0x82: {  	[sflag:s17] =	ssyncset.done $0x0  }
0x83: {  	[sflag:s17] =	ssyncadd.s32 $0xFFFFEC00  }
0x84: {  	[tilespmem:s18], [sflag:$0x5] =	stream.linear.gather [hbm4b:s15+s1], $0x1400, $0x38;
	[tilespmem:$0x1E800] =	vst v63  }
0x85: {  	_ =	swait.ge [sflag:s17], $0x1400  }
0x86: {  	[sflag:s17] =	ssyncset.done $0x0  }
0x87: {  	[sflag:s17] =	ssyncadd.s32 $0xFFFFEC00  }
0x88: {  	[tilespmem:s16], [sflag:$0x1] =	stream.indirect.gather [hbm4b:s2+s19], $0x80, s1, s19, $0xb8;
	[tilespmem:$0x1E800] =	vst v63  }
0x89: {  	_ = 	snop  }
0x8a: {  	[tilespmem:s20], [sflag:$0x1] =	stream.indirect.gather [hbm4b:s2+s19], $0x80, s19, s19, $0xb8;
	[tilespmem:$0x1E800] =	vst v63  }
0x8b: {  	_ = 	snop  }
0x8c: {  	[tilespmem:s22], [sflag:$0x2] =	stream.indirect.gather [hbm4b:s2+s19], $0x80, s21, s19, $0xb8;
	[tilespmem:$0x1E800] =	vst v63  }
0x8d: {  	_ = 	snop  }
0x8e: {  	[tilespmem:s24], [sflag:$0x2] =	stream.indirect.gather [hbm4b:s2+s19], $0x80, s23, s19, $0xb8;
	[tilespmem:$0x1E800] =	vst v63  }
0x8f: {  	_ =	swait.ge [sflag:s25], $0x4000  }
0x90: {  	[sflag:s25] =	ssyncset.done $0x0  }
0x91: {  	s6 =	simm.s32 $0x1400;
	[sflag:s25] =	ssyncadd.s32 $0xFFFFC000  }
0x92: {  	[spmem:s3] =	stream.indirect.scatter.add.f32 [tilespmem:s16], [sflag:$0x3], $0x80, s6, s21, $0xb8;
	[tilespmem:$0x1E800] =	vst v63  }
0x93: {  	_ =	swait.ge [sflag:s26], $0x4000  }
0x94: {  	[sflag:s26] =	ssyncset.done $0x0  }
0x95: {  	s1 =	simm.s32 $0x1480;
	[sflag:s26] =	ssyncadd.s32 $0xFFFFC000  }
0x96: {  	[spmem:s3] =	stream.indirect.scatter.add.f32 [tilespmem:s22], [sflag:$0x4], $0x80, s1, s21, $0xb8;
	[tilespmem:$0x1E800] =	vst v63  }
0x97: {  	_ =	swait.ge [sflag:s28], $0x4000  }
0x98: {  	[sflag:s28] =	ssyncset.done $0x0  }
0x99: {  	s6 =	simm.s32 $0x100;
	[sflag:s28] =	ssyncadd.s32 $0xFFFFC000  }
0x9a: {  	[tilespmem:s16], [sflag:$0x1] =	stream.indirect.gather [hbm4b:s2+s19], $0x80, s6, s19, $0xb8;
	[tilespmem:$0x1E800] =	vst v63  }
0x9b: {  	s1 =	simm.s32 $0x140  }
0x9c: {  	[tilespmem:s20], [sflag:$0x1] =	stream.indirect.gather [hbm4b:s2+s19], $0x80, s1, s19, $0xb8;
	[tilespmem:$0x1E800] =	vst v63  }
0x9d: {  	_ =	swait.ge [sflag:s29], $0x4000  }
0x9e: {  	s0 =	simm.s32 $0x1C0;
	[sflag:s29] =	ssyncset.done $0x0  }
0x9f: {  	s6 =	simm.s32 $0x180;
	s1 =	simm.s32 $0x400;
	[sflag:s29] =	ssyncadd.s32 $0xFFFFC000  }
0xa0: {  	[tilespmem:s22], [sflag:$0x2] =	stream.indirect.gather [hbm4b:s2+s19], $0x80, s6, s19, $0xb8;
	[tilespmem:$0x1E800] =	vst v63  }
.LBB2_6:
0xa1: {  	[tilespmem:s24], [sflag:$0x2] =	stream.indirect.gather [hbm4b:s2+s19], $0x80, s0, s19, $0xb8;
	[tilespmem:$0x1E800] =	vst v63  }
0xa2: {  	s0 =	smov.u32 s1  }
0xa3: {  	p0 =	sne.s32 s1, $0x4800;
	s1 =	sadd.s32 $0x400, s1;
	_ =	swait.ge [sflag:s25], $0x4000  }
0xa4: {  	s0 =	sshra.s32 s0, $0x2;
	[sflag:s25] =	ssyncset.done $0x0  }
0xa5: {  	s6 =	sadd.s32 $0x1400, s0;
	[sflag:s25] =	ssyncadd.s32 $0xFFFFC000  }
0xa6: {  	[spmem:s3] =	stream.indirect.scatter.add.f32 [tilespmem:s16], [sflag:$0x3], $0x80, s6, s21, $0xb8;
	[tilespmem:$0x1E800] =	vst v63  }
0xa7: {  	_ =	swait.ge [sflag:s26], $0x4000  }
0xa8: {  	[sflag:s26] =	ssyncset.done $0x0  }
0xa9: {  	s6 =	sadd.s32 $0x1480, s0;
	[sflag:s26] =	ssyncadd.s32 $0xFFFFC000  }
0xaa: {  	[spmem:s3] =	stream.indirect.scatter.add.f32 [tilespmem:s22], [sflag:$0x4], $0x80, s6, s21, $0xb8;
	[tilespmem:$0x1E800] =	vst v63  }
0xab: {  	_ =	swait.ge [sflag:s28], $0x4000  }
0xac: {  	[sflag:s28] =	ssyncset.done $0x0  }
0xad: {  	s6 =	sadd.s32 $0x100, s0;
	[sflag:s28] =	ssyncadd.s32 $0xFFFFC000  }
0xae: {  	[tilespmem:s16], [sflag:$0x1] =	stream.indirect.gather [hbm4b:s2+s19], $0x80, s6, s19, $0xb8;
	[tilespmem:$0x1E800] =	vst v63  }
0xaf: {  	s6 =	sadd.s32 $0x140, s0  }
0xb0: {  	[tilespmem:s20], [sflag:$0x1] =	stream.indirect.gather [hbm4b:s2+s19], $0x80, s6, s19, $0xb8;
	[tilespmem:$0x1E800] =	vst v63  }
.Ltmp2:
0xb1: {  	_ =	swait.ge [sflag:s29], $0x4000;
	(pc) =	sbr.rel @p0 .LBB2_6-.Ltmp2, $4  }
0xb2: {  	[sflag:s29] =	ssyncset.done $0x0  }
0xb3: {  	s6 =	sadd.s32 $0x180, s0;
	[sflag:s29] =	ssyncadd.s32 $0xFFFFC000  }
0xb4: {  	[tilespmem:s22], [sflag:$0x2] =	stream.indirect.gather [hbm4b:s2+s19], $0x80, s6, s19, $0xb8;
	[tilespmem:$0x1E800] =	vst v63  }
0xb5: {  	s0 =	sadd.s32 $0x1C0, s0  }
0xb6: {  	[tilespmem:s24], [sflag:$0x2] =	stream.indirect.gather [hbm4b:s2+s19], $0x80, s0, s19, $0xb8;
	[tilespmem:$0x1E800] =	vst v63  }
0xb7: {  	_ =	swait.ge [sflag:s25], $0x4000  }
0xb8: {  	[sflag:s25] =	ssyncset.done $0x0  }
0xb9: {  	[sflag:s25] =	ssyncadd.s32 $0xFFFFC000  }
0xba: {  	[spmem:s3] =	stream.indirect.scatter.add.f32 [tilespmem:s16], [sflag:$0x3], $0x80, s30, s21, $0xb8;
	[tilespmem:$0x1E800] =	vst v63  }
0xbb: {  	_ =	swait.ge [sflag:s26], $0x4000  }
0xbc: {  	[sflag:s26] =	ssyncset.done $0x0  }
0xbd: {  	[sflag:s26] =	ssyncadd.s32 $0xFFFFC000  }
0xbe: {  	[spmem:s3] =	stream.indirect.scatter.add.f32 [tilespmem:s22], [sflag:$0x4], $0x80, s31, s21, $0xb8;
	[tilespmem:$0x1E800] =	vst v63  }
0xbf: {  	_ =	swait.ge [sflag:s28], $0x4000  }
0xc0: {  	[sflag:s28] =	ssyncset.done $0x0  }
0xc1: {  	[sflag:s28] =	ssyncadd.s32 $0xFFFFC000  }
0xc2: {  	s6 =	stileid.u32;
	_ =	swait.ge [sflag:s29], $0x4000  }
0xc3: {  	s1 =	sshrl.u32 s5, $0x3;
	s4 =	sadd.s32 $0x1, s4;
	[sflag:s29] =	ssyncset.done $0x0  }
0xc4: {  	s0 =	sshll.u32 s6, $0x6;
	p0 =	sne.s32 s4, s11;
	[sflag:s29] =	ssyncadd.s32 $0xFFFFC000  }
.Ltmp3:
0xc5: {  	s0 =	sor.u32 $0x1C05, s0;
	[bflag:$0x0] =	sbarrier.arrive $0xFFFF;
	(pc) =	sbr.rel @p0 .LBB2_1-.Ltmp3, $4  }
0xc6: {  	[hbm:s10], [sflag:s0] =	dma.local [spmem:s1], $0x2800  }
0xc7: {  	_ =	swait.ge [sflag:s17], $0x2800  }
0xc8: {  	[sflag:s17] =	ssyncset.done $0x0  }
0xc9: {  	[sflag:s17] =	ssyncadd.s32 $0xFFFFD800  }
0xca: {  	_ =	sfence.sel $0x180000  }
0xcb: {  	[bflag:$0x0] =	sbarrier.arrive $0xFFFF  }
0xcc: {  	_ =	strace $0x9000004A  }
0xcd: {  	s0 =	stileid.u32;
	[bflag:$0x2] =	sbarrier.arrive $0xFFFF  }
0xce: {  	p0 =	sne.s32 s0, $0x0;
	s0 =	rddreg [dreg:$0x4]  }
0xcf: {  	s0 =	sadd.s32 @!p0 $0x100000, s0  }
0xd0: {  	[sflag:s0] =	ssyncadd.tile.s32 @!p0 $0x1;
	_ =	shalt  }
.Lfunc_end2:
_tile_overlayer_lowered:
.L_overlay_start_2:
0xd1: {  	(tag) =	ssettag $0x2  }
0xd2: {  	s0 =	rddreg [dreg:$0x0];
	s2 =	stileid.u32  }
0xd3: {  	s1 =	rddreg [dreg:$0x1];
	p0 =	sne.s32 s2, $0x0  }
0xd4: {  	s3 =	rddreg [dreg:$0x2];
	[bflag:$0x3] =	sbarrier.arrive $0xFFFF;
	s2 =	simm.s32 @!p0 $0x1C05  }
0xd5: {  	[timem:s3], [sflag:s2] =	dma.local @!p0 [hbm:s0], s1  }
0xd6: {  	s0 =	simm.s32 @!p0 $0x5  }
0xd7: {  	_ =	swait.ge @!p0 [sflag:s0], s1  }
0xd8: {  	s1 =	ssub.s32 @!p0 $0x0, s1;
	[sflag:s0] =	ssyncset.done @!p0 $0x0  }
0xd9: {  	[sflag:s0] =	ssyncadd.s32 @!p0 s1  }
0xda: {  	[bflag:$0x3] =	sbarrier.arrive $0xFFFF  }
0xdb: {  	_ =	shalt  }

// kernel: kernel.14.cloned.1.call-start
scs
__scs_entry_jumppad:
0x0: {  	(pc) =	sbr.rel $0x88, $3  }
0x1: {  	(tag) =	ssettag $0x0;
	lr =	simm.s32 $0x1  }
0x2: {  	[smem:$0x3F99] =	sst lr;
	_ =	strace $0xD0000000  }
0x3: {  	_ = 	snop  }
0x4: {  	_ = 	snop  }
0x5: {  	_ = 	snop  }
0x6: {  	_ = 	snop  }
0x7: {  	_ = 	snop  }
__scs_overlays_trampoline_lowered:
0x8: {  	[smem:$0x3FA8] =	sst s0  }
0x9: {  	[smem:$0x3FA9] =	sst s1  }
0xa: {  	[smem:$0x3FAA] =	sst s2  }
0xb: {  	[smem:$0x3FAB] =	sst s3  }
0xc: {  	[smem:$0x3FAC] =	sst s4  }
0xd: {  	[smem:$0x3FAD] =	sst s5  }
0xe: {  	[smem:$0x3FAE] =	sst s6  }
0xf: {  	[smem:$0x3FAF] =	sst s7  }
0x10: {  	[smem:$0x3FB0] =	sst s8  }
0x11: {  	[smem:$0x3FB1] =	sst s9;
	s0 =	simm.s32 @!p0 $0x0  }
0x12: {  	s1 =	sld [smem:$0x3F97];
	s0 =	simm.s32 @p0 $0x1  }
0x13: {  	[smem:$0x3FB2] =	sst s0;
	s0 =	simm.s32 @!p1 $0x0  }
0x14: {  	s2 =	sld [smem:$0x3F96];
	s0 =	simm.s32 @p1 $0x1  }
0x15: {  	[smem:$0x3FB3] =	sst s0;
	s0 =	simm.s32 @!p2 $0x0  }
0x16: {  	s3 =	sld [smem:$0x3FDB];
	s0 =	simm.s32 @p2 $0x1  }
0x17: {  	s4 =	simm.s32 $0x1BF5;
	[smem:$0x3FB5] =	sst s0  }
0x18: {  	s0 =	sld [smem:$0x3F98];
	_ =	swait.ge [sflag:s4], $0x0  }
0x19: {  	s7 =	sld [smem:$0x3F99]  }
0x1a: {  	s8 =	sadd.s32 $0xFFFFE003, lr  }
0x1b: {  	s9 =	sadd.s32 $0xFFFFFEF7, lr;
	s5 =	simm.s32 $0xFFFFFFFF;
	p2 =	slt.u32 s8, $0xFFFFF086  }
0x1c: {  	p1 =	slt.u32 s9, $0xF7A;
	s5 =	simm.s32 @!p2 $0x0  }
0x1d: {  	s5 =	simm.s32 @p1 $0x1;
	p0 =	seq.s32 s7, s2  }
0x1e: {  	s7 =	smul.u32 @!p0 $0xF7A, s2;
	p2 =	seq.s32 @!p0 s5, $0x0  }
0x1f: {  	s9 =	smul.u32 $0xF7A, s1;
	s8 =	simm.s32 @!p0 $0x1BF5;
	p2 =	por !p2, p0  }
0x20: {  	[sflag:s8] =	ssyncset.s32 @!p0 $0xFFFFF086;
	s6 =	sadd.s32 @!p0 s3, s7;
	s7 =	simm.s32 @!p0 $0x108  }
0x21: {  	s3 =	sadd.s32 s3, s9;
	s6 =	sadd.s32 @!p0 $0x88, s6;
	s7 =	simm.s32 @p2 $0x1082  }
0x22: {  	[simem:s7], [sflag:s8] =	dma.local @!p0 [hbm:s6], $0xF7A  }
0x23: {  	s9 =	sor.u32 $0xD0000000, s2;
	s6 =	simm.s32 $0x108;
	_ =	swait.ge @!p0 [sflag:s8], $0x0  }
0x24: {  	s3 =	sadd.s32 $0x88, s3;
	s6 =	simm.s32 @!p1 $0x1082;
	[sflag:s4] =	ssyncset.s32 $0xFFFFF086  }
0x25: {  	[simem:s6], [sflag:s4] =	dma.local [hbm:s3], $0xF7A  }
0x26: {  	[smem:$0x3F99] =	sst s1;
	(tag) =	ssettag s2;
	_ =	strace s9  }
0x27: {  	s1 =	sld [smem:$0x3FA9]  }
0x28: {  	s2 =	sld [smem:$0x3FAA]  }
0x29: {  	s4 =	sld [smem:$0x3FAC]  }
0x2a: {  	p0 =	seq.s32 s5, $0x0;
	s5 =	sld [smem:$0x3FAD]  }
0x2b: {  	s6 =	sld [smem:$0x3FAE]  }
0x2c: {  	s7 =	sld [smem:$0x3FAF]  }
0x2d: {  	s3 =	simm.s32 $0x108;
	s8 =	sld [smem:$0x3FB0]  }
0x2e: {  	s3 =	simm.s32 @!p0 $0x1082;
	s9 =	sld [smem:$0x3FB1]  }
0x2f: {  	lr =	sadd.s32 s0, s3;
	s0 =	sld [smem:$0x3FA8]  }
0x30: {  	s3 =	sld [smem:$0x3FAB]  }
0x31: {  	[smem:$0x3FB4] =	sst s10  }
0x32: {  	s10 =	sld [smem:$0x3FB2];
	_ =	sdelay $0x3  }
0x33: {  	p0 =	seq.s32 s10, $0x1;
	s10 =	sld [smem:$0x3FB4];
	_ =	sdelay $0x3  }
0x34: {  	[smem:$0x3FB4] =	sst s10  }
0x35: {  	s10 =	sld [smem:$0x3FB3];
	_ =	sdelay $0x3  }
0x36: {  	p1 =	seq.s32 s10, $0x1;
	s10 =	sld [smem:$0x3FB4];
	_ =	sdelay $0x3  }
0x37: {  	[smem:$0x3FB4] =	sst s10  }
0x38: {  	s10 =	sld [smem:$0x3FB5]  }
0x39: {  	_ = 	snop;
	(pc) =	sbr.ind lr, $3  }
0x3a: {  	_ = 	snop  }
0x3b: {  	_ = 	snop  }
0x3c: {  	p2 =	seq.s32 s10, $0x1;
	s10 =	sld [smem:$0x3FB4]  }
0x3d: {  	_ =	shalt  }
0x3e: {  	_ =	shalt  }
0x3f: {  	_ =	shalt  }
0x40: {  	_ =	shalt  }
0x41: {  	_ =	shalt  }
0x42: {  	_ =	shalt  }
0x43: {  	_ =	shalt  }
0x44: {  	_ =	shalt  }
0x45: {  	_ =	shalt  }
0x46: {  	_ =	shalt  }
0x47: {  	_ =	shalt  }
0x48: {  	_ =	shalt  }
0x49: {  	_ =	shalt  }
0x4a: {  	_ =	shalt  }
0x4b: {  	_ =	shalt  }
0x4c: {  	_ =	shalt  }
0x4d: {  	_ =	shalt  }
0x4e: {  	_ =	shalt  }
0x4f: {  	_ =	shalt  }
0x50: {  	_ =	shalt  }
0x51: {  	_ =	shalt  }
0x52: {  	_ =	shalt  }
0x53: {  	_ =	shalt  }
0x54: {  	_ =	shalt  }
0x55: {  	_ =	shalt  }
0x56: {  	_ =	shalt  }
0x57: {  	_ =	shalt  }
0x58: {  	_ =	shalt  }
0x59: {  	_ =	shalt  }
0x5a: {  	_ =	shalt  }
0x5b: {  	_ =	shalt  }
0x5c: {  	_ =	shalt  }
0x5d: {  	_ =	shalt  }
0x5e: {  	_ =	shalt  }
0x5f: {  	_ =	shalt  }
0x60: {  	_ =	shalt  }
0x61: {  	_ =	shalt  }
0x62: {  	_ =	shalt  }
0x63: {  	_ =	shalt  }
0x64: {  	_ =	shalt  }
0x65: {  	_ =	shalt  }
0x66: {  	_ =	shalt  }
0x67: {  	_ =	shalt  }
0x68: {  	_ =	shalt  }
0x69: {  	_ =	shalt  }
0x6a: {  	_ =	shalt  }
0x6b: {  	_ =	shalt  }
0x6c: {  	_ =	shalt  }
0x6d: {  	_ =	shalt  }
0x6e: {  	_ =	shalt  }
0x6f: {  	_ =	shalt  }
0x70: {  	_ =	shalt  }
0x71: {  	_ =	shalt  }
0x72: {  	_ =	shalt  }
0x73: {  	_ =	shalt  }
0x74: {  	_ =	shalt  }
0x75: {  	_ =	shalt  }
0x76: {  	_ =	shalt  }
0x77: {  	_ =	shalt  }
0x78: {  	_ =	shalt  }
0x79: {  	_ =	shalt  }
0x7a: {  	_ =	shalt  }
0x7b: {  	_ =	shalt  }
0x7c: {  	_ =	shalt  }
0x7d: {  	_ =	shalt  }
0x7e: {  	_ =	shalt  }
0x7f: {  	_ =	shalt  }
0x80: {  	_ =	shalt  }
0x81: {  	_ =	shalt  }
0x82: {  	_ =	shalt  }
0x83: {  	_ =	shalt  }
0x84: {  	_ =	shalt  }
0x85: {  	_ =	shalt  }
0x86: {  	_ =	shalt  }
0x87: {  	_ =	shalt  }
.Lfunc_end0:
.L_simem_size_0:
called_computation.2_lowered:
.L_overlay_start_0:
0x88: {  	s2 =	sld [smem:$0x3FD9]  }
0x89: {  	s3 =	sld [smem:$0x3FFE];
	_ =	sdelay $0x1  }
0x8a: {  	s1 =	srdreg.scid  }
0x8b: {  	s0 =	sand.u32 $0x1, s1  }
0x8c: {  	s14 =	sshll.u32 s0, $0xA;
	s2 =	sadd.s32 s3, s2  }
0x8d: {  	s2 =	sadd.s32 s2, s14  }
0x8e: {  	[smem:$0x3FC0] =	sst s2  }
0x8f: {  	_ = 	snop  }
0x90: {  	s2 =	sld [smem:$0x3FD0];
	_ =	sdelay $0x2  }
0x91: {  	s15 =	simm.s32 $0xA;
	s4 =	simm.s32 $0x10  }
0x92: {  	[smem:s4], [sflag:s15] =	dma.local [hbm:s2], $0x1  }
0x93: {  	_ =	swait.eq [sflag:s15], $0x1  }
0x94: {  	[sflag:s15] =	ssyncset.done $0x0  }
0x95: {  	s16 =	sld [smem:$0x10];
	[sflag:s15] =	ssyncadd.s32 $0xFFFFFFFF  }
0x96: {  	s17 =	sld [smem:$0x11];
	(tm) =	ssettm $0x1  }
0x97: {  	s18 =	sld [smem:$0x3FFB];
	_ =	sdelay $0x3  }
0x98: {  	_ =	strace s18  }
0x99: {  	s4 =	sld [smem:$0x3FFC];
	_ =	sdelay $0x3  }
0x9a: {  	_ =	strace s4  }
0x9b: {  	s4 =	sld [smem:$0x3FFD];
	_ =	sdelay $0x3  }
0x9c: {  	_ =	strace s4  }
0x9d: {  	_ =	strace $0x8FFFFFFF  }
0x9e: {  	s19 =	sld [smem:$0x3FDB];
	_ =	sdelay $0x1  }
0x9f: {  	s5 =	simm.s32 $_scs_section_size  }
0xa0: {  	s6 =	simm.s32 $_size__tile_overlayer_lowered;
	s7 =	simm.s32 $_tile_overlayer_lowered  }
0xa1: {  	s22 =	simm.s32 $0x1BFF;
	s21 =	sshll.u32 s7, $0x1;
	s4 =	sadd.s32 s5, s19  }
0xa2: {  	s8 =	simm.s32 $0x0;
	s20 =	sshll.u32 s6, $0x1;
	s6 =	sadd.s32 s21, s4  }
0xa3: {  	[timem:s8], [sflag:s22] =	dma.local [hbm:s6], s20  }
0xa4: {  	_ =	swait.ge [sflag:s22], s20  }
0xa5: {  	s5 =	ssub.s32 $0x0, s20;
	[sflag:s22] =	ssyncset.done $0x0  }
0xa6: {  	[sflag:s22] =	ssyncadd.s32 s5;
	_ =	sdelay $0x1  }
0xa7: {  	s23 =	simm.s32 $0x1B8B  }
0xa8: {  	_ =	swait.ge [sflag:s23], $0x1  }
0xa9: {  	[sflag:s23] =	ssyncset.done $0x0  }
0xaa: {  	s25 =	simm.s32 $0x1B8E;
	s24 =	sld [smem:$0x3FFE];
	[sflag:s23] =	ssyncadd.s32 $0xFFFFFFFF  }
0xab: {  	s26 =	simm.s32 $execute0_lowered;
	[smem:$0x3FD2] =	sst s25  }
0xac: {  	s6 =	sshll.u32 s26, $0x1;
	_ =	strace $0x8000004C;
	[dreg:$0x1] =	wrdreg $0xFFFFFFFF  }
0xad: {  	s28 =	simm.s32 $_size_execute0_lowered;
	s4 =	sadd.s32 s4, s6;
	[dreg:$0x0] =	wrdreg $0x0  }
0xae: {  	s6 =	sshll.u32 s28, $0x1;
	[dreg:$0x2] =	wrdreg s4  }
0xaf: {  	[dreg:$0x3] =	wrdreg s6  }
0xb0: {  	[dreg:$0x4] =	wrdreg $0xC0  }
0xb1: {  	_ =	task [dreg:s8], $0x5FFFF  }
0xb2: {  	[dreg:$0x1] =	wrdreg $0xFFFFFFFF  }
0xb3: {  	[dreg:$0x0] =	wrdreg $0x60  }
0xb4: {  	[dreg:$0x2] =	wrdreg s16  }
0xb5: {  	[dreg:$0x3] =	wrdreg s24  }
0xb6: {  	[dreg:$0x4] =	wrdreg s17  }
0xb7: {  	[dreg:$0x5] =	wrdreg $0xA8000  }
0xb8: {  	[dreg:$0x6] =	wrdreg $0x9  }
0xb9: {  	_ =	task.clear_ibuf [dreg:s8], $0x7FFFF;
	_ =	strace $0x9000004C  }
0xba: {  	s29 =	simm.s32 $0x9;
	_ =	strace $0x8000004E  }
0xbb: {  	_ =	swait.ge [sflag:s29], $0x1  }
0xbc: {  	[sflag:s29] =	ssyncadd.s32 $0xFFFFFFFF  }
0xbd: {  	_ =	strace $0x9000004E  }
0xbe: {  	_ =	sfence  }
0xbf: {  	s30 =	sld [smem:$0x0];
	_ =	sdelay $0x2  }
0xc0: {  	s31 =	sshll.u32 s1, $0xD;
	s1 =	sshrl.u32 s1, $0x2  }
0xc1: {  	s3 =	sand.u32 $0x4000, s31;
	s1 =	sadd.s32 s1, s30  }
0xc2: {  	s0 =	sor.u32 s3, s0;
	s1 =	sshll.u32 s1, $0x11  }
0xc3: {  	s0 =	sor.u32 s1, s0  }
0xc4: {  	s0 =	sadd.s32 $0x8F2B, s0  }
0xc5: {  	[sflag:s0] =	ssyncadd.remote.s32 $0x1  }
0xc6: {  	_ =	sfence.sel $0xFFFF  }
0xc7: {  	[dreg:$0x0] =	wrdreg $0xFFFFFFFF;
	(pc) =	sbr.abs _section_cstart, $3  }
0xc8: {  	[dreg:$0x1] =	wrdreg $0xFFFFFFFF  }
0xc9: {  	_ =	task.clear_ibuf [dreg:s8], $0x2FFFF;
	_ =	strace $0x9FFFFFFF  }
0xca: {  	(tm) =	ssettm $0x7FFFFFFF  }
0xcb: {  	_ =	shalt  }
tec
execute0_lowered:
.L_overlay_start_1:
0x0: {  	(tag) =	ssettag $0x1  }
0x1: {  	s0 =	rddreg [dreg:$0x0]  }
0x2: {  	s1 =	rddreg [dreg:$0x1]  }
0x3: {  	s3 =	srdreg.scid;
	s2 =	rddreg [dreg:$0x2]  }
0x4: {  	s8 =	stileid.u32;
	s4 =	simm.s32 $0x0;
	s17 =	simm.s32 $0x5  }
0x5: {  	s18 =	simm.s32 $0x1400;
	s19 =	simm.s32 $0x40;
	s20 =	simm.s32 $0x4800  }
0x6: {  	s21 =	simm.s32 $0x80;
	s22 =	simm.s32 $0x6800;
	s28 =	simm.s32 $0x3  }
0x7: {  	s29 =	simm.s32 $0x4;
	s30 =	simm.s32 $0x2700;
	s31 =	simm.s32 $0x2780  }
0x8: {  	s5 =	sand.u32 $0x1, s3;
	s3 =	rddreg [dreg:$0x3];
	s7 =	smul.u32 $0x14000, s8  }
0x9: {  	[smem:$0x7FF] =	sst s4;
	s23 =	smul.u32 $0x50000, s8;
	s15 =	sadd.s32 $0x3A00, s1  }
0xa: {  	s8 =	sshll.u32 s8, $0x1;
	s6 =	smul.u32 $0x140000, s5;
	s24 =	ssub.s32 $0x2, s5  }
0xb: {  	_ =	strace $0x8000004D;
	s9 =	sshll.u32 s5, $0x5;
	s10 =	sshrl.u32 s24, $0x1  }
0xc: {  	s8 =	sor.u32 s8, s9;
	s6 =	sadd.s32 s7, s6;
	s7 =	sshrl.u32 s23, $0x2  }
0xd: {  	s11 =	ssub.s32 s24, s10;
	s9 =	sxor.u32 $0x20, s8;
	s26 =	sxor.u32 $0x21, s8  }
0xe: {  	s23 =	simm.s32 $0xC0;
	s24 =	simm.s32 $0x8800;
	s13 =	smul.u32 $0x280, s9  }
0xf: {  	s6 =	sshrl.u32 s6, $0x3;
	s5 =	sadd.s32 s7, s3;
	s16 =	smul.u32 $0x280, s26  }
0x10: {  	s11 =	smax.u32 s11, $0x1;
	s26 =	simm.s32 $0x2;
	s1 =	sadd.s32 s6, s1  }
0x11: {  	s25 =	sadd.s32 $0x4000, s5;
	s7 =	sadd.s32 $0x8000, s5;
	s8 =	sadd.s32 $0xC000, s5  }
0x12: {  	s9 =	sadd.s32 $0x10000, s5;
	[dreg:$0x5] =	wrdreg s25;
	s10 =	sadd.s32 $0x5DA00, s1  }
0x13: {  	s12 =	sadd.s32 s0, s13;
	s13 =	sadd.s32 s15, s13;
	s14 =	sadd.s32 s0, s16  }
0x14: {  	v0 =	vimm.f32 $0.0e+00;
	s15 =	sadd.s32 s15, s16;
	s16 =	simm.s32 $0x2800;
	s25 =	simm.s32 $0x1  }
.LBB2_1:
0x15: {  	s1 =	simm.s32 $0x0;
	s0 =	simm.s32 $0x200  }
.LBB2_2:
0x16: {  	p0 =	sne.s32 s0, $0xFE00;
	[tilespmem:s1+$0x2870] =	vst v0  }
0x17: {  	[tilespmem:s1+$0x2800] =	vst v0  }
0x18: {  	[tilespmem:s1+$0x2810] =	vst v0  }
.Ltmp0:
0x19: {  	[tilespmem:s1+$0x2820] =	vst v0;
	(pc) =	sbr.rel @p0 .LBB2_2-.Ltmp0, $4  }
0x1a: {  	[tilespmem:s1+$0x2830] =	vst v0  }
0x1b: {  	[tilespmem:s1+$0x2840] =	vst v0  }
0x1c: {  	[tilespmem:s1+$0x2850] =	vst v0  }
0x1d: {  	[tilespmem:s1+$0x2860] =	vst v0;
	s1 =	sshra.s32 s0, $0x2;
	s0 =	sadd.s32 $0x200, s0  }
0x1e: {  	[tilespmem:s1+$0x2870] =	vst v0  }
0x1f: {  	[tilespmem:s1+$0x2800] =	vst v0  }
0x20: {  	[tilespmem:s1+$0x2810] =	vst v0  }
0x21: {  	[tilespmem:s1+$0x2820] =	vst v0  }
0x22: {  	[tilespmem:s1+$0x2830] =	vst v0  }
0x23: {  	[tilespmem:s1+$0x2840] =	vst v0  }
0x24: {  	[tilespmem:s1+$0x2850] =	vst v0  }
0x25: {  	[tilespmem:s1+$0x2860] =	vst v0  }
0x26: {  	[spmem:s5] =	stream.linear.scatter [tilespmem:s16], [sflag:$0x5], $0x4000, $0x38;
	[tilespmem:$0x1E800] =	vst v63  }
0x27: {  	_ =	swait.ge [sflag:s17], $0x4000  }
0x28: {  	[sflag:s17] =	ssyncset.done $0x0  }
0x29: {  	s0 =	rddreg [dreg:$0x5];
	[sflag:s17] =	ssyncadd.s32 $0xFFFFC000  }
0x2a: {  	[spmem:s0] =	stream.linear.scatter [tilespmem:s16], [sflag:$0x5], $0x4000, $0x38;
	[tilespmem:$0x1E800] =	vst v63  }
0x2b: {  	_ =	swait.ge [sflag:s17], $0x4000  }
0x2c: {  	[sflag:s17] =	ssyncset.done $0x0  }
0x2d: {  	[sflag:s17] =	ssyncadd.s32 $0xFFFFC000  }
0x2e: {  	[spmem:s7] =	stream.linear.scatter [tilespmem:s16], [sflag:$0x5], $0x4000, $0x38;
	[tilespmem:$0x1E800] =	vst v63  }
0x2f: {  	_ =	swait.ge [sflag:s17], $0x4000  }
0x30: {  	[sflag:s17] =	ssyncset.done $0x0  }
0x31: {  	[sflag:s17] =	ssyncadd.s32 $0xFFFFC000  }
0x32: {  	[spmem:s8] =	stream.linear.scatter [tilespmem:s16], [sflag:$0x5], $0x4000, $0x38;
	[tilespmem:$0x1E800] =	vst v63  }
0x33: {  	_ =	swait.ge [sflag:s17], $0x4000  }
0x34: {  	[sflag:s17] =	ssyncset.done $0x0  }
0x35: {  	[sflag:s17] =	ssyncadd.s32 $0xFFFFC000  }
0x36: {  	[spmem:s9] =	stream.linear.scatter [tilespmem:s16], [sflag:$0x5], $0x4000, $0x38;
	[tilespmem:$0x1E800] =	vst v63  }
0x37: {  	_ =	swait.ge [sflag:s17], $0x4000  }
0x38: {  	[sflag:s17] =	ssyncset.done $0x0  }
0x39: {  	[sflag:s17] =	ssyncadd.s32 $0xFFFFC000  }
0x3a: {  	s1 =	simm.s32 $0x0;
	[bflag:$0x0] =	sbarrier.arrive $0xFFFF  }
0x3b: {  	[tilespmem:s1], [sflag:$0x5] =	stream.linear.gather [hbm4b:s12+s1], $0x1400, $0x38;
	[tilespmem:$0x1E800] =	vst v63  }
0x3c: {  	_ =	swait.ge [sflag:s17], $0x1400  }
0x3d: {  	[sflag:s17] =	ssyncset.done $0x0  }
0x3e: {  	[sflag:s17] =	ssyncadd.s32 $0xFFFFEC00  }
0x3f: {  	[tilespmem:s18], [sflag:$0x5] =	stream.linear.gather [hbm4b:s13+s1], $0x1400, $0x38;
	[tilespmem:$0x1E800] =	vst v63  }
0x40: {  	_ =	swait.ge [sflag:s17], $0x1400  }
0x41: {  	[sflag:s17] =	ssyncset.done $0x0  }
0x42: {  	[sflag:s17] =	ssyncadd.s32 $0xFFFFEC00  }
0x43: {  	[tilespmem:s16], [sflag:$0x1] =	stream.indirect.gather [hbm4b:s2+s19], $0x80, s1, s19, $0xb8;
	[tilespmem:$0x1E800] =	vst v63  }
0x44: {  	_ = 	snop  }
0x45: {  	[tilespmem:s20], [sflag:$0x1] =	stream.indirect.gather [hbm4b:s2+s19], $0x80, s19, s19, $0xb8;
	[tilespmem:$0x1E800] =	vst v63  }
0x46: {  	_ = 	snop  }
0x47: {  	[tilespmem:s22], [sflag:$0x2] =	stream.indirect.gather [hbm4b:s2+s19], $0x80, s21, s19, $0xb8;
	[tilespmem:$0x1E800] =	vst v63  }
0x48: {  	_ = 	snop  }
0x49: {  	[tilespmem:s24], [sflag:$0x2] =	stream.indirect.gather [hbm4b:s2+s19], $0x80, s23, s19, $0xb8;
	[tilespmem:$0x1E800] =	vst v63  }
0x4a: {  	_ =	swait.ge [sflag:s25], $0x4000  }
0x4b: {  	[sflag:s25] =	ssyncset.done $0x0  }
0x4c: {  	s6 =	simm.s32 $0x1400;
	[sflag:s25] =	ssyncadd.s32 $0xFFFFC000  }
0x4d: {  	[spmem:s3] =	stream.indirect.scatter.add.f32 [tilespmem:s16], [sflag:$0x3], $0x80, s6, s21, $0xb8;
	[tilespmem:$0x1E800] =	vst v63  }
0x4e: {  	_ =	swait.ge [sflag:s26], $0x4000  }
0x4f: {  	[sflag:s26] =	ssyncset.done $0x0  }
0x50: {  	s1 =	simm.s32 $0x1480;
	[sflag:s26] =	ssyncadd.s32 $0xFFFFC000  }
0x51: {  	[spmem:s3] =	stream.indirect.scatter.add.f32 [tilespmem:s22], [sflag:$0x4], $0x80, s1, s21, $0xb8;
	[tilespmem:$0x1E800] =	vst v63  }
0x52: {  	_ =	swait.ge [sflag:s28], $0x4000  }
0x53: {  	[sflag:s28] =	ssyncset.done $0x0  }
0x54: {  	s6 =	simm.s32 $0x100;
	[sflag:s28] =	ssyncadd.s32 $0xFFFFC000  }
0x55: {  	[tilespmem:s16], [sflag:$0x1] =	stream.indirect.gather [hbm4b:s2+s19], $0x80, s6, s19, $0xb8;
	[tilespmem:$0x1E800] =	vst v63  }
0x56: {  	s1 =	simm.s32 $0x140  }
0x57: {  	[tilespmem:s20], [sflag:$0x1] =	stream.indirect.gather [hbm4b:s2+s19], $0x80, s1, s19, $0xb8;
	[tilespmem:$0x1E800] =	vst v63  }
0x58: {  	_ =	swait.ge [sflag:s29], $0x4000  }
0x59: {  	s0 =	simm.s32 $0x1C0;
	[sflag:s29] =	ssyncset.done $0x0  }
0x5a: {  	s6 =	simm.s32 $0x180;
	s1 =	simm.s32 $0x400;
	[sflag:s29] =	ssyncadd.s32 $0xFFFFC000  }
0x5b: {  	[tilespmem:s22], [sflag:$0x2] =	stream.indirect.gather [hbm4b:s2+s19], $0x80, s6, s19, $0xb8;
	[tilespmem:$0x1E800] =	vst v63  }
.LBB2_4:
0x5c: {  	[tilespmem:s24], [sflag:$0x2] =	stream.indirect.gather [hbm4b:s2+s19], $0x80, s0, s19, $0xb8;
	[tilespmem:$0x1E800] =	vst v63  }
0x5d: {  	s0 =	smov.u32 s1  }
0x5e: {  	p0 =	sne.s32 s1, $0x4800;
	s1 =	sadd.s32 $0x400, s1;
	_ =	swait.ge [sflag:s25], $0x4000  }
0x5f: {  	s0 =	sshra.s32 s0, $0x2;
	[sflag:s25] =	ssyncset.done $0x0  }
0x60: {  	s6 =	sadd.s32 $0x1400, s0;
	[sflag:s25] =	ssyncadd.s32 $0xFFFFC000  }
0x61: {  	[spmem:s3] =	stream.indirect.scatter.add.f32 [tilespmem:s16], [sflag:$0x3], $0x80, s6, s21, $0xb8;
	[tilespmem:$0x1E800] =	vst v63  }
0x62: {  	_ =	swait.ge [sflag:s26], $0x4000  }
0x63: {  	[sflag:s26] =	ssyncset.done $0x0  }
0x64: {  	s6 =	sadd.s32 $0x1480, s0;
	[sflag:s26] =	ssyncadd.s32 $0xFFFFC000  }
0x65: {  	[spmem:s3] =	stream.indirect.scatter.add.f32 [tilespmem:s22], [sflag:$0x4], $0x80, s6, s21, $0xb8;
	[tilespmem:$0x1E800] =	vst v63  }
0x66: {  	_ =	swait.ge [sflag:s28], $0x4000  }
0x67: {  	[sflag:s28] =	ssyncset.done $0x0  }
0x68: {  	s6 =	sadd.s32 $0x100, s0;
	[sflag:s28] =	ssyncadd.s32 $0xFFFFC000  }
0x69: {  	[tilespmem:s16], [sflag:$0x1] =	stream.indirect.gather [hbm4b:s2+s19], $0x80, s6, s19, $0xb8;
	[tilespmem:$0x1E800] =	vst v63  }
0x6a: {  	s6 =	sadd.s32 $0x140, s0  }
0x6b: {  	[tilespmem:s20], [sflag:$0x1] =	stream.indirect.gather [hbm4b:s2+s19], $0x80, s6, s19, $0xb8;
	[tilespmem:$0x1E800] =	vst v63  }
.Ltmp1:
0x6c: {  	_ =	swait.ge [sflag:s29], $0x4000;
	(pc) =	sbr.rel @p0 .LBB2_4-.Ltmp1, $4  }
0x6d: {  	[sflag:s29] =	ssyncset.done $0x0  }
0x6e: {  	s6 =	sadd.s32 $0x180, s0;
	[sflag:s29] =	ssyncadd.s32 $0xFFFFC000  }
0x6f: {  	[tilespmem:s22], [sflag:$0x2] =	stream.indirect.gather [hbm4b:s2+s19], $0x80, s6, s19, $0xb8;
	[tilespmem:$0x1E800] =	vst v63  }
0x70: {  	s0 =	sadd.s32 $0x1C0, s0  }
0x71: {  	[tilespmem:s24], [sflag:$0x2] =	stream.indirect.gather [hbm4b:s2+s19], $0x80, s0, s19, $0xb8;
	[tilespmem:$0x1E800] =	vst v63  }
0x72: {  	_ =	swait.ge [sflag:s25], $0x4000  }
0x73: {  	[sflag:s25] =	ssyncset.done $0x0  }
0x74: {  	[sflag:s25] =	ssyncadd.s32 $0xFFFFC000  }
0x75: {  	[spmem:s3] =	stream.indirect.scatter.add.f32 [tilespmem:s16], [sflag:$0x3], $0x80, s30, s21, $0xb8;
	[tilespmem:$0x1E800] =	vst v63  }
0x76: {  	_ =	swait.ge [sflag:s26], $0x4000  }
0x77: {  	[sflag:s26] =	ssyncset.done $0x0  }
0x78: {  	[sflag:s26] =	ssyncadd.s32 $0xFFFFC000  }
0x79: {  	[spmem:s3] =	stream.indirect.scatter.add.f32 [tilespmem:s22], [sflag:$0x4], $0x80, s31, s21, $0xb8;
	[tilespmem:$0x1E800] =	vst v63  }
0x7a: {  	_ =	swait.ge [sflag:s28], $0x4000  }
0x7b: {  	[sflag:s28] =	ssyncset.done $0x0  }
0x7c: {  	[sflag:s28] =	ssyncadd.s32 $0xFFFFC000  }
0x7d: {  	_ =	swait.ge [sflag:s29], $0x4000  }
0x7e: {  	[sflag:s29] =	ssyncset.done $0x0  }
0x7f: {  	s1 =	simm.s32 $0x0;
	[sflag:s29] =	ssyncadd.s32 $0xFFFFC000  }
0x80: {  	[tilespmem:s1], [sflag:$0x5] =	stream.linear.gather [hbm4b:s14+s1], $0x1400, $0x38;
	[tilespmem:$0x1E800] =	vst v63  }
0x81: {  	_ =	swait.ge [sflag:s17], $0x1400  }
0x82: {  	[sflag:s17] =	ssyncset.done $0x0  }
0x83: {  	[sflag:s17] =	ssyncadd.s32 $0xFFFFEC00  }
0x84: {  	[tilespmem:s18], [sflag:$0x5] =	stream.linear.gather [hbm4b:s15+s1], $0x1400, $0x38;
	[tilespmem:$0x1E800] =	vst v63  }
0x85: {  	_ =	swait.ge [sflag:s17], $0x1400  }
0x86: {  	[sflag:s17] =	ssyncset.done $0x0  }
0x87: {  	[sflag:s17] =	ssyncadd.s32 $0xFFFFEC00  }
0x88: {  	[tilespmem:s16], [sflag:$0x1] =	stream.indirect.gather [hbm4b:s2+s19], $0x80, s1, s19, $0xb8;
	[tilespmem:$0x1E800] =	vst v63  }
0x89: {  	_ = 	snop  }
0x8a: {  	[tilespmem:s20], [sflag:$0x1] =	stream.indirect.gather [hbm4b:s2+s19], $0x80, s19, s19, $0xb8;
	[tilespmem:$0x1E800] =	vst v63  }
0x8b: {  	_ = 	snop  }
0x8c: {  	[tilespmem:s22], [sflag:$0x2] =	stream.indirect.gather [hbm4b:s2+s19], $0x80, s21, s19, $0xb8;
	[tilespmem:$0x1E800] =	vst v63  }
0x8d: {  	_ = 	snop  }
0x8e: {  	[tilespmem:s24], [sflag:$0x2] =	stream.indirect.gather [hbm4b:s2+s19], $0x80, s23, s19, $0xb8;
	[tilespmem:$0x1E800] =	vst v63  }
0x8f: {  	_ =	swait.ge [sflag:s25], $0x4000  }
0x90: {  	[sflag:s25] =	ssyncset.done $0x0  }
0x91: {  	s6 =	simm.s32 $0x1400;
	[sflag:s25] =	ssyncadd.s32 $0xFFFFC000  }
0x92: {  	[spmem:s3] =	stream.indirect.scatter.add.f32 [tilespmem:s16], [sflag:$0x3], $0x80, s6, s21, $0xb8;
	[tilespmem:$0x1E800] =	vst v63  }
0x93: {  	_ =	swait.ge [sflag:s26], $0x4000  }
0x94: {  	[sflag:s26] =	ssyncset.done $0x0  }
0x95: {  	s1 =	simm.s32 $0x1480;
	[sflag:s26] =	ssyncadd.s32 $0xFFFFC000  }
0x96: {  	[spmem:s3] =	stream.indirect.scatter.add.f32 [tilespmem:s22], [sflag:$0x4], $0x80, s1, s21, $0xb8;
	[tilespmem:$0x1E800] =	vst v63  }
0x97: {  	_ =	swait.ge [sflag:s28], $0x4000  }
0x98: {  	[sflag:s28] =	ssyncset.done $0x0  }
0x99: {  	s6 =	simm.s32 $0x100;
	[sflag:s28] =	ssyncadd.s32 $0xFFFFC000  }
0x9a: {  	[tilespmem:s16], [sflag:$0x1] =	stream.indirect.gather [hbm4b:s2+s19], $0x80, s6, s19, $0xb8;
	[tilespmem:$0x1E800] =	vst v63  }
0x9b: {  	s1 =	simm.s32 $0x140  }
0x9c: {  	[tilespmem:s20], [sflag:$0x1] =	stream.indirect.gather [hbm4b:s2+s19], $0x80, s1, s19, $0xb8;
	[tilespmem:$0x1E800] =	vst v63  }
0x9d: {  	_ =	swait.ge [sflag:s29], $0x4000  }
0x9e: {  	s0 =	simm.s32 $0x1C0;
	[sflag:s29] =	ssyncset.done $0x0  }
0x9f: {  	s6 =	simm.s32 $0x180;
	s1 =	simm.s32 $0x400;
	[sflag:s29] =	ssyncadd.s32 $0xFFFFC000  }
0xa0: {  	[tilespmem:s22], [sflag:$0x2] =	stream.indirect.gather [hbm4b:s2+s19], $0x80, s6, s19, $0xb8;
	[tilespmem:$0x1E800] =	vst v63  }
.LBB2_6:
0xa1: {  	[tilespmem:s24], [sflag:$0x2] =	stream.indirect.gather [hbm4b:s2+s19], $0x80, s0, s19, $0xb8;
	[tilespmem:$0x1E800] =	vst v63  }
0xa2: {  	s0 =	smov.u32 s1  }
0xa3: {  	p0 =	sne.s32 s1, $0x4800;
	s1 =	sadd.s32 $0x400, s1;
	_ =	swait.ge [sflag:s25], $0x4000  }
0xa4: {  	s0 =	sshra.s32 s0, $0x2;
	[sflag:s25] =	ssyncset.done $0x0  }
0xa5: {  	s6 =	sadd.s32 $0x1400, s0;
	[sflag:s25] =	ssyncadd.s32 $0xFFFFC000  }
0xa6: {  	[spmem:s3] =	stream.indirect.scatter.add.f32 [tilespmem:s16], [sflag:$0x3], $0x80, s6, s21, $0xb8;
	[tilespmem:$0x1E800] =	vst v63  }
0xa7: {  	_ =	swait.ge [sflag:s26], $0x4000  }
0xa8: {  	[sflag:s26] =	ssyncset.done $0x0  }
0xa9: {  	s6 =	sadd.s32 $0x1480, s0;
	[sflag:s26] =	ssyncadd.s32 $0xFFFFC000  }
0xaa: {  	[spmem:s3] =	stream.indirect.scatter.add.f32 [tilespmem:s22], [sflag:$0x4], $0x80, s6, s21, $0xb8;
	[tilespmem:$0x1E800] =	vst v63  }
0xab: {  	_ =	swait.ge [sflag:s28], $0x4000  }
0xac: {  	[sflag:s28] =	ssyncset.done $0x0  }
0xad: {  	s6 =	sadd.s32 $0x100, s0;
	[sflag:s28] =	ssyncadd.s32 $0xFFFFC000  }
0xae: {  	[tilespmem:s16], [sflag:$0x1] =	stream.indirect.gather [hbm4b:s2+s19], $0x80, s6, s19, $0xb8;
	[tilespmem:$0x1E800] =	vst v63  }
0xaf: {  	s6 =	sadd.s32 $0x140, s0  }
0xb0: {  	[tilespmem:s20], [sflag:$0x1] =	stream.indirect.gather [hbm4b:s2+s19], $0x80, s6, s19, $0xb8;
	[tilespmem:$0x1E800] =	vst v63  }
.Ltmp2:
0xb1: {  	_ =	swait.ge [sflag:s29], $0x4000;
	(pc) =	sbr.rel @p0 .LBB2_6-.Ltmp2, $4  }
0xb2: {  	[sflag:s29] =	ssyncset.done $0x0  }
0xb3: {  	s6 =	sadd.s32 $0x180, s0;
	[sflag:s29] =	ssyncadd.s32 $0xFFFFC000  }
0xb4: {  	[tilespmem:s22], [sflag:$0x2] =	stream.indirect.gather [hbm4b:s2+s19], $0x80, s6, s19, $0xb8;
	[tilespmem:$0x1E800] =	vst v63  }
0xb5: {  	s0 =	sadd.s32 $0x1C0, s0  }
0xb6: {  	[tilespmem:s24], [sflag:$0x2] =	stream.indirect.gather [hbm4b:s2+s19], $0x80, s0, s19, $0xb8;
	[tilespmem:$0x1E800] =	vst v63  }
0xb7: {  	_ =	swait.ge [sflag:s25], $0x4000  }
0xb8: {  	[sflag:s25] =	ssyncset.done $0x0  }
0xb9: {  	[sflag:s25] =	ssyncadd.s32 $0xFFFFC000  }
0xba: {  	[spmem:s3] =	stream.indirect.scatter.add.f32 [tilespmem:s16], [sflag:$0x3], $0x80, s30, s21, $0xb8;
	[tilespmem:$0x1E800] =	vst v63  }
0xbb: {  	_ =	swait.ge [sflag:s26], $0x4000  }
0xbc: {  	[sflag:s26] =	ssyncset.done $0x0  }
0xbd: {  	[sflag:s26] =	ssyncadd.s32 $0xFFFFC000  }
0xbe: {  	[spmem:s3] =	stream.indirect.scatter.add.f32 [tilespmem:s22], [sflag:$0x4], $0x80, s31, s21, $0xb8;
	[tilespmem:$0x1E800] =	vst v63  }
0xbf: {  	_ =	swait.ge [sflag:s28], $0x4000  }
0xc0: {  	[sflag:s28] =	ssyncset.done $0x0  }
0xc1: {  	[sflag:s28] =	ssyncadd.s32 $0xFFFFC000  }
0xc2: {  	s6 =	stileid.u32;
	_ =	swait.ge [sflag:s29], $0x4000  }
0xc3: {  	s1 =	sshrl.u32 s5, $0x3;
	s4 =	sadd.s32 $0x1, s4;
	[sflag:s29] =	ssyncset.done $0x0  }
0xc4: {  	s0 =	sshll.u32 s6, $0x6;
	p0 =	sne.s32 s4, s11;
	[sflag:s29] =	ssyncadd.s32 $0xFFFFC000  }
.Ltmp3:
0xc5: {  	s0 =	sor.u32 $0x1C05, s0;
	[bflag:$0x0] =	sbarrier.arrive $0xFFFF;
	(pc) =	sbr.rel @p0 .LBB2_1-.Ltmp3, $4  }
0xc6: {  	[hbm:s10], [sflag:s0] =	dma.local [spmem:s1], $0x2800  }
0xc7: {  	_ =	swait.ge [sflag:s17], $0x2800  }
0xc8: {  	[sflag:s17] =	ssyncset.done $0x0  }
0xc9: {  	[sflag:s17] =	ssyncadd.s32 $0xFFFFD800  }
0xca: {  	_ =	sfence.sel $0x180000  }
0xcb: {  	[bflag:$0x0] =	sbarrier.arrive $0xFFFF  }
0xcc: {  	_ =	strace $0x9000004D  }
0xcd: {  	s0 =	stileid.u32;
	[bflag:$0x2] =	sbarrier.arrive $0xFFFF  }
0xce: {  	p0 =	sne.s32 s0, $0x0;
	s0 =	rddreg [dreg:$0x4]  }
0xcf: {  	s0 =	sadd.s32 @!p0 $0x100000, s0  }
0xd0: {  	[sflag:s0] =	ssyncadd.tile.s32 @!p0 $0x1;
	_ =	shalt  }
.Lfunc_end2:
_tile_overlayer_lowered:
.L_overlay_start_2:
0xd1: {  	(tag) =	ssettag $0x2  }
0xd2: {  	s0 =	rddreg [dreg:$0x0];
	s2 =	stileid.u32  }
0xd3: {  	s1 =	rddreg [dreg:$0x1];
	p0 =	sne.s32 s2, $0x0  }
0xd4: {  	s3 =	rddreg [dreg:$0x2];
	[bflag:$0x3] =	sbarrier.arrive $0xFFFF;
	s2 =	simm.s32 @!p0 $0x1C05  }
0xd5: {  	[timem:s3], [sflag:s2] =	dma.local @!p0 [hbm:s0], s1  }
0xd6: {  	s0 =	simm.s32 @!p0 $0x5  }
0xd7: {  	_ =	swait.ge @!p0 [sflag:s0], s1  }
0xd8: {  	s1 =	ssub.s32 @!p0 $0x0, s1;
	[sflag:s0] =	ssyncset.done @!p0 $0x0  }
0xd9: {  	[sflag:s0] =	ssyncadd.s32 @!p0 s1  }
0xda: {  	[bflag:$0x3] =	sbarrier.arrive $0xFFFF  }
0xdb: {  	_ =	shalt  }

// kernel: kernel.8.cloned.1.call-start
scs
__scs_entry_jumppad:
0x0: {  	(pc) =	sbr.rel $0x88, $3  }
0x1: {  	(tag) =	ssettag $0x0;
	lr =	simm.s32 $0x1  }
0x2: {  	[smem:$0x3F99] =	sst lr;
	_ =	strace $0xD0000000  }
0x3: {  	_ = 	snop  }
0x4: {  	_ = 	snop  }
0x5: {  	_ = 	snop  }
0x6: {  	_ = 	snop  }
0x7: {  	_ = 	snop  }
__scs_overlays_trampoline_lowered:
0x8: {  	[smem:$0x3FA8] =	sst s0  }
0x9: {  	[smem:$0x3FA9] =	sst s1  }
0xa: {  	[smem:$0x3FAA] =	sst s2  }
0xb: {  	[smem:$0x3FAB] =	sst s3  }
0xc: {  	[smem:$0x3FAC] =	sst s4  }
0xd: {  	[smem:$0x3FAD] =	sst s5  }
0xe: {  	[smem:$0x3FAE] =	sst s6  }
0xf: {  	[smem:$0x3FAF] =	sst s7  }
0x10: {  	[smem:$0x3FB0] =	sst s8  }
0x11: {  	[smem:$0x3FB1] =	sst s9;
	s0 =	simm.s32 @!p0 $0x0  }
0x12: {  	s1 =	sld [smem:$0x3F97];
	s0 =	simm.s32 @p0 $0x1  }
0x13: {  	[smem:$0x3FB2] =	sst s0;
	s0 =	simm.s32 @!p1 $0x0  }
0x14: {  	s2 =	sld [smem:$0x3F96];
	s0 =	simm.s32 @p1 $0x1  }
0x15: {  	[smem:$0x3FB3] =	sst s0;
	s0 =	simm.s32 @!p2 $0x0  }
0x16: {  	s3 =	sld [smem:$0x3FDB];
	s0 =	simm.s32 @p2 $0x1  }
0x17: {  	s4 =	simm.s32 $0x1BF5;
	[smem:$0x3FB5] =	sst s0  }
0x18: {  	s0 =	sld [smem:$0x3F98];
	_ =	swait.ge [sflag:s4], $0x0  }
0x19: {  	s7 =	sld [smem:$0x3F99]  }
0x1a: {  	s8 =	sadd.s32 $0xFFFFE003, lr  }
0x1b: {  	s9 =	sadd.s32 $0xFFFFFEF7, lr;
	s5 =	simm.s32 $0xFFFFFFFF;
	p2 =	slt.u32 s8, $0xFFFFF086  }
0x1c: {  	p1 =	slt.u32 s9, $0xF7A;
	s5 =	simm.s32 @!p2 $0x0  }
0x1d: {  	s5 =	simm.s32 @p1 $0x1;
	p0 =	seq.s32 s7, s2  }
0x1e: {  	s7 =	smul.u32 @!p0 $0xF7A, s2;
	p2 =	seq.s32 @!p0 s5, $0x0  }
0x1f: {  	s9 =	smul.u32 $0xF7A, s1;
	s8 =	simm.s32 @!p0 $0x1BF5;
	p2 =	por !p2, p0  }
0x20: {  	[sflag:s8] =	ssyncset.s32 @!p0 $0xFFFFF086;
	s6 =	sadd.s32 @!p0 s3, s7;
	s7 =	simm.s32 @!p0 $0x108  }
0x21: {  	s3 =	sadd.s32 s3, s9;
	s6 =	sadd.s32 @!p0 $0x88, s6;
	s7 =	simm.s32 @p2 $0x1082  }
0x22: {  	[simem:s7], [sflag:s8] =	dma.local @!p0 [hbm:s6], $0xF7A  }
0x23: {  	s9 =	sor.u32 $0xD0000000, s2;
	s6 =	simm.s32 $0x108;
	_ =	swait.ge @!p0 [sflag:s8], $0x0  }
0x24: {  	s3 =	sadd.s32 $0x88, s3;
	s6 =	simm.s32 @!p1 $0x1082;
	[sflag:s4] =	ssyncset.s32 $0xFFFFF086  }
0x25: {  	[simem:s6], [sflag:s4] =	dma.local [hbm:s3], $0xF7A  }
0x26: {  	[smem:$0x3F99] =	sst s1;
	(tag) =	ssettag s2;
	_ =	strace s9  }
0x27: {  	s1 =	sld [smem:$0x3FA9]  }
0x28: {  	s2 =	sld [smem:$0x3FAA]  }
0x29: {  	s4 =	sld [smem:$0x3FAC]  }
0x2a: {  	p0 =	seq.s32 s5, $0x0;
	s5 =	sld [smem:$0x3FAD]  }
0x2b: {  	s6 =	sld [smem:$0x3FAE]  }
0x2c: {  	s7 =	sld [smem:$0x3FAF]  }
0x2d: {  	s3 =	simm.s32 $0x108;
	s8 =	sld [smem:$0x3FB0]  }
0x2e: {  	s3 =	simm.s32 @!p0 $0x1082;
	s9 =	sld [smem:$0x3FB1]  }
0x2f: {  	lr =	sadd.s32 s0, s3;
	s0 =	sld [smem:$0x3FA8]  }
0x30: {  	s3 =	sld [smem:$0x3FAB]  }
0x31: {  	[smem:$0x3FB4] =	sst s10  }
0x32: {  	s10 =	sld [smem:$0x3FB2];
	_ =	sdelay $0x3  }
0x33: {  	p0 =	seq.s32 s10, $0x1;
	s10 =	sld [smem:$0x3FB4];
	_ =	sdelay $0x3  }
0x34: {  	[smem:$0x3FB4] =	sst s10  }
0x35: {  	s10 =	sld [smem:$0x3FB3];
	_ =	sdelay $0x3  }
0x36: {  	p1 =	seq.s32 s10, $0x1;
	s10 =	sld [smem:$0x3FB4];
	_ =	sdelay $0x3  }
0x37: {  	[smem:$0x3FB4] =	sst s10  }
0x38: {  	s10 =	sld [smem:$0x3FB5]  }
0x39: {  	_ = 	snop;
	(pc) =	sbr.ind lr, $3  }
0x3a: {  	_ = 	snop  }
0x3b: {  	_ = 	snop  }
0x3c: {  	p2 =	seq.s32 s10, $0x1;
	s10 =	sld [smem:$0x3FB4]  }
0x3d: {  	_ =	shalt  }
0x3e: {  	_ =	shalt  }
0x3f: {  	_ =	shalt  }
0x40: {  	_ =	shalt  }
0x41: {  	_ =	shalt  }
0x42: {  	_ =	shalt  }
0x43: {  	_ =	shalt  }
0x44: {  	_ =	shalt  }
0x45: {  	_ =	shalt  }
0x46: {  	_ =	shalt  }
0x47: {  	_ =	shalt  }
0x48: {  	_ =	shalt  }
0x49: {  	_ =	shalt  }
0x4a: {  	_ =	shalt  }
0x4b: {  	_ =	shalt  }
0x4c: {  	_ =	shalt  }
0x4d: {  	_ =	shalt  }
0x4e: {  	_ =	shalt  }
0x4f: {  	_ =	shalt  }
0x50: {  	_ =	shalt  }
0x51: {  	_ =	shalt  }
0x52: {  	_ =	shalt  }
0x53: {  	_ =	shalt  }
0x54: {  	_ =	shalt  }
0x55: {  	_ =	shalt  }
0x56: {  	_ =	shalt  }
0x57: {  	_ =	shalt  }
0x58: {  	_ =	shalt  }
0x59: {  	_ =	shalt  }
0x5a: {  	_ =	shalt  }
0x5b: {  	_ =	shalt  }
0x5c: {  	_ =	shalt  }
0x5d: {  	_ =	shalt  }
0x5e: {  	_ =	shalt  }
0x5f: {  	_ =	shalt  }
0x60: {  	_ =	shalt  }
0x61: {  	_ =	shalt  }
0x62: {  	_ =	shalt  }
0x63: {  	_ =	shalt  }
0x64: {  	_ =	shalt  }
0x65: {  	_ =	shalt  }
0x66: {  	_ =	shalt  }
0x67: {  	_ =	shalt  }
0x68: {  	_ =	shalt  }
0x69: {  	_ =	shalt  }
0x6a: {  	_ =	shalt  }
0x6b: {  	_ =	shalt  }
0x6c: {  	_ =	shalt  }
0x6d: {  	_ =	shalt  }
0x6e: {  	_ =	shalt  }
0x6f: {  	_ =	shalt  }
0x70: {  	_ =	shalt  }
0x71: {  	_ =	shalt  }
0x72: {  	_ =	shalt  }
0x73: {  	_ =	shalt  }
0x74: {  	_ =	shalt  }
0x75: {  	_ =	shalt  }
0x76: {  	_ =	shalt  }
0x77: {  	_ =	shalt  }
0x78: {  	_ =	shalt  }
0x79: {  	_ =	shalt  }
0x7a: {  	_ =	shalt  }
0x7b: {  	_ =	shalt  }
0x7c: {  	_ =	shalt  }
0x7d: {  	_ =	shalt  }
0x7e: {  	_ =	shalt  }
0x7f: {  	_ =	shalt  }
0x80: {  	_ =	shalt  }
0x81: {  	_ =	shalt  }
0x82: {  	_ =	shalt  }
0x83: {  	_ =	shalt  }
0x84: {  	_ =	shalt  }
0x85: {  	_ =	shalt  }
0x86: {  	_ =	shalt  }
0x87: {  	_ =	shalt  }
.Lfunc_end0:
.L_simem_size_0:
called_computation_lowered:
.L_overlay_start_0:
0x88: {  	s2 =	sld [smem:$0x3FD9]  }
0x89: {  	s3 =	sld [smem:$0x3FFE];
	_ =	sdelay $0x1  }
0x8a: {  	s1 =	srdreg.scid  }
0x8b: {  	s0 =	sand.u32 $0x1, s1  }
0x8c: {  	s16 =	sshll.u32 s0, $0xA;
	s2 =	sadd.s32 s3, s2  }
0x8d: {  	s2 =	sadd.s32 s2, s16  }
0x8e: {  	[smem:$0x3FC0] =	sst s2  }
0x8f: {  	_ = 	snop  }
0x90: {  	(tm) =	ssettm $0x1  }
0x91: {  	s17 =	sld [smem:$0x3FFB];
	_ =	sdelay $0x3  }
0x92: {  	_ =	strace s17  }
0x93: {  	s2 =	sld [smem:$0x3FFC];
	_ =	sdelay $0x3  }
0x94: {  	_ =	strace s2  }
0x95: {  	s2 =	sld [smem:$0x3FFD];
	_ =	sdelay $0x3  }
0x96: {  	_ =	strace s2  }
0x97: {  	_ =	strace $0x8FFFFFFF  }
0x98: {  	s18 =	sld [smem:$0x3FDB];
	_ =	sdelay $0x1  }
0x99: {  	s19 =	simm.s32 $_scs_section_size  }
0x9a: {  	s4 =	simm.s32 $_size__tile_overlayer_lowered;
	s5 =	simm.s32 $_tile_overlayer_lowered  }
0x9b: {  	s22 =	simm.s32 $0x1BFF;
	s21 =	sshll.u32 s5, $0x1;
	s2 =	sadd.s32 s19, s18  }
0x9c: {  	s6 =	simm.s32 $0x0;
	s20 =	sshll.u32 s4, $0x1;
	s4 =	sadd.s32 s21, s2  }
0x9d: {  	[timem:s6], [sflag:s22] =	dma.local [hbm:s4], s20  }
0x9e: {  	_ =	swait.ge [sflag:s22], s20  }
0x9f: {  	s3 =	ssub.s32 $0x0, s20;
	[sflag:s22] =	ssyncset.done $0x0  }
0xa0: {  	[sflag:s22] =	ssyncadd.s32 s3;
	_ =	sdelay $0x1  }
0xa1: {  	s23 =	simm.s32 $0x1B8B  }
0xa2: {  	_ =	swait.ge [sflag:s23], $0x1  }
0xa3: {  	[sflag:s23] =	ssyncset.done $0x0  }
0xa4: {  	s25 =	simm.s32 $0x1B8E;
	s24 =	sld [smem:$0x3FFE];
	[sflag:s23] =	ssyncadd.s32 $0xFFFFFFFF  }
0xa5: {  	s26 =	simm.s32 $execute0_lowered;
	[smem:$0x3FD2] =	sst s25  }
0xa6: {  	s4 =	sshll.u32 s26, $0x1;
	_ =	strace $0x80000046;
	[dreg:$0x1] =	wrdreg $0xFFFFFFFF  }
0xa7: {  	s28 =	simm.s32 $_size_execute0_lowered;
	s2 =	sadd.s32 s2, s4;
	[dreg:$0x0] =	wrdreg $0x0  }
0xa8: {  	s4 =	sshll.u32 s28, $0x1;
	[dreg:$0x2] =	wrdreg s2  }
0xa9: {  	[dreg:$0x3] =	wrdreg s4  }
0xaa: {  	[dreg:$0x4] =	wrdreg $0xC0  }
0xab: {  	_ =	task [dreg:s6], $0x5FFFF  }
0xac: {  	[dreg:$0x1] =	wrdreg $0xFFFFFFFF  }
0xad: {  	[dreg:$0x0] =	wrdreg $0x60  }
0xae: {  	[dreg:$0x2] =	wrdreg s24  }
0xaf: {  	[dreg:$0x3] =	wrdreg $0x68000  }
0xb0: {  	[dreg:$0x4] =	wrdreg $0x9  }
0xb1: {  	_ =	task.clear_ibuf [dreg:s6], $0x5FFFF;
	_ =	strace $0x90000046  }
0xb2: {  	s29 =	simm.s32 $0x9;
	_ =	strace $0x80000048  }
0xb3: {  	_ =	swait.ge [sflag:s29], $0x1  }
0xb4: {  	[sflag:s29] =	ssyncadd.s32 $0xFFFFFFFF  }
0xb5: {  	_ =	strace $0x90000048  }
0xb6: {  	_ =	sfence  }
0xb7: {  	s30 =	sld [smem:$0x0];
	_ =	sdelay $0x2  }
0xb8: {  	s31 =	sshll.u32 s1, $0xD;
	s1 =	sshrl.u32 s1, $0x2  }
0xb9: {  	s3 =	sand.u32 $0x4000, s31;
	s1 =	sadd.s32 s1, s30  }
0xba: {  	s0 =	sor.u32 s3, s0;
	s1 =	sshll.u32 s1, $0x11  }
0xbb: {  	s0 =	sor.u32 s1, s0  }
0xbc: {  	s0 =	sadd.s32 $0x8F2B, s0  }
0xbd: {  	[sflag:s0] =	ssyncadd.remote.s32 $0x1  }
0xbe: {  	_ =	sfence.sel $0xFFFF  }
0xbf: {  	[dreg:$0x0] =	wrdreg $0xFFFFFFFF;
	(pc) =	sbr.abs _section_cstart, $3  }
0xc0: {  	[dreg:$0x1] =	wrdreg $0xFFFFFFFF  }
0xc1: {  	_ =	task.clear_ibuf [dreg:s6], $0x2FFFF;
	_ =	strace $0x9FFFFFFF  }
0xc2: {  	(tm) =	ssettm $0x7FFFFFFF  }
0xc3: {  	_ =	shalt  }
tec
execute0_lowered:
.L_overlay_start_1:
0x0: {  	(tag) =	ssettag $0x1  }
0x1: {  	s0 =	srdreg.scid;
	s5 =	rddreg [dreg:$0x0]  }
0x2: {  	s2 =	rddreg [dreg:$0x1];
	s3 =	simm.s32 $0x0;
	s4 =	sand.u32 $0x1, s0  }
0x3: {  	s13 =	simm.s32 $0x2;
	s0 =	stileid.u32;
	s7 =	smul.u32 $0x140000, s4  }
0x4: {  	s14 =	simm.s32 $0x80;
	s15 =	simm.s32 $0x1;
	s8 =	smul.u32 $0x14000, s0  }
0x5: {  	[smem:$0x7FF] =	sst s3;
	s1 =	sshll.u32 s4, $0x4;
	s9 =	smul.u32 $0x50000, s0  }
0x6: {  	s29 =	ssub.s32 $0x2, s4;
	s16 =	sshll.u32 s0, $0x6;
	s1 =	sor.u32 s0, s1  }
0x7: {  	s31 =	sshrl.u32 s29, $0x1;
	s16 =	sor.u32 $0x1C02, s16;
	s6 =	smul.u32 $0x500, s1  }
0x8: {  	s1 =	rddreg [dreg:$0x2];
	_ =	strace $0x80000047;
	s30 =	sshrl.u32 s9, $0x2  }
0x9: {  	s28 =	sadd.s32 s8, s7;
	s12 =	ssub.s32 s29, s31;
	s4 =	sadd.s32 s30, s2  }
0xa: {  	s10 =	sadd.s32 s6, s5;
	s6 =	sshrl.u32 s28, $0x3;
	s7 =	sadd.s32 $0xC000, s4  }
0xb: {  	s8 =	sadd.s32 $0x10000, s4;
	s17 =	sshrl.u32 s4, $0x3;
	s11 =	sadd.s32 s6, s5  }
0xc: {  	s5 =	sadd.s32 $0x4000, s4;
	s6 =	sadd.s32 $0x8000, s4;
	s9 =	sadd.s32 $0x3A00, s10  }
0xd: {  	v0 =	vimm.f32 $0.0e+00;
	v1 =	vimm.f32 $1.000000000e+00;
	s10 =	sadd.s32 $0xDA00, s11;
	s11 =	smax.u32 s12, $0x1;
	s12 =	simm.s32 $0x2800  }
.LBB2_1:
0xe: {  	s18 =	simm.s32 $0x0;
	s19 =	simm.s32 $0x200  }
.LBB2_2:
0xf: {  	p0 =	sne.s32 s19, $0xFE00;
	[tilespmem:s18+$0x2870] =	vst v0  }
0x10: {  	[tilespmem:s18+$0x2800] =	vst v0  }
0x11: {  	[tilespmem:s18+$0x2810] =	vst v0  }
.Ltmp0:
0x12: {  	[tilespmem:s18+$0x2820] =	vst v0;
	(pc) =	sbr.rel @p0 .LBB2_2-.Ltmp0, $4  }
0x13: {  	[tilespmem:s18+$0x2830] =	vst v0  }
0x14: {  	[tilespmem:s18+$0x2840] =	vst v0  }
0x15: {  	[tilespmem:s18+$0x2850] =	vst v0  }
0x16: {  	[tilespmem:s18+$0x2860] =	vst v0;
	s18 =	sshra.s32 s19, $0x2;
	s19 =	sadd.s32 $0x200, s19  }
0x17: {  	[tilespmem:s18+$0x2870] =	vst v0  }
0x18: {  	[tilespmem:s18+$0x2800] =	vst v0  }
0x19: {  	[tilespmem:s18+$0x2810] =	vst v0  }
0x1a: {  	[tilespmem:s18+$0x2820] =	vst v0  }
0x1b: {  	[tilespmem:s18+$0x2830] =	vst v0  }
0x1c: {  	[tilespmem:s18+$0x2840] =	vst v0  }
0x1d: {  	[tilespmem:s18+$0x2850] =	vst v0  }
0x1e: {  	[tilespmem:s18+$0x2860] =	vst v0  }
0x1f: {  	[spmem:s4] =	stream.linear.scatter [tilespmem:s12], [sflag:$0x2], $0x4000, $0x38;
	[tilespmem:$0x1A800] =	vst v63  }
0x20: {  	_ =	swait.ge [sflag:s13], $0x4000  }
0x21: {  	[sflag:s13] =	ssyncset.done $0x0  }
0x22: {  	[sflag:s13] =	ssyncadd.s32 $0xFFFFC000  }
0x23: {  	[spmem:s5] =	stream.linear.scatter [tilespmem:s12], [sflag:$0x2], $0x4000, $0x38;
	[tilespmem:$0x1A800] =	vst v63  }
0x24: {  	_ =	swait.ge [sflag:s13], $0x4000  }
0x25: {  	[sflag:s13] =	ssyncset.done $0x0  }
0x26: {  	[sflag:s13] =	ssyncadd.s32 $0xFFFFC000  }
0x27: {  	[spmem:s6] =	stream.linear.scatter [tilespmem:s12], [sflag:$0x2], $0x4000, $0x38;
	[tilespmem:$0x1A800] =	vst v63  }
0x28: {  	_ =	swait.ge [sflag:s13], $0x4000  }
0x29: {  	[sflag:s13] =	ssyncset.done $0x0  }
0x2a: {  	[sflag:s13] =	ssyncadd.s32 $0xFFFFC000  }
0x2b: {  	[spmem:s7] =	stream.linear.scatter [tilespmem:s12], [sflag:$0x2], $0x4000, $0x38;
	[tilespmem:$0x1A800] =	vst v63  }
0x2c: {  	_ =	swait.ge [sflag:s13], $0x4000  }
0x2d: {  	[sflag:s13] =	ssyncset.done $0x0  }
0x2e: {  	[sflag:s13] =	ssyncadd.s32 $0xFFFFC000  }
0x2f: {  	[spmem:s8] =	stream.linear.scatter [tilespmem:s12], [sflag:$0x2], $0x4000, $0x38;
	[tilespmem:$0x1A800] =	vst v63  }
0x30: {  	_ =	swait.ge [sflag:s13], $0x4000  }
0x31: {  	[sflag:s13] =	ssyncset.done $0x0  }
0x32: {  	s18 =	simm.s32 $0x0;
	s19 =	simm.s32 $0x200;
	[sflag:s13] =	ssyncadd.s32 $0xFFFFC000  }
.LBB2_4:
0x33: {  	p0 =	sne.s32 s19, $0xFE00;
	[tilespmem:s18+$0x2870] =	vst v1  }
0x34: {  	[tilespmem:s18+$0x2800] =	vst v1  }
0x35: {  	[tilespmem:s18+$0x2810] =	vst v1  }
.Ltmp1:
0x36: {  	[tilespmem:s18+$0x2820] =	vst v1;
	(pc) =	sbr.rel @p0 .LBB2_4-.Ltmp1, $4  }
0x37: {  	[tilespmem:s18+$0x2830] =	vst v1  }
0x38: {  	[tilespmem:s18+$0x2840] =	vst v1  }
0x39: {  	[tilespmem:s18+$0x2850] =	vst v1  }
0x3a: {  	[tilespmem:s18+$0x2860] =	vst v1;
	s18 =	sshra.s32 s19, $0x2;
	s19 =	sadd.s32 $0x200, s19  }
0x3b: {  	[tilespmem:s18+$0x2870] =	vst v1  }
0x3c: {  	[tilespmem:s18+$0x2800] =	vst v1  }
0x3d: {  	[tilespmem:s18+$0x2810] =	vst v1  }
0x3e: {  	[tilespmem:s18+$0x2820] =	vst v1  }
0x3f: {  	[tilespmem:s18+$0x2830] =	vst v1  }
0x40: {  	[tilespmem:s18+$0x2840] =	vst v1  }
0x41: {  	[tilespmem:s18+$0x2850] =	vst v1  }
0x42: {  	[tilespmem:s18+$0x2860] =	vst v1  }
0x43: {  	s18 =	simm.s32 $0x0;
	[bflag:$0x0] =	sbarrier.arrive $0xFFFF  }
0x44: {  	[tilespmem:s18], [sflag:$0x2] =	stream.linear.gather [hbm4b:s9+s18], $0x2800, $0x38;
	[tilespmem:$0x1A800] =	vst v63  }
0x45: {  	_ =	swait.ge [sflag:s13], $0x2800  }
0x46: {  	p0 =	por $0x1, $0x1;
	[sflag:s13] =	ssyncset.done $0x0  }
0x47: {  	s20 =	simm.s32 @!p0 $0x1;
	[sflag:s13] =	ssyncadd.s32 $0xFFFFD800  }
0x48: {  	[spmem:s2] =	stream.indirect.scatter.add.f32 [tilespmem:s12], [sflag:$0x1], $0x80, s18, s14, $0xb8;
	[tilespmem:$0x1A800] =	vst v63  }
0x49: {  	_ =	swait.ge @!p0 [sflag:s20], $0x4000  }
0x4a: {  	s19 =	simm.s32 $0x1;
	[sflag:s20] =	ssyncset.done @!p0 $0x0  }
.LBB2_6:
0x4b: {  	[sflag:s20] =	ssyncadd.s32 @!p0 $0xFFFFC000  }
0x4c: {  	s18 =	sadd.s32 $0x80, s18;
	s20 =	smov.u32 s19;
	s19 =	sadd.s32 $0x1, s19  }
0x4d: {  	p1 =	sne.s32 s19, $0x50  }
0x4e: {  	[spmem:s2] =	stream.indirect.scatter.add.f32 [tilespmem:s12], [sflag:$0x1], $0x80, s18, s14, $0xb8;
	[tilespmem:$0x1A800] =	vst v63  }
.Ltmp2:
0x4f: {  	_ = 	snop;
	(pc) =	sbr.rel @p1 .LBB2_6-.Ltmp2, $4  }
0x50: {  	p0 =	slt.u32 s20, $0x8  }
0x51: {  	s20 =	simm.s32 @!p0 $0x1  }
0x52: {  	_ =	swait.ge @!p0 [sflag:s20], $0x4000  }
0x53: {  	[sflag:s20] =	ssyncset.done @!p0 $0x0  }
0x54: {  	[sflag:s20] =	ssyncadd.s32 @!p0 $0xFFFFC000  }
0x55: {  	_ =	swait.ge [sflag:s15], $0x4000  }
0x56: {  	[sflag:s15] =	ssyncset.done $0x0  }
0x57: {  	[sflag:s15] =	ssyncadd.s32 $0xFFFFC000  }
0x58: {  	_ =	swait.ge [sflag:s15], $0x4000  }
0x59: {  	[sflag:s15] =	ssyncset.done $0x0  }
0x5a: {  	[sflag:s15] =	ssyncadd.s32 $0xFFFFC000  }
0x5b: {  	_ =	swait.ge [sflag:s15], $0x4000  }
0x5c: {  	[sflag:s15] =	ssyncset.done $0x0  }
0x5d: {  	[sflag:s15] =	ssyncadd.s32 $0xFFFFC000  }
0x5e: {  	_ =	swait.ge [sflag:s15], $0x4000  }
0x5f: {  	[sflag:s15] =	ssyncset.done $0x0  }
0x60: {  	[sflag:s15] =	ssyncadd.s32 $0xFFFFC000  }
0x61: {  	_ =	swait.ge [sflag:s15], $0x4000  }
0x62: {  	[sflag:s15] =	ssyncset.done $0x0  }
0x63: {  	[sflag:s15] =	ssyncadd.s32 $0xFFFFC000  }
0x64: {  	_ =	swait.ge [sflag:s15], $0x4000  }
0x65: {  	[sflag:s15] =	ssyncset.done $0x0  }
0x66: {  	[sflag:s15] =	ssyncadd.s32 $0xFFFFC000  }
0x67: {  	_ =	swait.ge [sflag:s15], $0x4000  }
0x68: {  	[sflag:s15] =	ssyncset.done $0x0  }
0x69: {  	[sflag:s15] =	ssyncadd.s32 $0xFFFFC000  }
0x6a: {  	_ =	swait.ge [sflag:s15], $0x4000  }
0x6b: {  	s3 =	sadd.s32 $0x1, s3;
	[sflag:s15] =	ssyncset.done $0x0  }
0x6c: {  	p0 =	sne.s32 s3, s11;
	[sflag:s15] =	ssyncadd.s32 $0xFFFFC000  }
.Ltmp3:
0x6d: {  	[bflag:$0x0] =	sbarrier.arrive $0xFFFF;
	(pc) =	sbr.rel @p0 .LBB2_1-.Ltmp3, $4  }
0x6e: {  	[hbm:s10], [sflag:s16] =	dma.local [spmem:s17], $0x2800  }
0x6f: {  	_ =	swait.ge [sflag:s13], $0x2800  }
0x70: {  	[sflag:s13] =	ssyncset.done $0x0  }
0x71: {  	[sflag:s13] =	ssyncadd.s32 $0xFFFFD800  }
0x72: {  	_ =	sfence.sel $0x180000  }
0x73: {  	[bflag:$0x0] =	sbarrier.arrive $0xFFFF  }
0x74: {  	p0 =	sne.s32 s0, $0x0;
	_ =	strace $0x90000047  }
0x75: {  	s0 =	sadd.s32 @!p0 $0x100000, s1;
	[bflag:$0x2] =	sbarrier.arrive $0xFFFF  }
0x76: {  	[sflag:s0] =	ssyncadd.tile.s32 @!p0 $0x1;
	_ =	shalt  }
.Lfunc_end2:
_tile_overlayer_lowered:
.L_overlay_start_2:
0x77: {  	(tag) =	ssettag $0x2  }
0x78: {  	s0 =	rddreg [dreg:$0x0];
	s2 =	stileid.u32  }
0x79: {  	s1 =	rddreg [dreg:$0x1];
	p0 =	sne.s32 s2, $0x0  }
0x7a: {  	s3 =	rddreg [dreg:$0x2];
	[bflag:$0x3] =	sbarrier.arrive $0xFFFF;
	s2 =	simm.s32 @!p0 $0x1C02  }
0x7b: {  	[timem:s3], [sflag:s2] =	dma.local @!p0 [hbm:s0], s1  }
0x7c: {  	s0 =	simm.s32 @!p0 $0x2  }
0x7d: {  	_ =	swait.ge @!p0 [sflag:s0], s1  }
0x7e: {  	s1 =	ssub.s32 @!p0 $0x0, s1;
	[sflag:s0] =	ssyncset.done @!p0 $0x0  }
0x7f: {  	[sflag:s0] =	ssyncadd.s32 @!p0 s1  }
0x80: {  	[bflag:$0x3] =	sbarrier.arrive $0xFFFF  }
0x81: {  	_ =	shalt  }

</sc_bundles>
